<compile_context>
chip_gen: v7x
topology: tpu7x:2x2x1
jax: 0.10.2.dev20260603
libtpu: 0.0.44.dev20260713+nightly
codegen_flags: <defaults>
</compile_context>

<pallas_src>
import functools

import jax
import jax.numpy as jnp
from jax import lax
from jax.experimental import pallas as pl
from jax.experimental.pallas import tpu as pltpu
from jax.experimental.pallas import tpu_sc as plsc

_NC = 2
_NS = 16
_NW = _NC * _NS

_K = 128
_NB = 3
_FRAC0 = 0.20


def _sc_edge_aggregate(h, src_f, dst_f, zrows, nch0, nch1):
    N, D = h.shape
    assert nch0 % _NB == _NB - 1 and nch1 % _NB == _NB - 1
    assert _NS * (nch0 + nch1) * _K == src_f.shape[0]
    nchmax = max(nch0, nch1)
    na = N + 8
    rpt = (N // _NS) // 8 * 8
    tail = N - _NS * rpt

    mesh = plsc.VectorSubcoreMesh(
        core_axis_name="c", subcore_axis_name="s",
        num_cores=_NC, num_subcores=_NS)

    @functools.partial(
        pl.kernel,
        out_type=jax.ShapeDtypeStruct((_NC * N, D), jnp.float32),
        mesh=mesh,
        scratch_types=[
            pltpu.VMEM_SHARED((na, D), jnp.float32),
            pltpu.VMEM((_NB, _K, D), jnp.float32),
            [pltpu.VMEM((_K,), jnp.int32)] * _NB,
            [pltpu.VMEM((_K,), jnp.int32)] * _NB,
            [pltpu.SemaphoreType.DMA] * _NB,
            [pltpu.SemaphoreType.DMA] * _NB,
            [pltpu.SemaphoreType.DMA] * _NB,
        ],
    )
    def body(h_hbm, src_hbm, dst_hbm, z_hbm, out_hbm,
             acc, rows, sidx, didx, isem, gsem, ssem):
        cid = lax.axis_index("c")
        sid = lax.axis_index("s")
        mynch = jnp.where(cid == 0, nch0, nch1)
        ebase = jnp.where(cid == 0, sid * nch0,
                          _NS * nch0 + sid * nch1) * _K

        pltpu.sync_copy(z_hbm, acc.at[pl.ds(sid * rpt, rpt)])
        if tail:
            @pl.when(sid == _NS - 1)
            def _():
                pltpu.sync_copy(z_hbm.at[pl.ds(0, tail)],
                                acc.at[pl.ds(_NS * rpt, tail)])
        plsc.subcore_barrier()

        def issue_idx(j, p):
            pltpu.async_copy(src_hbm.at[pl.ds(ebase + j * _K, _K)],
                             sidx[p], isem[p])
            pltpu.async_copy(dst_hbm.at[pl.ds(ebase + j * _K, _K)],
                             didx[p], isem[p])

        def wait_idx(p):
            pltpu.make_async_copy(src_hbm.at[pl.ds(ebase, _K)],
                                  sidx[p], isem[p]).wait()
            pltpu.make_async_copy(dst_hbm.at[pl.ds(ebase, _K)],
                                  didx[p], isem[p]).wait()

        def issue_gather(p):
            pltpu.async_copy(h_hbm.at[sidx[p]], rows.at[p], gsem[p])

        def wait_gather(p):
            pltpu.make_async_copy(h_hbm.at[sidx[p]], rows.at[p],
                                  gsem[p]).wait()

        def issue_scatter(p):
            pltpu.async_copy(rows.at[p], acc.at[didx[p]], ssem[p],
                             add=True)

        def wait_scatter(p):
            pltpu.make_async_copy(rows.at[p], acc.at[didx[p]],
                                  ssem[p]).wait()

        def stage(j, p):
            pm = (p - 1) % _NB

            @pl.when(jnp.logical_and(j >= _NB, j < mynch))
            def _():
                wait_scatter(p)

            @pl.when(j < mynch)
            def _():
                issue_idx(j, p)

            @pl.when(jnp.logical_and(j >= 1, j <= mynch))
            def _():
                wait_gather(pm)
                issue_scatter(pm)

            @pl.when(j < mynch)
            def _():
                wait_idx(p)
                issue_gather(p)

        @pl.loop(0, nchmax + 1, step=_NB)
        def _(j0):
            for k in range(_NB):
                stage(j0 + k, k)

        for p in range(_NB):
            wait_scatter(p)

        plsc.subcore_barrier()
        pltpu.sync_copy(acc.at[pl.ds(sid * rpt, rpt)],
                        out_hbm.at[pl.ds(cid * N + sid * rpt, rpt)])
        if tail:
            @pl.when(sid == _NS - 1)
            def _():
                pltpu.sync_copy(acc.at[pl.ds(_NS * rpt, tail)],
                                out_hbm.at[pl.ds(cid * N + _NS * rpt, tail)])

    return body(h, src_f, dst_f, zrows)


def _dense_update(mp, h, wts, biases, bn):
    N, D = h.shape
    nblk = N // bn

    def body(mp0_ref, mp1_ref, h_ref,
             wa_ref, wzm_ref, wzs_ref, wrm_ref, wrs_ref,
             whm_ref, whs_ref, whg_ref, whl_ref,
             bz_ref, br_ref, bh_ref, bhg_ref, bhl_ref, out_ref):
        hb = h_ref[...]
        agg = mp0_ref[...] + mp1_ref[...] + hb
        dot = functools.partial(jnp.dot, preferred_element_type=jnp.float32)
        m = dot(agg, wa_ref[...])
        z = jax.nn.sigmoid(dot(m, wzm_ref[...]) + dot(hb, wzs_ref[...])
                           + bz_ref[...])
        r = jax.nn.sigmoid(dot(m, wrm_ref[...]) + dot(hb, wrs_ref[...])
                           + br_ref[...])
        cand = dot(m, whm_ref[...]) + dot(r * hb, whs_ref[...]) + bh_ref[...]
        gate = jax.nn.sigmoid(dot(cand, whg_ref[...]) + bhg_ref[...])
        h_tilde = (dot(cand, whl_ref[...]) + bhl_ref[...]) * gate
        out_ref[...] = z * h_tilde + (1.0 - z) * hb

    row = lambda off: pl.BlockSpec((bn, D), lambda i, o=off: (i + o, 0))
    whole = lambda shp: pl.BlockSpec(shp, lambda i: (0, 0))
    return pl.pallas_call(
        body,
        grid=(nblk,),
        in_specs=[row(0), row(nblk), row(0)]
        + [whole((D, D))] * 9
        + [whole((1, D))] * 5,
        out_specs=row(0),
        out_shape=jax.ShapeDtypeStruct((N, D), jnp.float32),
    )(mp, mp, h, *wts, *biases)


def _head(h, batch2, wag, bag, wae, bae, wm1x, wm1m, bm1, wm2, bm2, G, C, bn):
    N, D = h.shape
    nblk = N // bn

    def body(h_ref, b_ref, wag_ref, bag_ref, wae_ref, bae_ref,
             wm1x_ref, wm1m_ref, bm1_ref, wm2_ref, bm2_ref, out_ref,
             smax, ssum, scnt):
        i = pl.program_id(0)

        @pl.when(i == 0)
        def _():
            smax[...] = jnp.full((G, D), -jnp.inf, jnp.float32)
            ssum[...] = jnp.zeros((G, D), jnp.float32)
            scnt[...] = jnp.zeros((G, 1), jnp.float32)

        hb = h_ref[...]
        att = jax.nn.sigmoid(
            jnp.sum(hb * wag_ref[...], axis=1, keepdims=True)
            + bag_ref[0, 0])
        xh = jax.nn.relu(
            jnp.dot(hb * att, wae_ref[...],
                    preferred_element_type=jnp.float32) + bae_ref[...])

        ids = b_ref[...]
        ids_row = ids.reshape(1, bn)
        onehot_t = (lax.broadcasted_iota(jnp.int32, (G, bn), 0)
                    == ids_row).astype(jnp.float32)
        ssum[...] += jnp.dot(onehot_t, xh,
                             preferred_element_type=jnp.float32)
        scnt[...] += jnp.sum(onehot_t, axis=1, keepdims=True)

        lo = ids[0, 0]
        hi = ids[bn - 1, 0]

        def gbody(g, _):
            col = jnp.max(jnp.where(ids == g, xh, -jnp.inf),
                          axis=0, keepdims=True)
            smax[pl.ds(g, 1), :] = jnp.maximum(smax[pl.ds(g, 1), :], col)
            return 0

        lax.fori_loop(lo, hi + 1, gbody, 0)

        @pl.when(i == nblk - 1)
        def _():
            xmax = smax[...]
            xmean = ssum[...] / jnp.maximum(scnt[...], 1.0)
            hid = jax.nn.relu(
                jnp.dot(xmax, wm1x_ref[...],
                        preferred_element_type=jnp.float32)
                + jnp.dot(xmean, wm1m_ref[...],
                          preferred_element_type=jnp.float32)
                + bm1_ref[...])
            out_ref[...] = (jnp.dot(hid, wm2_ref[...],
                                    preferred_element_type=jnp.float32)
                            + bm2_ref[...])

    whole = lambda shp: pl.BlockSpec(shp, lambda i: (0, 0))
    return pl.pallas_call(
        body,
        grid=(nblk,),
        in_specs=[
            pl.BlockSpec((bn, D), lambda i: (i, 0)),
            pl.BlockSpec((bn, 1), lambda i: (i, 0)),
            whole((1, D)), whole((1, 1)), whole((D, D)), whole((1, D)),
            whole((D, D)), whole((D, D)), whole((1, D)),
            whole((D, C)), whole((1, C)),
        ],
        out_specs=whole((G, C)),
        out_shape=jax.ShapeDtypeStruct((G, C), jnp.float32),
        scratch_shapes=[
            pltpu.VMEM((G, D), jnp.float32),
            pltpu.VMEM((G, D), jnp.float32),
            pltpu.VMEM((G, 1), jnp.float32),
        ],
    )(h, batch2, wag, bag, wae, bae, wm1x, wm1m, bm1, wm2, bm2)


def kernel(x, edge_index, batch, params):
    p = params
    N, D = x.shape
    E = edge_index.shape[1]
    G = 64
    C = p['W_m2'].shape[0]
    L = 3

    nct = -(-E // (_NS * _K))
    nch0 = int(_FRAC0 * nct + 0.5)
    while nch0 % _NB != _NB - 1:
        nch0 += 1
    nch1 = nct - nch0
    while nch1 % _NB != _NB - 1:
        nch1 += 1
    epad = _NS * (nch0 + nch1) * _K - E
    src = edge_index[0].astype(jnp.int32)
    dst = edge_index[1].astype(jnp.int32)
    src_f = jnp.concatenate([src, jnp.zeros((epad,), jnp.int32)])
    dst_f = jnp.concatenate([dst, jnp.full((epad,), N, jnp.int32)])
    zrows = jnp.zeros(((N // _NS) // 8 * 8, D), jnp.float32)

    wts = tuple(p[k].T for k in
                ('W_a', 'W_zm', 'W_zs', 'W_rm', 'W_rs',
                 'W_hm', 'W_hs', 'W_hg', 'W_hl'))
    biases = (
        (p['b_zm'] + p['b_zs'] + p['bias_z']).reshape(1, D),
        (p['b_rm'] + p['b_rs'] + p['bias_r']).reshape(1, D),
        (p['b_hm'] + p['b_hs'] + p['bias_h']).reshape(1, D),
        p['b_hg'].reshape(1, D),
        p['b_hl'].reshape(1, D),
    )

    h = x
    for _ in range(L):
        mp = _sc_edge_aggregate(h, src_f, dst_f, zrows, nch0, nch1)
        h = _dense_update(mp, h, wts, biases, bn=1000)

    batch2 = batch.astype(jnp.int32).reshape(N, 1)
    return _head(
        h, batch2,
        p['W_ag'].reshape(1, D), p['b_ag'].reshape(1, 1),
        p['W_ae'].T, p['b_ae'].reshape(1, D),
        p['W_m1'][:, :D].T, p['W_m1'][:, D:].T, p['b_m1'].reshape(1, D),
        p['W_m2'].T, p['b_m2'].reshape(1, C),
        G, C, bn=1000)

# --- scband reference (transcript-rebuilt; emitter-appended) ---
"""Pipeline reference for scband-word-graph-network-88072599371949 (READ-ONLY COPY).

The authoritative reference and input builder live on the scoring server;
editing this copy changes nothing except your own understanding.
"""

import jax, jax.numpy as jnp
import numpy as np

N = 10000
E = 320000
D = 128
G = 64
C = 10
L = 3


def setup_inputs(seed: int = 0) -> dict:
    key = jax.random.key(seed)
    ks = jax.random.split(key, 32)
    x = jax.random.normal(ks[0], (N, D), dtype=jnp.float32)
    edge_index = jax.random.randint(ks[1], (2, E), 0, N).astype(jnp.int64)
    batch = jnp.sort(jax.random.randint(ks[2], (N,), 0, G)).astype(jnp.int64)
    s = 0.05

    def w(k, shape):
        return jax.random.normal(k, shape, dtype=jnp.float32) * s

    params = {
        'W_a': w(ks[3], (D, D)),
        'W_zm': w(ks[4], (D, D)), 'b_zm': jnp.zeros((D,), jnp.float32),
        'W_zs': w(ks[5], (D, D)), 'b_zs': jnp.zeros((D,), jnp.float32),
        'bias_z': jnp.zeros((D,), jnp.float32),
        'W_rm': w(ks[6], (D, D)), 'b_rm': jnp.zeros((D,), jnp.float32),
        'W_rs': w(ks[7], (D, D)), 'b_rs': jnp.zeros((D,), jnp.float32),
        'bias_r': jnp.zeros((D,), jnp.float32),
        'W_hm': w(ks[8], (D, D)), 'b_hm': jnp.zeros((D,), jnp.float32),
        'W_hs': w(ks[9], (D, D)), 'b_hs': jnp.zeros((D,), jnp.float32),
        'bias_h': jnp.zeros((D,), jnp.float32),
        'W_hg': w(ks[10], (D, D)), 'b_hg': jnp.zeros((D,), jnp.float32),
        'W_hl': w(ks[11], (D, D)), 'b_hl': jnp.zeros((D,), jnp.float32),
        'W_ag': w(ks[12], (1, D)), 'b_ag': jnp.zeros((1,), jnp.float32),
        'W_ae': w(ks[13], (D, D)), 'b_ae': jnp.zeros((D,), jnp.float32),
        'W_m1': w(ks[14], (D, 2 * D)), 'b_m1': jnp.zeros((D,), jnp.float32),
        'W_m2': w(ks[15], (C, D)), 'b_m2': jnp.zeros((C,), jnp.float32),
    }
    return {'x': x, 'edge_index': edge_index, 'batch': batch, 'params': params}


def _forward(x, params, edge_index, batch):
    p = params
    # add_self_loops
    loops = jnp.arange(N, dtype=edge_index.dtype)
    src = jnp.concatenate([edge_index[0], loops])
    dst = jnp.concatenate([edge_index[1], loops])
    h = x
    for _ in range(L):
        # message: lin_a(x_j), gathered from source nodes (edge_weight is None)
        msg = h[src] @ p['W_a'].T
        # aggregate (add) at destination nodes
        m = jax.ops.segment_sum(msg, dst, num_segments=N)
        z = jax.nn.sigmoid(m @ p['W_zm'].T + p['b_zm'] + h @ p['W_zs'].T + p['b_zs'] + p['bias_z'])
        r = jax.nn.sigmoid(m @ p['W_rm'].T + p['b_rm'] + h @ p['W_rs'].T + p['b_rs'] + p['bias_r'])
        cand = m @ p['W_hm'].T + p['b_hm'] + (r * h) @ p['W_hs'].T + p['b_hs'] + p['bias_h']
        gate = jax.nn.sigmoid(cand @ p['W_hg'].T + p['b_hg'])
        h_tilde = (cand @ p['W_hl'].T + p['b_hl']) * gate
        h = z * h_tilde + (1.0 - z) * h
    # attention gating + embedding
    att = jax.nn.sigmoid(h @ p['W_ag'].T + p['b_ag'])
    xh = h * att
    xh = jax.nn.relu(xh @ p['W_ae'].T + p['b_ae'])
    # global max / mean pool over graphs
    x_max = jax.ops.segment_max(xh, batch, num_segments=G)
    ssum = jax.ops.segment_sum(xh, batch, num_segments=G)
    cnt = jax.ops.segment_sum(jnp.ones((N, 1), jnp.float32), batch, num_segments=G)
    x_mean = ssum / jnp.maximum(cnt, 1.0)
    x_pool = jnp.concatenate([x_max, x_mean], axis=1)
    hid = jax.nn.relu(x_pool @ p['W_m1'].T + p['b_m1'])
    out = hid @ p['W_m2'].T + p['b_m2']
    return out


def reference(x, edge_index, batch, params):
    return _forward(x, params, edge_index, batch)

if __name__ == "__main__":
    import jax
    _d = setup_inputs()
    print(jax.jit(kernel)(*tuple(_d.values())))

</pallas_src>

<mosaic_0001>
#map = affine_map<(d0, d1) -> (0, 0)>
#map1 = affine_map<(d0, d1) -> (0)>
module attributes {stable_mosaic.version = 14 : i64} {
  func.func @body(%arg0: i32, %arg1: i32, %arg2: memref<10000x128xf32, #tpu.memory_space<hbm>>, %arg3: memref<321536xi32, #tpu.memory_space<hbm>>, %arg4: memref<321536xi32, #tpu.memory_space<hbm>>, %arg5: memref<624x128xf32, #tpu.memory_space<hbm>>, %arg6: memref<20000x128xf32, #tpu.memory_space<hbm>>, %arg7: memref<10008x128xf32, #tpu.memory_space<vmem_shared>>, %arg8: memref<3x128x128xf32, #tpu.memory_space<vmem>>, %arg9: memref<128xi32, #tpu.memory_space<vmem>>, %arg10: memref<128xi32, #tpu.memory_space<vmem>>, %arg11: memref<128xi32, #tpu.memory_space<vmem>>, %arg12: memref<128xi32, #tpu.memory_space<vmem>>, %arg13: memref<128xi32, #tpu.memory_space<vmem>>, %arg14: memref<128xi32, #tpu.memory_space<vmem>>, %arg15: memref<!tpu.dma_semaphore, #tpu.memory_space<semaphore_mem>>, %arg16: memref<!tpu.dma_semaphore, #tpu.memory_space<semaphore_mem>>, %arg17: memref<!tpu.dma_semaphore, #tpu.memory_space<semaphore_mem>>, %arg18: memref<!tpu.dma_semaphore, #tpu.memory_space<semaphore_mem>>, %arg19: memref<!tpu.dma_semaphore, #tpu.memory_space<semaphore_mem>>, %arg20: memref<!tpu.dma_semaphore, #tpu.memory_space<semaphore_mem>>, %arg21: memref<!tpu.dma_semaphore, #tpu.memory_space<semaphore_mem>>, %arg22: memref<!tpu.dma_semaphore, #tpu.memory_space<semaphore_mem>>, %arg23: memref<!tpu.dma_semaphore, #tpu.memory_space<semaphore_mem>>) attributes {dimension_semantics = [#tpu.dimension_semantics<core_parallel>, #tpu.dimension_semantics<subcore_parallel>], iteration_bounds = array<i64: 2, 16>, scalar_prefetch = 0 : i64, scratch_operands = 17 : i64, tpu.core_type = #tpu.core_type<sc_vector_subcore>, window_params = [{transform_indices = #map}, {transform_indices = #map1}, {transform_indices = #map1}, {transform_indices = #map}, {transform_indices = #map}]} {
    %eq3A = arith.constant 0 : i32
    %eq3A_0 = arith.cmpi eq, %arg0, %eq3A : i32
    %jit3A = arith.constant 32 : i32
    %jit3A_1 = arith.constant 125 : i32
    %select_n3A = arith.select %eq3A_0, %jit3A, %jit3A_1 : i32
    %eq3A_2 = arith.constant 0 : i32
    %eq3A_3 = arith.cmpi eq, %arg0, %eq3A_2 : i32
    %mul3A = arith.constant 32 : i32
    %mul3A_4 = arith.muli %arg1, %mul3A : i32
    %mul3A_5 = arith.constant 125 : i32
    %mul3A_6 = arith.muli %arg1, %mul3A_5 : i32
    %add3A = arith.constant 512 : i32
    %add3A_7 = arith.addi %add3A, %mul3A_6 : i32
    %select_n3A_8 = arith.select %eq3A_3, %mul3A_4, %add3A_7 : i32
    %mul3A_9 = arith.constant 128 : i32
    %mul3A_10 = arith.muli %select_n3A_8, %mul3A_9 : i32
    %mul3A_11 = arith.constant 624 : i32
    %mul3A_12 = arith.muli %arg1, %mul3A_11 : i32
    "tpu.region"() ({
      %run_scoped3A = tpu.sem_alloc : memref<!tpu.dma_semaphore, #tpu.memory_space<semaphore_mem>>
      %dma_start3A = arith.constant 0 : i32
      %dma_start3A_56 = tpu.memref_slice %arg7[%mul3A_12, %dma_start3A] : memref<10008x128xf32, #tpu.memory_space<vmem_shared>> -> memref<624x128xf32, #tpu.memory_space<vmem_shared>>
      tpu.enqueue_dma source(%arg5 : memref<624x128xf32, #tpu.memory_space<hbm>>) target(%dma_start3A_56 : memref<624x128xf32, #tpu.memory_space<vmem_shared>>) target_semaphore(%run_scoped3A : memref<!tpu.dma_semaphore, #tpu.memory_space<semaphore_mem>>)
      %dma_wait3A_57 = arith.constant 0 : i32
      %dma_wait3A_58 = tpu.memref_slice %arg7[%mul3A_12, %dma_wait3A_57] : memref<10008x128xf32, #tpu.memory_space<vmem_shared>> -> memref<624x128xf32, #tpu.memory_space<vmem_shared>>
      tpu.wait_dma2 semaphore(%run_scoped3A : memref<!tpu.dma_semaphore, #tpu.memory_space<semaphore_mem>>) src(%arg5 : memref<624x128xf32, #tpu.memory_space<hbm>>) dst(%dma_wait3A_58 : memref<624x128xf32, #tpu.memory_space<vmem_shared>>)
      tpu.yield
    }) : () -> ()
    %eq3A_13 = arith.constant 15 : i32
    %eq3A_14 = arith.cmpi eq, %arg1, %eq3A_13 : i32
    %convert_element_type3A = arith.extui %eq3A_14 : i1 to i32
    %cond3A = arith.constant 0 : i32
    %cond3A_15 = arith.cmpi ne, %convert_element_type3A, %cond3A : i32
    scf.if %cond3A_15 {
      "tpu.region"() ({
        %run_scoped3A = tpu.sem_alloc : memref<!tpu.dma_semaphore, #tpu.memory_space<semaphore_mem>>
        %dma_start3A = arith.constant 9984 : i32
        %dma_start3A_56 = arith.constant 0 : i32
        %dma_start3A_57 = tpu.memref_slice %arg7[%dma_start3A, %dma_start3A_56] : memref<10008x128xf32, #tpu.memory_space<vmem_shared>> -> memref<16x128xf32, #tpu.memory_space<vmem_shared>>
        %dma_start3A_58 = arith.constant 0 : i32
        %dma_start3A_59 = arith.constant 0 : i32
        %dma_start3A_60 = tpu.memref_slice %arg5[%dma_start3A_58, %dma_start3A_59] : memref<624x128xf32, #tpu.memory_space<hbm>> -> memref<16x128xf32, #tpu.memory_space<hbm>>
        tpu.enqueue_dma source(%dma_start3A_60 : memref<16x128xf32, #tpu.memory_space<hbm>>) target(%dma_start3A_57 : memref<16x128xf32, #tpu.memory_space<vmem_shared>>) target_semaphore(%run_scoped3A : memref<!tpu.dma_semaphore, #tpu.memory_space<semaphore_mem>>)
        %dma_wait3A_61 = arith.constant 9984 : i32
        %dma_wait3A_62 = arith.constant 0 : i32
        %dma_wait3A_63 = tpu.memref_slice %arg7[%dma_wait3A_61, %dma_wait3A_62] : memref<10008x128xf32, #tpu.memory_space<vmem_shared>> -> memref<16x128xf32, #tpu.memory_space<vmem_shared>>
        %dma_wait3A_64 = arith.constant 0 : i32
        %dma_wait3A_65 = arith.constant 0 : i32
        %dma_wait3A_66 = tpu.memref_slice %arg5[%dma_wait3A_64, %dma_wait3A_65] : memref<624x128xf32, #tpu.memory_space<hbm>> -> memref<16x128xf32, #tpu.memory_space<hbm>>
        tpu.wait_dma2 semaphore(%run_scoped3A : memref<!tpu.dma_semaphore, #tpu.memory_space<semaphore_mem>>) src(%dma_wait3A_66 : memref<16x128xf32, #tpu.memory_space<hbm>>) dst(%dma_wait3A_63 : memref<16x128xf32, #tpu.memory_space<vmem_shared>>)
        tpu.yield
      }) : () -> ()
    } else {
    }
    %barrier3A = arith.constant 0 : index
    tpu.barrier barrier_id(%barrier3A)
    %scan3A = arith.constant 0 : i32
    %scan3A_16 = arith.constant 42 : i32
    %scan3A_17 = arith.addi %scan3A, %scan3A_16 : i32
    %scan3A_18 = arith.constant 1 : i32
    scf.for %scan3A_56 = %scan3A to %scan3A_17 step %scan3A_18  : i32 {
      %mul3A_57 = arith.constant 3 : i32
      %mul3A_58 = arith.muli %scan3A_56, %mul3A_57 : i32
      %add3A_59 = arith.constant 0 : i32
      %add3A_60 = arith.addi %add3A_59, %mul3A_58 : i32
      %add3A_61 = arith.constant 0 : i32
      %add3A_62 = arith.addi %add3A_60, %add3A_61 : i32
      %ge3A = arith.constant 3 : i32
      %ge3A_63 = arith.cmpi sge, %add3A_62, %ge3A : i32
      %lt3A = arith.cmpi slt, %add3A_62, %select_n3A : i32
      %and3A = arith.andi %ge3A_63, %lt3A : i1
      %convert_element_type3A_64 = arith.extui %and3A : i1 to i32
      %cond3A_65 = arith.constant 0 : i32
      %cond3A_66 = arith.cmpi ne, %convert_element_type3A_64, %cond3A_65 : i32
      scf.if %cond3A_66 {
        %dma_wait3A_129 = arith.constant 0 : i32
        %dma_wait3A_130 = arith.constant 0 : i32
        %dma_wait3A_131 = arith.constant 0 : i32
        %dma_wait3A_132 = tpu.memref_slice %arg8[%dma_wait3A_129, %dma_wait3A_130, %dma_wait3A_131] : memref<3x128x128xf32, #tpu.memory_space<vmem>> -> memref<1x128x128xf32, #tpu.memory_space<vmem>>
        %dma_wait3A_133 = tpu.memref_squeeze %dma_wait3A_132 : memref<1x128x128xf32, #tpu.memory_space<vmem>> -> memref<128x128xf32, #tpu.memory_space<vmem>>
        %dma_wait3A_134 = arith.constant 0 : i32
        %dma_wait3A_135 = arith.constant 0 : i32
        %dma_wait3A_136 = tpu.memref_slice %arg7[%dma_wait3A_134, %dma_wait3A_135] : memref<10008x128xf32, #tpu.memory_space<vmem_shared>> -> memref<10008x128xf32, #tpu.memory_space<vmem_shared>>
        tpu.wait_indirect_dma semaphore(%arg21 : memref<!tpu.dma_semaphore, #tpu.memory_space<semaphore_mem>>) src(%dma_wait3A_133 : memref<128x128xf32, #tpu.memory_space<vmem>>) dst(%dma_wait3A_136 : memref<10008x128xf32, #tpu.memory_space<vmem_shared>>)
      } else {
      }
      %lt3A_67 = arith.cmpi slt, %add3A_62, %select_n3A : i32
      %convert_element_type3A_68 = arith.extui %lt3A_67 : i1 to i32
      %cond3A_69 = arith.constant 0 : i32
      %cond3A_70 = arith.cmpi ne, %convert_element_type3A_68, %cond3A_69 : i32
      scf.if %cond3A_70 {
        %mul3A_129 = arith.constant 128 : i32
        %mul3A_130 = arith.muli %add3A_62, %mul3A_129 : i32
        %add3A_131 = arith.addi %mul3A_10, %mul3A_130 : i32
        %dma_start3A = tpu.memref_slice %arg3[%add3A_131] : memref<321536xi32, #tpu.memory_space<hbm>> -> memref<128xi32, #tpu.memory_space<hbm>>
        %dma_start3A_132 = tpu.memref_slice %arg3[%add3A_131] : memref<321536xi32, #tpu.memory_space<hbm>> -> memref<128xi32, #tpu.memory_space<hbm>>
        tpu.enqueue_dma source(%dma_start3A_132 : memref<128xi32, #tpu.memory_space<hbm>>) target(%arg9 : memref<128xi32, #tpu.memory_space<vmem>>) target_semaphore(%arg15 : memref<!tpu.dma_semaphore, #tpu.memory_space<semaphore_mem>>)
        %mul3A_133 = arith.constant 128 : i32
        %mul3A_134 = arith.muli %add3A_62, %mul3A_133 : i32
        %add3A_135 = arith.addi %mul3A_10, %mul3A_134 : i32
        %dma_start3A_136 = tpu.memref_slice %arg4[%add3A_135] : memref<321536xi32, #tpu.memory_space<hbm>> -> memref<128xi32, #tpu.memory_space<hbm>>
        %dma_start3A_137 = tpu.memref_slice %arg4[%add3A_135] : memref<321536xi32, #tpu.memory_space<hbm>> -> memref<128xi32, #tpu.memory_space<hbm>>
        tpu.enqueue_dma source(%dma_start3A_137 : memref<128xi32, #tpu.memory_space<hbm>>) target(%arg12 : memref<128xi32, #tpu.memory_space<vmem>>) target_semaphore(%arg15 : memref<!tpu.dma_semaphore, #tpu.memory_space<semaphore_mem>>)
      } else {
      }
      %ge3A_71 = arith.constant 1 : i32
      %ge3A_72 = arith.cmpi sge, %add3A_62, %ge3A_71 : i32
      %le3A = arith.cmpi sle, %add3A_62, %select_n3A : i32
      %and3A_73 = arith.andi %ge3A_72, %le3A : i1
      %convert_element_type3A_74 = arith.extui %and3A_73 : i1 to i32
      %cond3A_75 = arith.constant 0 : i32
      %cond3A_76 = arith.cmpi ne, %convert_element_type3A_74, %cond3A_75 : i32
      scf.if %cond3A_76 {
        %dma_wait3A_129 = arith.constant 2 : i32
        %dma_wait3A_130 = arith.constant 0 : i32
        %dma_wait3A_131 = arith.constant 0 : i32
        %dma_wait3A_132 = tpu.memref_slice %arg8[%dma_wait3A_129, %dma_wait3A_130, %dma_wait3A_131] : memref<3x128x128xf32, #tpu.memory_space<vmem>> -> memref<1x128x128xf32, #tpu.memory_space<vmem>>
        %dma_wait3A_133 = tpu.memref_squeeze %dma_wait3A_132 : memref<1x128x128xf32, #tpu.memory_space<vmem>> -> memref<128x128xf32, #tpu.memory_space<vmem>>
        %dma_wait3A_134 = arith.constant 0 : i32
        %dma_wait3A_135 = arith.constant 0 : i32
        %dma_wait3A_136 = tpu.memref_slice %arg2[%dma_wait3A_134, %dma_wait3A_135] : memref<10000x128xf32, #tpu.memory_space<hbm>> -> memref<10000x128xf32, #tpu.memory_space<hbm>>
        tpu.wait_indirect_dma semaphore(%arg20 : memref<!tpu.dma_semaphore, #tpu.memory_space<semaphore_mem>>) src(%dma_wait3A_136 : memref<10000x128xf32, #tpu.memory_space<hbm>>) dst(%dma_wait3A_133 : memref<128x128xf32, #tpu.memory_space<vmem>>)
        %dma_start3A = arith.constant 2 : i32
        %dma_start3A_137 = arith.constant 0 : i32
        %dma_start3A_138 = arith.constant 0 : i32
        %dma_start3A_139 = tpu.memref_slice %arg8[%dma_start3A, %dma_start3A_137, %dma_start3A_138] : memref<3x128x128xf32, #tpu.memory_space<vmem>> -> memref<1x128x128xf32, #tpu.memory_space<vmem>>
        %dma_start3A_140 = tpu.memref_squeeze %dma_start3A_139 : memref<1x128x128xf32, #tpu.memory_space<vmem>> -> memref<128x128xf32, #tpu.memory_space<vmem>>
        %dma_start3A_141 = arith.constant 0 : i32
        %dma_start3A_142 = arith.constant 0 : i32
        %dma_start3A_143 = tpu.memref_slice %arg7[%dma_start3A_141, %dma_start3A_142] : memref<10008x128xf32, #tpu.memory_space<vmem_shared>> -> memref<10008x128xf32, #tpu.memory_space<vmem_shared>>
        tpu.enqueue_indirect_dma source(%dma_start3A_140 : memref<128x128xf32, #tpu.memory_space<vmem>>) target(%dma_start3A_143 : memref<10008x128xf32, #tpu.memory_space<vmem_shared>>) offsets(%arg14 : memref<128xi32, #tpu.memory_space<vmem>>) semaphore(%arg23 : memref<!tpu.dma_semaphore, #tpu.memory_space<semaphore_mem>>) {add = true}
      } else {
      }
      %lt3A_77 = arith.cmpi slt, %add3A_62, %select_n3A : i32
      %convert_element_type3A_78 = arith.extui %lt3A_77 : i1 to i32
      %cond3A_79 = arith.constant 0 : i32
      %cond3A_80 = arith.cmpi ne, %convert_element_type3A_78, %cond3A_79 : i32
      scf.if %cond3A_80 {
        %dma_wait3A_129 = tpu.memref_slice %arg3[%mul3A_10] : memref<321536xi32, #tpu.memory_space<hbm>> -> memref<128xi32, #tpu.memory_space<hbm>>
        %dma_wait3A_130 = tpu.memref_slice %arg3[%mul3A_10] : memref<321536xi32, #tpu.memory_space<hbm>> -> memref<128xi32, #tpu.memory_space<hbm>>
        tpu.wait_dma2 semaphore(%arg15 : memref<!tpu.dma_semaphore, #tpu.memory_space<semaphore_mem>>) src(%dma_wait3A_130 : memref<128xi32, #tpu.memory_space<hbm>>) dst(%arg9 : memref<128xi32, #tpu.memory_space<vmem>>)
        %dma_wait3A_131 = tpu.memref_slice %arg4[%mul3A_10] : memref<321536xi32, #tpu.memory_space<hbm>> -> memref<128xi32, #tpu.memory_space<hbm>>
        %dma_wait3A_132 = tpu.memref_slice %arg4[%mul3A_10] : memref<321536xi32, #tpu.memory_space<hbm>> -> memref<128xi32, #tpu.memory_space<hbm>>
        tpu.wait_dma2 semaphore(%arg15 : memref<!tpu.dma_semaphore, #tpu.memory_space<semaphore_mem>>) src(%dma_wait3A_132 : memref<128xi32, #tpu.memory_space<hbm>>) dst(%arg12 : memref<128xi32, #tpu.memory_space<vmem>>)
        %dma_start3A = arith.constant 0 : i32
        %dma_start3A_133 = arith.constant 0 : i32
        %dma_start3A_134 = arith.constant 0 : i32
        %dma_start3A_135 = tpu.memref_slice %arg8[%dma_start3A, %dma_start3A_133, %dma_start3A_134] : memref<3x128x128xf32, #tpu.memory_space<vmem>> -> memref<1x128x128xf32, #tpu.memory_space<vmem>>
        %dma_start3A_136 = tpu.memref_squeeze %dma_start3A_135 : memref<1x128x128xf32, #tpu.memory_space<vmem>> -> memref<128x128xf32, #tpu.memory_space<vmem>>
        %dma_start3A_137 = arith.constant 0 : i32
        %dma_start3A_138 = arith.constant 0 : i32
        %dma_start3A_139 = tpu.memref_slice %arg2[%dma_start3A_137, %dma_start3A_138] : memref<10000x128xf32, #tpu.memory_space<hbm>> -> memref<10000x128xf32, #tpu.memory_space<hbm>>
        tpu.enqueue_indirect_dma source(%dma_start3A_139 : memref<10000x128xf32, #tpu.memory_space<hbm>>) target(%dma_start3A_136 : memref<128x128xf32, #tpu.memory_space<vmem>>) offsets(%arg9 : memref<128xi32, #tpu.memory_space<vmem>>) semaphore(%arg18 : memref<!tpu.dma_semaphore, #tpu.memory_space<semaphore_mem>>)
      } else {
      }
      %add3A_81 = arith.constant 1 : i32
      %add3A_82 = arith.addi %add3A_60, %add3A_81 : i32
      %ge3A_83 = arith.constant 3 : i32
      %ge3A_84 = arith.cmpi sge, %add3A_82, %ge3A_83 : i32
      %lt3A_85 = arith.cmpi slt, %add3A_82, %select_n3A : i32
      %and3A_86 = arith.andi %ge3A_84, %lt3A_85 : i1
      %convert_element_type3A_87 = arith.extui %and3A_86 : i1 to i32
      %cond3A_88 = arith.constant 0 : i32
      %cond3A_89 = arith.cmpi ne, %convert_element_type3A_87, %cond3A_88 : i32
      scf.if %cond3A_89 {
        %dma_wait3A_129 = arith.constant 1 : i32
        %dma_wait3A_130 = arith.constant 0 : i32
        %dma_wait3A_131 = arith.constant 0 : i32
        %dma_wait3A_132 = tpu.memref_slice %arg8[%dma_wait3A_129, %dma_wait3A_130, %dma_wait3A_131] : memref<3x128x128xf32, #tpu.memory_space<vmem>> -> memref<1x128x128xf32, #tpu.memory_space<vmem>>
        %dma_wait3A_133 = tpu.memref_squeeze %dma_wait3A_132 : memref<1x128x128xf32, #tpu.memory_space<vmem>> -> memref<128x128xf32, #tpu.memory_space<vmem>>
        %dma_wait3A_134 = arith.constant 0 : i32
        %dma_wait3A_135 = arith.constant 0 : i32
        %dma_wait3A_136 = tpu.memref_slice %arg7[%dma_wait3A_134, %dma_wait3A_135] : memref<10008x128xf32, #tpu.memory_space<vmem_shared>> -> memref<10008x128xf32, #tpu.memory_space<vmem_shared>>
        tpu.wait_indirect_dma semaphore(%arg22 : memref<!tpu.dma_semaphore, #tpu.memory_space<semaphore_mem>>) src(%dma_wait3A_133 : memref<128x128xf32, #tpu.memory_space<vmem>>) dst(%dma_wait3A_136 : memref<10008x128xf32, #tpu.memory_space<vmem_shared>>)
      } else {
      }
      %lt3A_90 = arith.cmpi slt, %add3A_82, %select_n3A : i32
      %convert_element_type3A_91 = arith.extui %lt3A_90 : i1 to i32
      %cond3A_92 = arith.constant 0 : i32
      %cond3A_93 = arith.cmpi ne, %convert_element_type3A_91, %cond3A_92 : i32
      scf.if %cond3A_93 {
        %mul3A_129 = arith.constant 128 : i32
        %mul3A_130 = arith.muli %add3A_82, %mul3A_129 : i32
        %add3A_131 = arith.addi %mul3A_10, %mul3A_130 : i32
        %dma_start3A = tpu.memref_slice %arg3[%add3A_131] : memref<321536xi32, #tpu.memory_space<hbm>> -> memref<128xi32, #tpu.memory_space<hbm>>
        %dma_start3A_132 = tpu.memref_slice %arg3[%add3A_131] : memref<321536xi32, #tpu.memory_space<hbm>> -> memref<128xi32, #tpu.memory_space<hbm>>
        tpu.enqueue_dma source(%dma_start3A_132 : memref<128xi32, #tpu.memory_space<hbm>>) target(%arg10 : memref<128xi32, #tpu.memory_space<vmem>>) target_semaphore(%arg16 : memref<!tpu.dma_semaphore, #tpu.memory_space<semaphore_mem>>)
        %mul3A_133 = arith.constant 128 : i32
        %mul3A_134 = arith.muli %add3A_82, %mul3A_133 : i32
        %add3A_135 = arith.addi %mul3A_10, %mul3A_134 : i32
        %dma_start3A_136 = tpu.memref_slice %arg4[%add3A_135] : memref<321536xi32, #tpu.memory_space<hbm>> -> memref<128xi32, #tpu.memory_space<hbm>>
        %dma_start3A_137 = tpu.memref_slice %arg4[%add3A_135] : memref<321536xi32, #tpu.memory_space<hbm>> -> memref<128xi32, #tpu.memory_space<hbm>>
        tpu.enqueue_dma source(%dma_start3A_137 : memref<128xi32, #tpu.memory_space<hbm>>) target(%arg13 : memref<128xi32, #tpu.memory_space<vmem>>) target_semaphore(%arg16 : memref<!tpu.dma_semaphore, #tpu.memory_space<semaphore_mem>>)
      } else {
      }
      %ge3A_94 = arith.constant 1 : i32
      %ge3A_95 = arith.cmpi sge, %add3A_82, %ge3A_94 : i32
      %le3A_96 = arith.cmpi sle, %add3A_82, %select_n3A : i32
      %and3A_97 = arith.andi %ge3A_95, %le3A_96 : i1
      %convert_element_type3A_98 = arith.extui %and3A_97 : i1 to i32
      %cond3A_99 = arith.constant 0 : i32
      %cond3A_100 = arith.cmpi ne, %convert_element_type3A_98, %cond3A_99 : i32
      scf.if %cond3A_100 {
        %dma_wait3A_129 = arith.constant 0 : i32
        %dma_wait3A_130 = arith.constant 0 : i32
        %dma_wait3A_131 = arith.constant 0 : i32
        %dma_wait3A_132 = tpu.memref_slice %arg8[%dma_wait3A_129, %dma_wait3A_130, %dma_wait3A_131] : memref<3x128x128xf32, #tpu.memory_space<vmem>> -> memref<1x128x128xf32, #tpu.memory_space<vmem>>
        %dma_wait3A_133 = tpu.memref_squeeze %dma_wait3A_132 : memref<1x128x128xf32, #tpu.memory_space<vmem>> -> memref<128x128xf32, #tpu.memory_space<vmem>>
        %dma_wait3A_134 = arith.constant 0 : i32
        %dma_wait3A_135 = arith.constant 0 : i32
        %dma_wait3A_136 = tpu.memref_slice %arg2[%dma_wait3A_134, %dma_wait3A_135] : memref<10000x128xf32, #tpu.memory_space<hbm>> -> memref<10000x128xf32, #tpu.memory_space<hbm>>
        tpu.wait_indirect_dma semaphore(%arg18 : memref<!tpu.dma_semaphore, #tpu.memory_space<semaphore_mem>>) src(%dma_wait3A_136 : memref<10000x128xf32, #tpu.memory_space<hbm>>) dst(%dma_wait3A_133 : memref<128x128xf32, #tpu.memory_space<vmem>>)
        %dma_start3A = arith.constant 0 : i32
        %dma_start3A_137 = arith.constant 0 : i32
        %dma_start3A_138 = arith.constant 0 : i32
        %dma_start3A_139 = tpu.memref_slice %arg8[%dma_start3A, %dma_start3A_137, %dma_start3A_138] : memref<3x128x128xf32, #tpu.memory_space<vmem>> -> memref<1x128x128xf32, #tpu.memory_space<vmem>>
        %dma_start3A_140 = tpu.memref_squeeze %dma_start3A_139 : memref<1x128x128xf32, #tpu.memory_space<vmem>> -> memref<128x128xf32, #tpu.memory_space<vmem>>
        %dma_start3A_141 = arith.constant 0 : i32
        %dma_start3A_142 = arith.constant 0 : i32
        %dma_start3A_143 = tpu.memref_slice %arg7[%dma_start3A_141, %dma_start3A_142] : memref<10008x128xf32, #tpu.memory_space<vmem_shared>> -> memref<10008x128xf32, #tpu.memory_space<vmem_shared>>
        tpu.enqueue_indirect_dma source(%dma_start3A_140 : memref<128x128xf32, #tpu.memory_space<vmem>>) target(%dma_start3A_143 : memref<10008x128xf32, #tpu.memory_space<vmem_shared>>) offsets(%arg12 : memref<128xi32, #tpu.memory_space<vmem>>) semaphore(%arg21 : memref<!tpu.dma_semaphore, #tpu.memory_space<semaphore_mem>>) {add = true}
      } else {
      }
      %lt3A_101 = arith.cmpi slt, %add3A_82, %select_n3A : i32
      %convert_element_type3A_102 = arith.extui %lt3A_101 : i1 to i32
      %cond3A_103 = arith.constant 0 : i32
      %cond3A_104 = arith.cmpi ne, %convert_element_type3A_102, %cond3A_103 : i32
      scf.if %cond3A_104 {
        %dma_wait3A_129 = tpu.memref_slice %arg3[%mul3A_10] : memref<321536xi32, #tpu.memory_space<hbm>> -> memref<128xi32, #tpu.memory_space<hbm>>
        %dma_wait3A_130 = tpu.memref_slice %arg3[%mul3A_10] : memref<321536xi32, #tpu.memory_space<hbm>> -> memref<128xi32, #tpu.memory_space<hbm>>
        tpu.wait_dma2 semaphore(%arg16 : memref<!tpu.dma_semaphore, #tpu.memory_space<semaphore_mem>>) src(%dma_wait3A_130 : memref<128xi32, #tpu.memory_space<hbm>>) dst(%arg10 : memref<128xi32, #tpu.memory_space<vmem>>)
        %dma_wait3A_131 = tpu.memref_slice %arg4[%mul3A_10] : memref<321536xi32, #tpu.memory_space<hbm>> -> memref<128xi32, #tpu.memory_space<hbm>>
        %dma_wait3A_132 = tpu.memref_slice %arg4[%mul3A_10] : memref<321536xi32, #tpu.memory_space<hbm>> -> memref<128xi32, #tpu.memory_space<hbm>>
        tpu.wait_dma2 semaphore(%arg16 : memref<!tpu.dma_semaphore, #tpu.memory_space<semaphore_mem>>) src(%dma_wait3A_132 : memref<128xi32, #tpu.memory_space<hbm>>) dst(%arg13 : memref<128xi32, #tpu.memory_space<vmem>>)
        %dma_start3A = arith.constant 1 : i32
        %dma_start3A_133 = arith.constant 0 : i32
        %dma_start3A_134 = arith.constant 0 : i32
        %dma_start3A_135 = tpu.memref_slice %arg8[%dma_start3A, %dma_start3A_133, %dma_start3A_134] : memref<3x128x128xf32, #tpu.memory_space<vmem>> -> memref<1x128x128xf32, #tpu.memory_space<vmem>>
        %dma_start3A_136 = tpu.memref_squeeze %dma_start3A_135 : memref<1x128x128xf32, #tpu.memory_space<vmem>> -> memref<128x128xf32, #tpu.memory_space<vmem>>
        %dma_start3A_137 = arith.constant 0 : i32
        %dma_start3A_138 = arith.constant 0 : i32
        %dma_start3A_139 = tpu.memref_slice %arg2[%dma_start3A_137, %dma_start3A_138] : memref<10000x128xf32, #tpu.memory_space<hbm>> -> memref<10000x128xf32, #tpu.memory_space<hbm>>
        tpu.enqueue_indirect_dma source(%dma_start3A_139 : memref<10000x128xf32, #tpu.memory_space<hbm>>) target(%dma_start3A_136 : memref<128x128xf32, #tpu.memory_space<vmem>>) offsets(%arg10 : memref<128xi32, #tpu.memory_space<vmem>>) semaphore(%arg19 : memref<!tpu.dma_semaphore, #tpu.memory_space<semaphore_mem>>)
      } else {
      }
      %add3A_105 = arith.constant 2 : i32
      %add3A_106 = arith.addi %add3A_60, %add3A_105 : i32
      %ge3A_107 = arith.constant 3 : i32
      %ge3A_108 = arith.cmpi sge, %add3A_106, %ge3A_107 : i32
      %lt3A_109 = arith.cmpi slt, %add3A_106, %select_n3A : i32
      %and3A_110 = arith.andi %ge3A_108, %lt3A_109 : i1
      %convert_element_type3A_111 = arith.extui %and3A_110 : i1 to i32
      %cond3A_112 = arith.constant 0 : i32
      %cond3A_113 = arith.cmpi ne, %convert_element_type3A_111, %cond3A_112 : i32
      scf.if %cond3A_113 {
        %dma_wait3A_129 = arith.constant 2 : i32
        %dma_wait3A_130 = arith.constant 0 : i32
        %dma_wait3A_131 = arith.constant 0 : i32
        %dma_wait3A_132 = tpu.memref_slice %arg8[%dma_wait3A_129, %dma_wait3A_130, %dma_wait3A_131] : memref<3x128x128xf32, #tpu.memory_space<vmem>> -> memref<1x128x128xf32, #tpu.memory_space<vmem>>
        %dma_wait3A_133 = tpu.memref_squeeze %dma_wait3A_132 : memref<1x128x128xf32, #tpu.memory_space<vmem>> -> memref<128x128xf32, #tpu.memory_space<vmem>>
        %dma_wait3A_134 = arith.constant 0 : i32
        %dma_wait3A_135 = arith.constant 0 : i32
        %dma_wait3A_136 = tpu.memref_slice %arg7[%dma_wait3A_134, %dma_wait3A_135] : memref<10008x128xf32, #tpu.memory_space<vmem_shared>> -> memref<10008x128xf32, #tpu.memory_space<vmem_shared>>
        tpu.wait_indirect_dma semaphore(%arg23 : memref<!tpu.dma_semaphore, #tpu.memory_space<semaphore_mem>>) src(%dma_wait3A_133 : memref<128x128xf32, #tpu.memory_space<vmem>>) dst(%dma_wait3A_136 : memref<10008x128xf32, #tpu.memory_space<vmem_shared>>)
      } else {
      }
      %lt3A_114 = arith.cmpi slt, %add3A_106, %select_n3A : i32
      %convert_element_type3A_115 = arith.extui %lt3A_114 : i1 to i32
      %cond3A_116 = arith.constant 0 : i32
      %cond3A_117 = arith.cmpi ne, %convert_element_type3A_115, %cond3A_116 : i32
      scf.if %cond3A_117 {
        %mul3A_129 = arith.constant 128 : i32
        %mul3A_130 = arith.muli %add3A_106, %mul3A_129 : i32
        %add3A_131 = arith.addi %mul3A_10, %mul3A_130 : i32
        %dma_start3A = tpu.memref_slice %arg3[%add3A_131] : memref<321536xi32, #tpu.memory_space<hbm>> -> memref<128xi32, #tpu.memory_space<hbm>>
        %dma_start3A_132 = tpu.memref_slice %arg3[%add3A_131] : memref<321536xi32, #tpu.memory_space<hbm>> -> memref<128xi32, #tpu.memory_space<hbm>>
        tpu.enqueue_dma source(%dma_start3A_132 : memref<128xi32, #tpu.memory_space<hbm>>) target(%arg11 : memref<128xi32, #tpu.memory_space<vmem>>) target_semaphore(%arg17 : memref<!tpu.dma_semaphore, #tpu.memory_space<semaphore_mem>>)
        %mul3A_133 = arith.constant 128 : i32
        %mul3A_134 = arith.muli %add3A_106, %mul3A_133 : i32
        %add3A_135 = arith.addi %mul3A_10, %mul3A_134 : i32
        %dma_start3A_136 = tpu.memref_slice %arg4[%add3A_135] : memref<321536xi32, #tpu.memory_space<hbm>> -> memref<128xi32, #tpu.memory_space<hbm>>
        %dma_start3A_137 = tpu.memref_slice %arg4[%add3A_135] : memref<321536xi32, #tpu.memory_space<hbm>> -> memref<128xi32, #tpu.memory_space<hbm>>
        tpu.enqueue_dma source(%dma_start3A_137 : memref<128xi32, #tpu.memory_space<hbm>>) target(%arg14 : memref<128xi32, #tpu.memory_space<vmem>>) target_semaphore(%arg17 : memref<!tpu.dma_semaphore, #tpu.memory_space<semaphore_mem>>)
      } else {
      }
      %ge3A_118 = arith.constant 1 : i32
      %ge3A_119 = arith.cmpi sge, %add3A_106, %ge3A_118 : i32
      %le3A_120 = arith.cmpi sle, %add3A_106, %select_n3A : i32
      %and3A_121 = arith.andi %ge3A_119, %le3A_120 : i1
      %convert_element_type3A_122 = arith.extui %and3A_121 : i1 to i32
      %cond3A_123 = arith.constant 0 : i32
      %cond3A_124 = arith.cmpi ne, %convert_element_type3A_122, %cond3A_123 : i32
      scf.if %cond3A_124 {
        %dma_wait3A_129 = arith.constant 1 : i32
        %dma_wait3A_130 = arith.constant 0 : i32
        %dma_wait3A_131 = arith.constant 0 : i32
        %dma_wait3A_132 = tpu.memref_slice %arg8[%dma_wait3A_129, %dma_wait3A_130, %dma_wait3A_131] : memref<3x128x128xf32, #tpu.memory_space<vmem>> -> memref<1x128x128xf32, #tpu.memory_space<vmem>>
        %dma_wait3A_133 = tpu.memref_squeeze %dma_wait3A_132 : memref<1x128x128xf32, #tpu.memory_space<vmem>> -> memref<128x128xf32, #tpu.memory_space<vmem>>
        %dma_wait3A_134 = arith.constant 0 : i32
        %dma_wait3A_135 = arith.constant 0 : i32
        %dma_wait3A_136 = tpu.memref_slice %arg2[%dma_wait3A_134, %dma_wait3A_135] : memref<10000x128xf32, #tpu.memory_space<hbm>> -> memref<10000x128xf32, #tpu.memory_space<hbm>>
        tpu.wait_indirect_dma semaphore(%arg19 : memref<!tpu.dma_semaphore, #tpu.memory_space<semaphore_mem>>) src(%dma_wait3A_136 : memref<10000x128xf32, #tpu.memory_space<hbm>>) dst(%dma_wait3A_133 : memref<128x128xf32, #tpu.memory_space<vmem>>)
        %dma_start3A = arith.constant 1 : i32
        %dma_start3A_137 = arith.constant 0 : i32
        %dma_start3A_138 = arith.constant 0 : i32
        %dma_start3A_139 = tpu.memref_slice %arg8[%dma_start3A, %dma_start3A_137, %dma_start3A_138] : memref<3x128x128xf32, #tpu.memory_space<vmem>> -> memref<1x128x128xf32, #tpu.memory_space<vmem>>
        %dma_start3A_140 = tpu.memref_squeeze %dma_start3A_139 : memref<1x128x128xf32, #tpu.memory_space<vmem>> -> memref<128x128xf32, #tpu.memory_space<vmem>>
        %dma_start3A_141 = arith.constant 0 : i32
        %dma_start3A_142 = arith.constant 0 : i32
        %dma_start3A_143 = tpu.memref_slice %arg7[%dma_start3A_141, %dma_start3A_142] : memref<10008x128xf32, #tpu.memory_space<vmem_shared>> -> memref<10008x128xf32, #tpu.memory_space<vmem_shared>>
        tpu.enqueue_indirect_dma source(%dma_start3A_140 : memref<128x128xf32, #tpu.memory_space<vmem>>) target(%dma_start3A_143 : memref<10008x128xf32, #tpu.memory_space<vmem_shared>>) offsets(%arg13 : memref<128xi32, #tpu.memory_space<vmem>>) semaphore(%arg22 : memref<!tpu.dma_semaphore, #tpu.memory_space<semaphore_mem>>) {add = true}
      } else {
      }
      %lt3A_125 = arith.cmpi slt, %add3A_106, %select_n3A : i32
      %convert_element_type3A_126 = arith.extui %lt3A_125 : i1 to i32
      %cond3A_127 = arith.constant 0 : i32
      %cond3A_128 = arith.cmpi ne, %convert_element_type3A_126, %cond3A_127 : i32
      scf.if %cond3A_128 {
        %dma_wait3A_129 = tpu.memref_slice %arg3[%mul3A_10] : memref<321536xi32, #tpu.memory_space<hbm>> -> memref<128xi32, #tpu.memory_space<hbm>>
        %dma_wait3A_130 = tpu.memref_slice %arg3[%mul3A_10] : memref<321536xi32, #tpu.memory_space<hbm>> -> memref<128xi32, #tpu.memory_space<hbm>>
        tpu.wait_dma2 semaphore(%arg17 : memref<!tpu.dma_semaphore, #tpu.memory_space<semaphore_mem>>) src(%dma_wait3A_130 : memref<128xi32, #tpu.memory_space<hbm>>) dst(%arg11 : memref<128xi32, #tpu.memory_space<vmem>>)
        %dma_wait3A_131 = tpu.memref_slice %arg4[%mul3A_10] : memref<321536xi32, #tpu.memory_space<hbm>> -> memref<128xi32, #tpu.memory_space<hbm>>
        %dma_wait3A_132 = tpu.memref_slice %arg4[%mul3A_10] : memref<321536xi32, #tpu.memory_space<hbm>> -> memref<128xi32, #tpu.memory_space<hbm>>
        tpu.wait_dma2 semaphore(%arg17 : memref<!tpu.dma_semaphore, #tpu.memory_space<semaphore_mem>>) src(%dma_wait3A_132 : memref<128xi32, #tpu.memory_space<hbm>>) dst(%arg14 : memref<128xi32, #tpu.memory_space<vmem>>)
        %dma_start3A = arith.constant 2 : i32
        %dma_start3A_133 = arith.constant 0 : i32
        %dma_start3A_134 = arith.constant 0 : i32
        %dma_start3A_135 = tpu.memref_slice %arg8[%dma_start3A, %dma_start3A_133, %dma_start3A_134] : memref<3x128x128xf32, #tpu.memory_space<vmem>> -> memref<1x128x128xf32, #tpu.memory_space<vmem>>
        %dma_start3A_136 = tpu.memref_squeeze %dma_start3A_135 : memref<1x128x128xf32, #tpu.memory_space<vmem>> -> memref<128x128xf32, #tpu.memory_space<vmem>>
        %dma_start3A_137 = arith.constant 0 : i32
        %dma_start3A_138 = arith.constant 0 : i32
        %dma_start3A_139 = tpu.memref_slice %arg2[%dma_start3A_137, %dma_start3A_138] : memref<10000x128xf32, #tpu.memory_space<hbm>> -> memref<10000x128xf32, #tpu.memory_space<hbm>>
        tpu.enqueue_indirect_dma source(%dma_start3A_139 : memref<10000x128xf32, #tpu.memory_space<hbm>>) target(%dma_start3A_136 : memref<128x128xf32, #tpu.memory_space<vmem>>) offsets(%arg11 : memref<128xi32, #tpu.memory_space<vmem>>) semaphore(%arg20 : memref<!tpu.dma_semaphore, #tpu.memory_space<semaphore_mem>>)
      } else {
      }
    }
    %scan3A_19 = arith.constant 42 : i32
    %dma_wait3A = arith.constant 0 : i32
    %dma_wait3A_20 = arith.constant 0 : i32
    %dma_wait3A_21 = arith.constant 0 : i32
    %dma_wait3A_22 = tpu.memref_slice %arg8[%dma_wait3A, %dma_wait3A_20, %dma_wait3A_21] : memref<3x128x128xf32, #tpu.memory_space<vmem>> -> memref<1x128x128xf32, #tpu.memory_space<vmem>>
    %dma_wait3A_23 = tpu.memref_squeeze %dma_wait3A_22 : memref<1x128x128xf32, #tpu.memory_space<vmem>> -> memref<128x128xf32, #tpu.memory_space<vmem>>
    %dma_wait3A_24 = arith.constant 0 : i32
    %dma_wait3A_25 = arith.constant 0 : i32
    %dma_wait3A_26 = tpu.memref_slice %arg7[%dma_wait3A_24, %dma_wait3A_25] : memref<10008x128xf32, #tpu.memory_space<vmem_shared>> -> memref<10008x128xf32, #tpu.memory_space<vmem_shared>>
    tpu.wait_indirect_dma semaphore(%arg21 : memref<!tpu.dma_semaphore, #tpu.memory_space<semaphore_mem>>) src(%dma_wait3A_23 : memref<128x128xf32, #tpu.memory_space<vmem>>) dst(%dma_wait3A_26 : memref<10008x128xf32, #tpu.memory_space<vmem_shared>>)
    %dma_wait3A_27 = arith.constant 1 : i32
    %dma_wait3A_28 = arith.constant 0 : i32
    %dma_wait3A_29 = arith.constant 0 : i32
    %dma_wait3A_30 = tpu.memref_slice %arg8[%dma_wait3A_27, %dma_wait3A_28, %dma_wait3A_29] : memref<3x128x128xf32, #tpu.memory_space<vmem>> -> memref<1x128x128xf32, #tpu.memory_space<vmem>>
    %dma_wait3A_31 = tpu.memref_squeeze %dma_wait3A_30 : memref<1x128x128xf32, #tpu.memory_space<vmem>> -> memref<128x128xf32, #tpu.memory_space<vmem>>
    %dma_wait3A_32 = arith.constant 0 : i32
    %dma_wait3A_33 = arith.constant 0 : i32
    %dma_wait3A_34 = tpu.memref_slice %arg7[%dma_wait3A_32, %dma_wait3A_33] : memref<10008x128xf32, #tpu.memory_space<vmem_shared>> -> memref<10008x128xf32, #tpu.memory_space<vmem_shared>>
    tpu.wait_indirect_dma semaphore(%arg22 : memref<!tpu.dma_semaphore, #tpu.memory_space<semaphore_mem>>) src(%dma_wait3A_31 : memref<128x128xf32, #tpu.memory_space<vmem>>) dst(%dma_wait3A_34 : memref<10008x128xf32, #tpu.memory_space<vmem_shared>>)
    %dma_wait3A_35 = arith.constant 2 : i32
    %dma_wait3A_36 = arith.constant 0 : i32
    %dma_wait3A_37 = arith.constant 0 : i32
    %dma_wait3A_38 = tpu.memref_slice %arg8[%dma_wait3A_35, %dma_wait3A_36, %dma_wait3A_37] : memref<3x128x128xf32, #tpu.memory_space<vmem>> -> memref<1x128x128xf32, #tpu.memory_space<vmem>>
    %dma_wait3A_39 = tpu.memref_squeeze %dma_wait3A_38 : memref<1x128x128xf32, #tpu.memory_space<vmem>> -> memref<128x128xf32, #tpu.memory_space<vmem>>
    %dma_wait3A_40 = arith.constant 0 : i32
    %dma_wait3A_41 = arith.constant 0 : i32
    %dma_wait3A_42 = tpu.memref_slice %arg7[%dma_wait3A_40, %dma_wait3A_41] : memref<10008x128xf32, #tpu.memory_space<vmem_shared>> -> memref<10008x128xf32, #tpu.memory_space<vmem_shared>>
    tpu.wait_indirect_dma semaphore(%arg23 : memref<!tpu.dma_semaphore, #tpu.memory_space<semaphore_mem>>) src(%dma_wait3A_39 : memref<128x128xf32, #tpu.memory_space<vmem>>) dst(%dma_wait3A_42 : memref<10008x128xf32, #tpu.memory_space<vmem_shared>>)
    %barrier3A_43 = arith.constant 0 : index
    tpu.barrier barrier_id(%barrier3A_43)
    %mul3A_44 = arith.constant 624 : i32
    %mul3A_45 = arith.muli %arg1, %mul3A_44 : i32
    %mul3A_46 = arith.constant 10000 : i32
    %mul3A_47 = arith.muli %arg0, %mul3A_46 : i32
    %mul3A_48 = arith.constant 624 : i32
    %mul3A_49 = arith.muli %arg1, %mul3A_48 : i32
    %add3A_50 = arith.addi %mul3A_47, %mul3A_49 : i32
    "tpu.region"() ({
      %run_scoped3A = tpu.sem_alloc : memref<!tpu.dma_semaphore, #tpu.memory_space<semaphore_mem>>
      %dma_start3A = arith.constant 0 : i32
      %dma_start3A_56 = tpu.memref_slice %arg6[%add3A_50, %dma_start3A] : memref<20000x128xf32, #tpu.memory_space<hbm>> -> memref<624x128xf32, #tpu.memory_space<hbm>>
      %dma_start3A_57 = arith.constant 0 : i32
      %dma_start3A_58 = tpu.memref_slice %arg7[%mul3A_45, %dma_start3A_57] : memref<10008x128xf32, #tpu.memory_space<vmem_shared>> -> memref<624x128xf32, #tpu.memory_space<vmem_shared>>
      tpu.enqueue_dma source(%dma_start3A_58 : memref<624x128xf32, #tpu.memory_space<vmem_shared>>) target(%dma_start3A_56 : memref<624x128xf32, #tpu.memory_space<hbm>>) target_semaphore(%run_scoped3A : memref<!tpu.dma_semaphore, #tpu.memory_space<semaphore_mem>>)
      %dma_wait3A_59 = arith.constant 0 : i32
      %dma_wait3A_60 = tpu.memref_slice %arg6[%add3A_50, %dma_wait3A_59] : memref<20000x128xf32, #tpu.memory_space<hbm>> -> memref<624x128xf32, #tpu.memory_space<hbm>>
      %dma_wait3A_61 = arith.constant 0 : i32
      %dma_wait3A_62 = tpu.memref_slice %arg7[%mul3A_45, %dma_wait3A_61] : memref<10008x128xf32, #tpu.memory_space<vmem_shared>> -> memref<624x128xf32, #tpu.memory_space<vmem_shared>>
      tpu.wait_dma2 semaphore(%run_scoped3A : memref<!tpu.dma_semaphore, #tpu.memory_space<semaphore_mem>>) src(%dma_wait3A_62 : memref<624x128xf32, #tpu.memory_space<vmem_shared>>) dst(%dma_wait3A_60 : memref<624x128xf32, #tpu.memory_space<hbm>>)
      tpu.yield
    }) : () -> ()
    %eq3A_51 = arith.constant 15 : i32
    %eq3A_52 = arith.cmpi eq, %arg1, %eq3A_51 : i32
    %convert_element_type3A_53 = arith.extui %eq3A_52 : i1 to i32
    %cond3A_54 = arith.constant 0 : i32
    %cond3A_55 = arith.cmpi ne, %convert_element_type3A_53, %cond3A_54 : i32
    scf.if %cond3A_55 {
      %mul3A_56 = arith.constant 10000 : i32
      %mul3A_57 = arith.muli %arg0, %mul3A_56 : i32
      %add3A_58 = arith.constant 9984 : i32
      %add3A_59 = arith.addi %mul3A_57, %add3A_58 : i32
      "tpu.region"() ({
        %run_scoped3A = tpu.sem_alloc : memref<!tpu.dma_semaphore, #tpu.memory_space<semaphore_mem>>
        %dma_start3A = arith.constant 0 : i32
        %dma_start3A_60 = tpu.memref_slice %arg6[%add3A_59, %dma_start3A] : memref<20000x128xf32, #tpu.memory_space<hbm>> -> memref<16x128xf32, #tpu.memory_space<hbm>>
        %dma_start3A_61 = arith.constant 9984 : i32
        %dma_start3A_62 = arith.constant 0 : i32
        %dma_start3A_63 = tpu.memref_slice %arg7[%dma_start3A_61, %dma_start3A_62] : memref<10008x128xf32, #tpu.memory_space<vmem_shared>> -> memref<16x128xf32, #tpu.memory_space<vmem_shared>>
        tpu.enqueue_dma source(%dma_start3A_63 : memref<16x128xf32, #tpu.memory_space<vmem_shared>>) target(%dma_start3A_60 : memref<16x128xf32, #tpu.memory_space<hbm>>) target_semaphore(%run_scoped3A : memref<!tpu.dma_semaphore, #tpu.memory_space<semaphore_mem>>)
        %dma_wait3A_64 = arith.constant 0 : i32
        %dma_wait3A_65 = tpu.memref_slice %arg6[%add3A_59, %dma_wait3A_64] : memref<20000x128xf32, #tpu.memory_space<hbm>> -> memref<16x128xf32, #tpu.memory_space<hbm>>
        %dma_wait3A_66 = arith.constant 9984 : i32
        %dma_wait3A_67 = arith.constant 0 : i32
        %dma_wait3A_68 = tpu.memref_slice %arg7[%dma_wait3A_66, %dma_wait3A_67] : memref<10008x128xf32, #tpu.memory_space<vmem_shared>> -> memref<16x128xf32, #tpu.memory_space<vmem_shared>>
        tpu.wait_dma2 semaphore(%run_scoped3A : memref<!tpu.dma_semaphore, #tpu.memory_space<semaphore_mem>>) src(%dma_wait3A_68 : memref<16x128xf32, #tpu.memory_space<vmem_shared>>) dst(%dma_wait3A_65 : memref<16x128xf32, #tpu.memory_space<hbm>>)
        tpu.yield
      }) : () -> ()
    } else {
    }
    return
  }
}

#map = affine_map<(d0, d1) -> (0, 0)>
#map1 = affine_map<(d0, d1) -> (0)>
module attributes {stable_mosaic.version = 14 : i64} {
  func.func @body(%arg0: i32, %arg1: i32, %arg2: memref<10000x128xf32, #tpu.memory_space<hbm>>, %arg3: memref<321536xi32, #tpu.memory_space<hbm>>, %arg4: memref<321536xi32, #tpu.memory_space<hbm>>, %arg5: memref<624x128xf32, #tpu.memory_space<hbm>>, %arg6: memref<20000x128xf32, #tpu.memory_space<hbm>>, %arg7: memref<10008x128xf32, #tpu.memory_space<vmem_shared>>, %arg8: memref<3x128x128xf32, #tpu.memory_space<vmem>>, %arg9: memref<128xi32, #tpu.memory_space<vmem>>, %arg10: memref<128xi32, #tpu.memory_space<vmem>>, %arg11: memref<128xi32, #tpu.memory_space<vmem>>, %arg12: memref<128xi32, #tpu.memory_space<vmem>>, %arg13: memref<128xi32, #tpu.memory_space<vmem>>, %arg14: memref<128xi32, #tpu.memory_space<vmem>>, %arg15: memref<!tpu.dma_semaphore, #tpu.memory_space<semaphore_mem>>, %arg16: memref<!tpu.dma_semaphore, #tpu.memory_space<semaphore_mem>>, %arg17: memref<!tpu.dma_semaphore, #tpu.memory_space<semaphore_mem>>, %arg18: memref<!tpu.dma_semaphore, #tpu.memory_space<semaphore_mem>>, %arg19: memref<!tpu.dma_semaphore, #tpu.memory_space<semaphore_mem>>, %arg20: memref<!tpu.dma_semaphore, #tpu.memory_space<semaphore_mem>>, %arg21: memref<!tpu.dma_semaphore, #tpu.memory_space<semaphore_mem>>, %arg22: memref<!tpu.dma_semaphore, #tpu.memory_space<semaphore_mem>>, %arg23: memref<!tpu.dma_semaphore, #tpu.memory_space<semaphore_mem>>) attributes {dimension_semantics = [#tpu.dimension_semantics<core_parallel>, #tpu.dimension_semantics<subcore_parallel>], iteration_bounds = array<i64: 2, 16>, scalar_prefetch = 0 : i64, scratch_operands = 17 : i64, tpu.core_type = #tpu.core_type<sc_vector_subcore>, window_params = [{transform_indices = #map}, {transform_indices = #map1}, {transform_indices = #map1}, {transform_indices = #map}, {transform_indices = #map}]} {
    %eq3A = arith.constant 0 : i32
    %eq3A_0 = arith.cmpi eq, %arg0, %eq3A : i32
    %jit3A = arith.constant 32 : i32
    %jit3A_1 = arith.constant 125 : i32
    %select_n3A = arith.select %eq3A_0, %jit3A, %jit3A_1 : i32
    %eq3A_2 = arith.constant 0 : i32
    %eq3A_3 = arith.cmpi eq, %arg0, %eq3A_2 : i32
    %mul3A = arith.constant 32 : i32
    %mul3A_4 = arith.muli %arg1, %mul3A : i32
    %mul3A_5 = arith.constant 125 : i32
    %mul3A_6 = arith.muli %arg1, %mul3A_5 : i32
    %add3A = arith.constant 512 : i32
    %add3A_7 = arith.addi %add3A, %mul3A_6 : i32
    %select_n3A_8 = arith.select %eq3A_3, %mul3A_4, %add3A_7 : i32
    %mul3A_9 = arith.constant 128 : i32
    %mul3A_10 = arith.muli %select_n3A_8, %mul3A_9 : i32
    %mul3A_11 = arith.constant 624 : i32
    %mul3A_12 = arith.muli %arg1, %mul3A_11 : i32
    "tpu.region"() ({
      %run_scoped3A = tpu.sem_alloc : memref<!tpu.dma_semaphore, #tpu.memory_space<semaphore_mem>>
      %dma_start3A = arith.constant 0 : i32
      %dma_start3A_56 = tpu.memref_slice %arg7[%mul3A_12, %dma_start3A] : memref<10008x128xf32, #tpu.memory_space<vmem_shared>> -> memref<624x128xf32, #tpu.memory_space<vmem_shared>>
      tpu.enqueue_dma source(%arg5 : memref<624x128xf32, #tpu.memory_space<hbm>>) target(%dma_start3A_56 : memref<624x128xf32, #tpu.memory_space<vmem_shared>>) target_semaphore(%run_scoped3A : memref<!tpu.dma_semaphore, #tpu.memory_space<semaphore_mem>>)
      %dma_wait3A_57 = arith.constant 0 : i32
      %dma_wait3A_58 = tpu.memref_slice %arg7[%mul3A_12, %dma_wait3A_57] : memref<10008x128xf32, #tpu.memory_space<vmem_shared>> -> memref<624x128xf32, #tpu.memory_space<vmem_shared>>
      tpu.wait_dma2 semaphore(%run_scoped3A : memref<!tpu.dma_semaphore, #tpu.memory_space<semaphore_mem>>) src(%arg5 : memref<624x128xf32, #tpu.memory_space<hbm>>) dst(%dma_wait3A_58 : memref<624x128xf32, #tpu.memory_space<vmem_shared>>)
      tpu.yield
    }) : () -> ()
    %eq3A_13 = arith.constant 15 : i32
    %eq3A_14 = arith.cmpi eq, %arg1, %eq3A_13 : i32
    %convert_element_type3A = arith.extui %eq3A_14 : i1 to i32
    %cond3A = arith.constant 0 : i32
    %cond3A_15 = arith.cmpi ne, %convert_element_type3A, %cond3A : i32
    scf.if %cond3A_15 {
      "tpu.region"() ({
        %run_scoped3A = tpu.sem_alloc : memref<!tpu.dma_semaphore, #tpu.memory_space<semaphore_mem>>
        %dma_start3A = arith.constant 9984 : i32
        %dma_start3A_56 = arith.constant 0 : i32
        %dma_start3A_57 = tpu.memref_slice %arg7[%dma_start3A, %dma_start3A_56] : memref<10008x128xf32, #tpu.memory_space<vmem_shared>> -> memref<16x128xf32, #tpu.memory_space<vmem_shared>>
        %dma_start3A_58 = arith.constant 0 : i32
        %dma_start3A_59 = arith.constant 0 : i32
        %dma_start3A_60 = tpu.memref_slice %arg5[%dma_start3A_58, %dma_start3A_59] : memref<624x128xf32, #tpu.memory_space<hbm>> -> memref<16x128xf32, #tpu.memory_space<hbm>>
        tpu.enqueue_dma source(%dma_start3A_60 : memref<16x128xf32, #tpu.memory_space<hbm>>) target(%dma_start3A_57 : memref<16x128xf32, #tpu.memory_space<vmem_shared>>) target_semaphore(%run_scoped3A : memref<!tpu.dma_semaphore, #tpu.memory_space<semaphore_mem>>)
        %dma_wait3A_61 = arith.constant 9984 : i32
        %dma_wait3A_62 = arith.constant 0 : i32
        %dma_wait3A_63 = tpu.memref_slice %arg7[%dma_wait3A_61, %dma_wait3A_62] : memref<10008x128xf32, #tpu.memory_space<vmem_shared>> -> memref<16x128xf32, #tpu.memory_space<vmem_shared>>
        %dma_wait3A_64 = arith.constant 0 : i32
        %dma_wait3A_65 = arith.constant 0 : i32
        %dma_wait3A_66 = tpu.memref_slice %arg5[%dma_wait3A_64, %dma_wait3A_65] : memref<624x128xf32, #tpu.memory_space<hbm>> -> memref<16x128xf32, #tpu.memory_space<hbm>>
        tpu.wait_dma2 semaphore(%run_scoped3A : memref<!tpu.dma_semaphore, #tpu.memory_space<semaphore_mem>>) src(%dma_wait3A_66 : memref<16x128xf32, #tpu.memory_space<hbm>>) dst(%dma_wait3A_63 : memref<16x128xf32, #tpu.memory_space<vmem_shared>>)
        tpu.yield
      }) : () -> ()
    } else {
    }
    %barrier3A = arith.constant 0 : index
    tpu.barrier barrier_id(%barrier3A)
    %scan3A = arith.constant 0 : i32
    %scan3A_16 = arith.constant 42 : i32
    %scan3A_17 = arith.addi %scan3A, %scan3A_16 : i32
    %scan3A_18 = arith.constant 1 : i32
    scf.for %scan3A_56 = %scan3A to %scan3A_17 step %scan3A_18  : i32 {
      %mul3A_57 = arith.constant 3 : i32
      %mul3A_58 = arith.muli %scan3A_56, %mul3A_57 : i32
      %add3A_59 = arith.constant 0 : i32
      %add3A_60 = arith.addi %add3A_59, %mul3A_58 : i32
      %add3A_61 = arith.constant 0 : i32
      %add3A_62 = arith.addi %add3A_60, %add3A_61 : i32
      %ge3A = arith.constant 3 : i32
      %ge3A_63 = arith.cmpi sge, %add3A_62, %ge3A : i32
      %lt3A = arith.cmpi slt, %add3A_62, %select_n3A : i32
      %and3A = arith.andi %ge3A_63, %lt3A : i1
      %convert_element_type3A_64 = arith.extui %and3A : i1 to i32
      %cond3A_65 = arith.constant 0 : i32
      %cond3A_66 = arith.cmpi ne, %convert_element_type3A_64, %cond3A_65 : i32
      scf.if %cond3A_66 {
        %dma_wait3A_129 = arith.constant 0 : i32
        %dma_wait3A_130 = arith.constant 0 : i32
        %dma_wait3A_131 = arith.constant 0 : i32
        %dma_wait3A_132 = tpu.memref_slice %arg8[%dma_wait3A_129, %dma_wait3A_130, %dma_wait3A_131] : memref<3x128x128xf32, #tpu.memory_space<vmem>> -> memref<1x128x128xf32, #tpu.memory_space<vmem>>
        %dma_wait3A_133 = tpu.memref_squeeze %dma_wait3A_132 : memref<1x128x128xf32, #tpu.memory_space<vmem>> -> memref<128x128xf32, #tpu.memory_space<vmem>>
        %dma_wait3A_134 = arith.constant 0 : i32
        %dma_wait3A_135 = arith.constant 0 : i32
        %dma_wait3A_136 = tpu.memref_slice %arg7[%dma_wait3A_134, %dma_wait3A_135] : memref<10008x128xf32, #tpu.memory_space<vmem_shared>> -> memref<10008x128xf32, #tpu.memory_space<vmem_shared>>
        tpu.wait_indirect_dma semaphore(%arg21 : memref<!tpu.dma_semaphore, #tpu.memory_space<semaphore_mem>>) src(%dma_wait3A_133 : memref<128x128xf32, #tpu.memory_space<vmem>>) dst(%dma_wait3A_136 : memref<10008x128xf32, #tpu.memory_space<vmem_shared>>)
      } else {
      }
      %lt3A_67 = arith.cmpi slt, %add3A_62, %select_n3A : i32
      %convert_element_type3A_68 = arith.extui %lt3A_67 : i1 to i32
      %cond3A_69 = arith.constant 0 : i32
      %cond3A_70 = arith.cmpi ne, %convert_element_type3A_68, %cond3A_69 : i32
      scf.if %cond3A_70 {
        %mul3A_129 = arith.constant 128 : i32
        %mul3A_130 = arith.muli %add3A_62, %mul3A_129 : i32
        %add3A_131 = arith.addi %mul3A_10, %mul3A_130 : i32
        %dma_start3A = tpu.memref_slice %arg3[%add3A_131] : memref<321536xi32, #tpu.memory_space<hbm>> -> memref<128xi32, #tpu.memory_space<hbm>>
        %dma_start3A_132 = tpu.memref_slice %arg3[%add3A_131] : memref<321536xi32, #tpu.memory_space<hbm>> -> memref<128xi32, #tpu.memory_space<hbm>>
        tpu.enqueue_dma source(%dma_start3A_132 : memref<128xi32, #tpu.memory_space<hbm>>) target(%arg9 : memref<128xi32, #tpu.memory_space<vmem>>) target_semaphore(%arg15 : memref<!tpu.dma_semaphore, #tpu.memory_space<semaphore_mem>>)
        %mul3A_133 = arith.constant 128 : i32
        %mul3A_134 = arith.muli %add3A_62, %mul3A_133 : i32
        %add3A_135 = arith.addi %mul3A_10, %mul3A_134 : i32
        %dma_start3A_136 = tpu.memref_slice %arg4[%add3A_135] : memref<321536xi32, #tpu.memory_space<hbm>> -> memref<128xi32, #tpu.memory_space<hbm>>
        %dma_start3A_137 = tpu.memref_slice %arg4[%add3A_135] : memref<321536xi32, #tpu.memory_space<hbm>> -> memref<128xi32, #tpu.memory_space<hbm>>
        tpu.enqueue_dma source(%dma_start3A_137 : memref<128xi32, #tpu.memory_space<hbm>>) target(%arg12 : memref<128xi32, #tpu.memory_space<vmem>>) target_semaphore(%arg15 : memref<!tpu.dma_semaphore, #tpu.memory_space<semaphore_mem>>)
      } else {
      }
      %ge3A_71 = arith.constant 1 : i32
      %ge3A_72 = arith.cmpi sge, %add3A_62, %ge3A_71 : i32
      %le3A = arith.cmpi sle, %add3A_62, %select_n3A : i32
      %and3A_73 = arith.andi %ge3A_72, %le3A : i1
      %convert_element_type3A_74 = arith.extui %and3A_73 : i1 to i32
      %cond3A_75 = arith.constant 0 : i32
      %cond3A_76 = arith.cmpi ne, %convert_element_type3A_74, %cond3A_75 : i32
      scf.if %cond3A_76 {
        %dma_wait3A_129 = arith.constant 2 : i32
        %dma_wait3A_130 = arith.constant 0 : i32
        %dma_wait3A_131 = arith.constant 0 : i32
        %dma_wait3A_132 = tpu.memref_slice %arg8[%dma_wait3A_129, %dma_wait3A_130, %dma_wait3A_131] : memref<3x128x128xf32, #tpu.memory_space<vmem>> -> memref<1x128x128xf32, #tpu.memory_space<vmem>>
        %dma_wait3A_133 = tpu.memref_squeeze %dma_wait3A_132 : memref<1x128x128xf32, #tpu.memory_space<vmem>> -> memref<128x128xf32, #tpu.memory_space<vmem>>
        %dma_wait3A_134 = arith.constant 0 : i32
        %dma_wait3A_135 = arith.constant 0 : i32
        %dma_wait3A_136 = tpu.memref_slice %arg2[%dma_wait3A_134, %dma_wait3A_135] : memref<10000x128xf32, #tpu.memory_space<hbm>> -> memref<10000x128xf32, #tpu.memory_space<hbm>>
        tpu.wait_indirect_dma semaphore(%arg20 : memref<!tpu.dma_semaphore, #tpu.memory_space<semaphore_mem>>) src(%dma_wait3A_136 : memref<10000x128xf32, #tpu.memory_space<hbm>>) dst(%dma_wait3A_133 : memref<128x128xf32, #tpu.memory_space<vmem>>)
        %dma_start3A = arith.constant 2 : i32
        %dma_start3A_137 = arith.constant 0 : i32
        %dma_start3A_138 = arith.constant 0 : i32
        %dma_start3A_139 = tpu.memref_slice %arg8[%dma_start3A, %dma_start3A_137, %dma_start3A_138] : memref<3x128x128xf32, #tpu.memory_space<vmem>> -> memref<1x128x128xf32, #tpu.memory_space<vmem>>
        %dma_start3A_140 = tpu.memref_squeeze %dma_start3A_139 : memref<1x128x128xf32, #tpu.memory_space<vmem>> -> memref<128x128xf32, #tpu.memory_space<vmem>>
        %dma_start3A_141 = arith.constant 0 : i32
        %dma_start3A_142 = arith.constant 0 : i32
        %dma_start3A_143 = tpu.memref_slice %arg7[%dma_start3A_141, %dma_start3A_142] : memref<10008x128xf32, #tpu.memory_space<vmem_shared>> -> memref<10008x128xf32, #tpu.memory_space<vmem_shared>>
        tpu.enqueue_indirect_dma source(%dma_start3A_140 : memref<128x128xf32, #tpu.memory_space<vmem>>) target(%dma_start3A_143 : memref<10008x128xf32, #tpu.memory_space<vmem_shared>>) offsets(%arg14 : memref<128xi32, #tpu.memory_space<vmem>>) semaphore(%arg23 : memref<!tpu.dma_semaphore, #tpu.memory_space<semaphore_mem>>) {add = true}
      } else {
      }
      %lt3A_77 = arith.cmpi slt, %add3A_62, %select_n3A : i32
      %convert_element_type3A_78 = arith.extui %lt3A_77 : i1 to i32
      %cond3A_79 = arith.constant 0 : i32
      %cond3A_80 = arith.cmpi ne, %convert_element_type3A_78, %cond3A_79 : i32
      scf.if %cond3A_80 {
        %dma_wait3A_129 = tpu.memref_slice %arg3[%mul3A_10] : memref<321536xi32, #tpu.memory_space<hbm>> -> memref<128xi32, #tpu.memory_space<hbm>>
        %dma_wait3A_130 = tpu.memref_slice %arg3[%mul3A_10] : memref<321536xi32, #tpu.memory_space<hbm>> -> memref<128xi32, #tpu.memory_space<hbm>>
        tpu.wait_dma2 semaphore(%arg15 : memref<!tpu.dma_semaphore, #tpu.memory_space<semaphore_mem>>) src(%dma_wait3A_130 : memref<128xi32, #tpu.memory_space<hbm>>) dst(%arg9 : memref<128xi32, #tpu.memory_space<vmem>>)
        %dma_wait3A_131 = tpu.memref_slice %arg4[%mul3A_10] : memref<321536xi32, #tpu.memory_space<hbm>> -> memref<128xi32, #tpu.memory_space<hbm>>
        %dma_wait3A_132 = tpu.memref_slice %arg4[%mul3A_10] : memref<321536xi32, #tpu.memory_space<hbm>> -> memref<128xi32, #tpu.memory_space<hbm>>
        tpu.wait_dma2 semaphore(%arg15 : memref<!tpu.dma_semaphore, #tpu.memory_space<semaphore_mem>>) src(%dma_wait3A_132 : memref<128xi32, #tpu.memory_space<hbm>>) dst(%arg12 : memref<128xi32, #tpu.memory_space<vmem>>)
        %dma_start3A = arith.constant 0 : i32
        %dma_start3A_133 = arith.constant 0 : i32
        %dma_start3A_134 = arith.constant 0 : i32
        %dma_start3A_135 = tpu.memref_slice %arg8[%dma_start3A, %dma_start3A_133, %dma_start3A_134] : memref<3x128x128xf32, #tpu.memory_space<vmem>> -> memref<1x128x128xf32, #tpu.memory_space<vmem>>
        %dma_start3A_136 = tpu.memref_squeeze %dma_start3A_135 : memref<1x128x128xf32, #tpu.memory_space<vmem>> -> memref<128x128xf32, #tpu.memory_space<vmem>>
        %dma_start3A_137 = arith.constant 0 : i32
        %dma_start3A_138 = arith.constant 0 : i32
        %dma_start3A_139 = tpu.memref_slice %arg2[%dma_start3A_137, %dma_start3A_138] : memref<10000x128xf32, #tpu.memory_space<hbm>> -> memref<10000x128xf32, #tpu.memory_space<hbm>>
        tpu.enqueue_indirect_dma source(%dma_start3A_139 : memref<10000x128xf32, #tpu.memory_space<hbm>>) target(%dma_start3A_136 : memref<128x128xf32, #tpu.memory_space<vmem>>) offsets(%arg9 : memref<128xi32, #tpu.memory_space<vmem>>) semaphore(%arg18 : memref<!tpu.dma_semaphore, #tpu.memory_space<semaphore_mem>>)
      } else {
      }
      %add3A_81 = arith.constant 1 : i32
      %add3A_82 = arith.addi %add3A_60, %add3A_81 : i32
      %ge3A_83 = arith.constant 3 : i32
      %ge3A_84 = arith.cmpi sge, %add3A_82, %ge3A_83 : i32
      %lt3A_85 = arith.cmpi slt, %add3A_82, %select_n3A : i32
      %and3A_86 = arith.andi %ge3A_84, %lt3A_85 : i1
      %convert_element_type3A_87 = arith.extui %and3A_86 : i1 to i32
      %cond3A_88 = arith.constant 0 : i32
      %cond3A_89 = arith.cmpi ne, %convert_element_type3A_87, %cond3A_88 : i32
      scf.if %cond3A_89 {
        %dma_wait3A_129 = arith.constant 1 : i32
        %dma_wait3A_130 = arith.constant 0 : i32
        %dma_wait3A_131 = arith.constant 0 : i32
        %dma_wait3A_132 = tpu.memref_slice %arg8[%dma_wait3A_129, %dma_wait3A_130, %dma_wait3A_131] : memref<3x128x128xf32, #tpu.memory_space<vmem>> -> memref<1x128x128xf32, #tpu.memory_space<vmem>>
        %dma_wait3A_133 = tpu.memref_squeeze %dma_wait3A_132 : memref<1x128x128xf32, #tpu.memory_space<vmem>> -> memref<128x128xf32, #tpu.memory_space<vmem>>
        %dma_wait3A_134 = arith.constant 0 : i32
        %dma_wait3A_135 = arith.constant 0 : i32
        %dma_wait3A_136 = tpu.memref_slice %arg7[%dma_wait3A_134, %dma_wait3A_135] : memref<10008x128xf32, #tpu.memory_space<vmem_shared>> -> memref<10008x128xf32, #tpu.memory_space<vmem_shared>>
        tpu.wait_indirect_dma semaphore(%arg22 : memref<!tpu.dma_semaphore, #tpu.memory_space<semaphore_mem>>) src(%dma_wait3A_133 : memref<128x128xf32, #tpu.memory_space<vmem>>) dst(%dma_wait3A_136 : memref<10008x128xf32, #tpu.memory_space<vmem_shared>>)
      } else {
      }
      %lt3A_90 = arith.cmpi slt, %add3A_82, %select_n3A : i32
      %convert_element_type3A_91 = arith.extui %lt3A_90 : i1 to i32
      %cond3A_92 = arith.constant 0 : i32
      %cond3A_93 = arith.cmpi ne, %convert_element_type3A_91, %cond3A_92 : i32
      scf.if %cond3A_93 {
        %mul3A_129 = arith.constant 128 : i32
        %mul3A_130 = arith.muli %add3A_82, %mul3A_129 : i32
        %add3A_131 = arith.addi %mul3A_10, %mul3A_130 : i32
        %dma_start3A = tpu.memref_slice %arg3[%add3A_131] : memref<321536xi32, #tpu.memory_space<hbm>> -> memref<128xi32, #tpu.memory_space<hbm>>
        %dma_start3A_132 = tpu.memref_slice %arg3[%add3A_131] : memref<321536xi32, #tpu.memory_space<hbm>> -> memref<128xi32, #tpu.memory_space<hbm>>
        tpu.enqueue_dma source(%dma_start3A_132 : memref<128xi32, #tpu.memory_space<hbm>>) target(%arg10 : memref<128xi32, #tpu.memory_space<vmem>>) target_semaphore(%arg16 : memref<!tpu.dma_semaphore, #tpu.memory_space<semaphore_mem>>)
        %mul3A_133 = arith.constant 128 : i32
        %mul3A_134 = arith.muli %add3A_82, %mul3A_133 : i32
        %add3A_135 = arith.addi %mul3A_10, %mul3A_134 : i32
        %dma_start3A_136 = tpu.memref_slice %arg4[%add3A_135] : memref<321536xi32, #tpu.memory_space<hbm>> -> memref<128xi32, #tpu.memory_space<hbm>>
        %dma_start3A_137 = tpu.memref_slice %arg4[%add3A_135] : memref<321536xi32, #tpu.memory_space<hbm>> -> memref<128xi32, #tpu.memory_space<hbm>>
        tpu.enqueue_dma source(%dma_start3A_137 : memref<128xi32, #tpu.memory_space<hbm>>) target(%arg13 : memref<128xi32, #tpu.memory_space<vmem>>) target_semaphore(%arg16 : memref<!tpu.dma_semaphore, #tpu.memory_space<semaphore_mem>>)
      } else {
      }
      %ge3A_94 = arith.constant 1 : i32
      %ge3A_95 = arith.cmpi sge, %add3A_82, %ge3A_94 : i32
      %le3A_96 = arith.cmpi sle, %add3A_82, %select_n3A : i32
      %and3A_97 = arith.andi %ge3A_95, %le3A_96 : i1
      %convert_element_type3A_98 = arith.extui %and3A_97 : i1 to i32
      %cond3A_99 = arith.constant 0 : i32
      %cond3A_100 = arith.cmpi ne, %convert_element_type3A_98, %cond3A_99 : i32
      scf.if %cond3A_100 {
        %dma_wait3A_129 = arith.constant 0 : i32
        %dma_wait3A_130 = arith.constant 0 : i32
        %dma_wait3A_131 = arith.constant 0 : i32
        %dma_wait3A_132 = tpu.memref_slice %arg8[%dma_wait3A_129, %dma_wait3A_130, %dma_wait3A_131] : memref<3x128x128xf32, #tpu.memory_space<vmem>> -> memref<1x128x128xf32, #tpu.memory_space<vmem>>
        %dma_wait3A_133 = tpu.memref_squeeze %dma_wait3A_132 : memref<1x128x128xf32, #tpu.memory_space<vmem>> -> memref<128x128xf32, #tpu.memory_space<vmem>>
        %dma_wait3A_134 = arith.constant 0 : i32
        %dma_wait3A_135 = arith.constant 0 : i32
        %dma_wait3A_136 = tpu.memref_slice %arg2[%dma_wait3A_134, %dma_wait3A_135] : memref<10000x128xf32, #tpu.memory_space<hbm>> -> memref<10000x128xf32, #tpu.memory_space<hbm>>
        tpu.wait_indirect_dma semaphore(%arg18 : memref<!tpu.dma_semaphore, #tpu.memory_space<semaphore_mem>>) src(%dma_wait3A_136 : memref<10000x128xf32, #tpu.memory_space<hbm>>) dst(%dma_wait3A_133 : memref<128x128xf32, #tpu.memory_space<vmem>>)
        %dma_start3A = arith.constant 0 : i32
        %dma_start3A_137 = arith.constant 0 : i32
        %dma_start3A_138 = arith.constant 0 : i32
        %dma_start3A_139 = tpu.memref_slice %arg8[%dma_start3A, %dma_start3A_137, %dma_start3A_138] : memref<3x128x128xf32, #tpu.memory_space<vmem>> -> memref<1x128x128xf32, #tpu.memory_space<vmem>>
        %dma_start3A_140 = tpu.memref_squeeze %dma_start3A_139 : memref<1x128x128xf32, #tpu.memory_space<vmem>> -> memref<128x128xf32, #tpu.memory_space<vmem>>
        %dma_start3A_141 = arith.constant 0 : i32
        %dma_start3A_142 = arith.constant 0 : i32
        %dma_start3A_143 = tpu.memref_slice %arg7[%dma_start3A_141, %dma_start3A_142] : memref<10008x128xf32, #tpu.memory_space<vmem_shared>> -> memref<10008x128xf32, #tpu.memory_space<vmem_shared>>
        tpu.enqueue_indirect_dma source(%dma_start3A_140 : memref<128x128xf32, #tpu.memory_space<vmem>>) target(%dma_start3A_143 : memref<10008x128xf32, #tpu.memory_space<vmem_shared>>) offsets(%arg12 : memref<128xi32, #tpu.memory_space<vmem>>) semaphore(%arg21 : memref<!tpu.dma_semaphore, #tpu.memory_space<semaphore_mem>>) {add = true}
      } else {
      }
      %lt3A_101 = arith.cmpi slt, %add3A_82, %select_n3A : i32
      %convert_element_type3A_102 = arith.extui %lt3A_101 : i1 to i32
      %cond3A_103 = arith.constant 0 : i32
      %cond3A_104 = arith.cmpi ne, %convert_element_type3A_102, %cond3A_103 : i32
      scf.if %cond3A_104 {
        %dma_wait3A_129 = tpu.memref_slice %arg3[%mul3A_10] : memref<321536xi32, #tpu.memory_space<hbm>> -> memref<128xi32, #tpu.memory_space<hbm>>
        %dma_wait3A_130 = tpu.memref_slice %arg3[%mul3A_10] : memref<321536xi32, #tpu.memory_space<hbm>> -> memref<128xi32, #tpu.memory_space<hbm>>
        tpu.wait_dma2 semaphore(%arg16 : memref<!tpu.dma_semaphore, #tpu.memory_space<semaphore_mem>>) src(%dma_wait3A_130 : memref<128xi32, #tpu.memory_space<hbm>>) dst(%arg10 : memref<128xi32, #tpu.memory_space<vmem>>)
        %dma_wait3A_131 = tpu.memref_slice %arg4[%mul3A_10] : memref<321536xi32, #tpu.memory_space<hbm>> -> memref<128xi32, #tpu.memory_space<hbm>>
        %dma_wait3A_132 = tpu.memref_slice %arg4[%mul3A_10] : memref<321536xi32, #tpu.memory_space<hbm>> -> memref<128xi32, #tpu.memory_space<hbm>>
        tpu.wait_dma2 semaphore(%arg16 : memref<!tpu.dma_semaphore, #tpu.memory_space<semaphore_mem>>) src(%dma_wait3A_132 : memref<128xi32, #tpu.memory_space<hbm>>) dst(%arg13 : memref<128xi32, #tpu.memory_space<vmem>>)
        %dma_start3A = arith.constant 1 : i32
        %dma_start3A_133 = arith.constant 0 : i32
        %dma_start3A_134 = arith.constant 0 : i32
        %dma_start3A_135 = tpu.memref_slice %arg8[%dma_start3A, %dma_start3A_133, %dma_start3A_134] : memref<3x128x128xf32, #tpu.memory_space<vmem>> -> memref<1x128x128xf32, #tpu.memory_space<vmem>>
        %dma_start3A_136 = tpu.memref_squeeze %dma_start3A_135 : memref<1x128x128xf32, #tpu.memory_space<vmem>> -> memref<128x128xf32, #tpu.memory_space<vmem>>
        %dma_start3A_137 = arith.constant 0 : i32
        %dma_start3A_138 = arith.constant 0 : i32
        %dma_start3A_139 = tpu.memref_slice %arg2[%dma_start3A_137, %dma_start3A_138] : memref<10000x128xf32, #tpu.memory_space<hbm>> -> memref<10000x128xf32, #tpu.memory_space<hbm>>
        tpu.enqueue_indirect_dma source(%dma_start3A_139 : memref<10000x128xf32, #tpu.memory_space<hbm>>) target(%dma_start3A_136 : memref<128x128xf32, #tpu.memory_space<vmem>>) offsets(%arg10 : memref<128xi32, #tpu.memory_space<vmem>>) semaphore(%arg19 : memref<!tpu.dma_semaphore, #tpu.memory_space<semaphore_mem>>)
      } else {
      }
      %add3A_105 = arith.constant 2 : i32
      %add3A_106 = arith.addi %add3A_60, %add3A_105 : i32
      %ge3A_107 = arith.constant 3 : i32
      %ge3A_108 = arith.cmpi sge, %add3A_106, %ge3A_107 : i32
      %lt3A_109 = arith.cmpi slt, %add3A_106, %select_n3A : i32
      %and3A_110 = arith.andi %ge3A_108, %lt3A_109 : i1
      %convert_element_type3A_111 = arith.extui %and3A_110 : i1 to i32
      %cond3A_112 = arith.constant 0 : i32
      %cond3A_113 = arith.cmpi ne, %convert_element_type3A_111, %cond3A_112 : i32
      scf.if %cond3A_113 {
        %dma_wait3A_129 = arith.constant 2 : i32
        %dma_wait3A_130 = arith.constant 0 : i32
        %dma_wait3A_131 = arith.constant 0 : i32
        %dma_wait3A_132 = tpu.memref_slice %arg8[%dma_wait3A_129, %dma_wait3A_130, %dma_wait3A_131] : memref<3x128x128xf32, #tpu.memory_space<vmem>> -> memref<1x128x128xf32, #tpu.memory_space<vmem>>
        %dma_wait3A_133 = tpu.memref_squeeze %dma_wait3A_132 : memref<1x128x128xf32, #tpu.memory_space<vmem>> -> memref<128x128xf32, #tpu.memory_space<vmem>>
        %dma_wait3A_134 = arith.constant 0 : i32
        %dma_wait3A_135 = arith.constant 0 : i32
        %dma_wait3A_136 = tpu.memref_slice %arg7[%dma_wait3A_134, %dma_wait3A_135] : memref<10008x128xf32, #tpu.memory_space<vmem_shared>> -> memref<10008x128xf32, #tpu.memory_space<vmem_shared>>
        tpu.wait_indirect_dma semaphore(%arg23 : memref<!tpu.dma_semaphore, #tpu.memory_space<semaphore_mem>>) src(%dma_wait3A_133 : memref<128x128xf32, #tpu.memory_space<vmem>>) dst(%dma_wait3A_136 : memref<10008x128xf32, #tpu.memory_space<vmem_shared>>)
      } else {
      }
      %lt3A_114 = arith.cmpi slt, %add3A_106, %select_n3A : i32
      %convert_element_type3A_115 = arith.extui %lt3A_114 : i1 to i32
      %cond3A_116 = arith.constant 0 : i32
      %cond3A_117 = arith.cmpi ne, %convert_element_type3A_115, %cond3A_116 : i32
      scf.if %cond3A_117 {
        %mul3A_129 = arith.constant 128 : i32
        %mul3A_130 = arith.muli %add3A_106, %mul3A_129 : i32
        %add3A_131 = arith.addi %mul3A_10, %mul3A_130 : i32
        %dma_start3A = tpu.memref_slice %arg3[%add3A_131] : memref<321536xi32, #tpu.memory_space<hbm>> -> memref<128xi32, #tpu.memory_space<hbm>>
        %dma_start3A_132 = tpu.memref_slice %arg3[%add3A_131] : memref<321536xi32, #tpu.memory_space<hbm>> -> memref<128xi32, #tpu.memory_space<hbm>>
        tpu.enqueue_dma source(%dma_start3A_132 : memref<128xi32, #tpu.memory_space<hbm>>) target(%arg11 : memref<128xi32, #tpu.memory_space<vmem>>) target_semaphore(%arg17 : memref<!tpu.dma_semaphore, #tpu.memory_space<semaphore_mem>>)
        %mul3A_133 = arith.constant 128 : i32
        %mul3A_134 = arith.muli %add3A_106, %mul3A_133 : i32
        %add3A_135 = arith.addi %mul3A_10, %mul3A_134 : i32
        %dma_start3A_136 = tpu.memref_slice %arg4[%add3A_135] : memref<321536xi32, #tpu.memory_space<hbm>> -> memref<128xi32, #tpu.memory_space<hbm>>
        %dma_start3A_137 = tpu.memref_slice %arg4[%add3A_135] : memref<321536xi32, #tpu.memory_space<hbm>> -> memref<128xi32, #tpu.memory_space<hbm>>
        tpu.enqueue_dma source(%dma_start3A_137 : memref<128xi32, #tpu.memory_space<hbm>>) target(%arg14 : memref<128xi32, #tpu.memory_space<vmem>>) target_semaphore(%arg17 : memref<!tpu.dma_semaphore, #tpu.memory_space<semaphore_mem>>)
      } else {
      }
      %ge3A_118 = arith.constant 1 : i32
      %ge3A_119 = arith.cmpi sge, %add3A_106, %ge3A_118 : i32
      %le3A_120 = arith.cmpi sle, %add3A_106, %select_n3A : i32
      %and3A_121 = arith.andi %ge3A_119, %le3A_120 : i1
      %convert_element_type3A_122 = arith.extui %and3A_121 : i1 to i32
      %cond3A_123 = arith.constant 0 : i32
      %cond3A_124 = arith.cmpi ne, %convert_element_type3A_122, %cond3A_123 : i32
      scf.if %cond3A_124 {
        %dma_wait3A_129 = arith.constant 1 : i32
        %dma_wait3A_130 = arith.constant 0 : i32
        %dma_wait3A_131 = arith.constant 0 : i32
        %dma_wait3A_132 = tpu.memref_slice %arg8[%dma_wait3A_129, %dma_wait3A_130, %dma_wait3A_131] : memref<3x128x128xf32, #tpu.memory_space<vmem>> -> memref<1x128x128xf32, #tpu.memory_space<vmem>>
        %dma_wait3A_133 = tpu.memref_squeeze %dma_wait3A_132 : memref<1x128x128xf32, #tpu.memory_space<vmem>> -> memref<128x128xf32, #tpu.memory_space<vmem>>
        %dma_wait3A_134 = arith.constant 0 : i32
        %dma_wait3A_135 = arith.constant 0 : i32
        %dma_wait3A_136 = tpu.memref_slice %arg2[%dma_wait3A_134, %dma_wait3A_135] : memref<10000x128xf32, #tpu.memory_space<hbm>> -> memref<10000x128xf32, #tpu.memory_space<hbm>>
        tpu.wait_indirect_dma semaphore(%arg19 : memref<!tpu.dma_semaphore, #tpu.memory_space<semaphore_mem>>) src(%dma_wait3A_136 : memref<10000x128xf32, #tpu.memory_space<hbm>>) dst(%dma_wait3A_133 : memref<128x128xf32, #tpu.memory_space<vmem>>)
        %dma_start3A = arith.constant 1 : i32
        %dma_start3A_137 = arith.constant 0 : i32
        %dma_start3A_138 = arith.constant 0 : i32
        %dma_start3A_139 = tpu.memref_slice %arg8[%dma_start3A, %dma_start3A_137, %dma_start3A_138] : memref<3x128x128xf32, #tpu.memory_space<vmem>> -> memref<1x128x128xf32, #tpu.memory_space<vmem>>
        %dma_start3A_140 = tpu.memref_squeeze %dma_start3A_139 : memref<1x128x128xf32, #tpu.memory_space<vmem>> -> memref<128x128xf32, #tpu.memory_space<vmem>>
        %dma_start3A_141 = arith.constant 0 : i32
        %dma_start3A_142 = arith.constant 0 : i32
        %dma_start3A_143 = tpu.memref_slice %arg7[%dma_start3A_141, %dma_start3A_142] : memref<10008x128xf32, #tpu.memory_space<vmem_shared>> -> memref<10008x128xf32, #tpu.memory_space<vmem_shared>>
        tpu.enqueue_indirect_dma source(%dma_start3A_140 : memref<128x128xf32, #tpu.memory_space<vmem>>) target(%dma_start3A_143 : memref<10008x128xf32, #tpu.memory_space<vmem_shared>>) offsets(%arg13 : memref<128xi32, #tpu.memory_space<vmem>>) semaphore(%arg22 : memref<!tpu.dma_semaphore, #tpu.memory_space<semaphore_mem>>) {add = true}
      } else {
      }
      %lt3A_125 = arith.cmpi slt, %add3A_106, %select_n3A : i32
      %convert_element_type3A_126 = arith.extui %lt3A_125 : i1 to i32
      %cond3A_127 = arith.constant 0 : i32
      %cond3A_128 = arith.cmpi ne, %convert_element_type3A_126, %cond3A_127 : i32
      scf.if %cond3A_128 {
        %dma_wait3A_129 = tpu.memref_slice %arg3[%mul3A_10] : memref<321536xi32, #tpu.memory_space<hbm>> -> memref<128xi32, #tpu.memory_space<hbm>>
        %dma_wait3A_130 = tpu.memref_slice %arg3[%mul3A_10] : memref<321536xi32, #tpu.memory_space<hbm>> -> memref<128xi32, #tpu.memory_space<hbm>>
        tpu.wait_dma2 semaphore(%arg17 : memref<!tpu.dma_semaphore, #tpu.memory_space<semaphore_mem>>) src(%dma_wait3A_130 : memref<128xi32, #tpu.memory_space<hbm>>) dst(%arg11 : memref<128xi32, #tpu.memory_space<vmem>>)
        %dma_wait3A_131 = tpu.memref_slice %arg4[%mul3A_10] : memref<321536xi32, #tpu.memory_space<hbm>> -> memref<128xi32, #tpu.memory_space<hbm>>
        %dma_wait3A_132 = tpu.memref_slice %arg4[%mul3A_10] : memref<321536xi32, #tpu.memory_space<hbm>> -> memref<128xi32, #tpu.memory_space<hbm>>
        tpu.wait_dma2 semaphore(%arg17 : memref<!tpu.dma_semaphore, #tpu.memory_space<semaphore_mem>>) src(%dma_wait3A_132 : memref<128xi32, #tpu.memory_space<hbm>>) dst(%arg14 : memref<128xi32, #tpu.memory_space<vmem>>)
        %dma_start3A = arith.constant 2 : i32
        %dma_start3A_133 = arith.constant 0 : i32
        %dma_start3A_134 = arith.constant 0 : i32
        %dma_start3A_135 = tpu.memref_slice %arg8[%dma_start3A, %dma_start3A_133, %dma_start3A_134] : memref<3x128x128xf32, #tpu.memory_space<vmem>> -> memref<1x128x128xf32, #tpu.memory_space<vmem>>
        %dma_start3A_136 = tpu.memref_squeeze %dma_start3A_135 : memref<1x128x128xf32, #tpu.memory_space<vmem>> -> memref<128x128xf32, #tpu.memory_space<vmem>>
        %dma_start3A_137 = arith.constant 0 : i32
        %dma_start3A_138 = arith.constant 0 : i32
        %dma_start3A_139 = tpu.memref_slice %arg2[%dma_start3A_137, %dma_start3A_138] : memref<10000x128xf32, #tpu.memory_space<hbm>> -> memref<10000x128xf32, #tpu.memory_space<hbm>>
        tpu.enqueue_indirect_dma source(%dma_start3A_139 : memref<10000x128xf32, #tpu.memory_space<hbm>>) target(%dma_start3A_136 : memref<128x128xf32, #tpu.memory_space<vmem>>) offsets(%arg11 : memref<128xi32, #tpu.memory_space<vmem>>) semaphore(%arg20 : memref<!tpu.dma_semaphore, #tpu.memory_space<semaphore_mem>>)
      } else {
      }
    }
    %scan3A_19 = arith.constant 42 : i32
    %dma_wait3A = arith.constant 0 : i32
    %dma_wait3A_20 = arith.constant 0 : i32
    %dma_wait3A_21 = arith.constant 0 : i32
    %dma_wait3A_22 = tpu.memref_slice %arg8[%dma_wait3A, %dma_wait3A_20, %dma_wait3A_21] : memref<3x128x128xf32, #tpu.memory_space<vmem>> -> memref<1x128x128xf32, #tpu.memory_space<vmem>>
    %dma_wait3A_23 = tpu.memref_squeeze %dma_wait3A_22 : memref<1x128x128xf32, #tpu.memory_space<vmem>> -> memref<128x128xf32, #tpu.memory_space<vmem>>
    %dma_wait3A_24 = arith.constant 0 : i32
    %dma_wait3A_25 = arith.constant 0 : i32
    %dma_wait3A_26 = tpu.memref_slice %arg7[%dma_wait3A_24, %dma_wait3A_25] : memref<10008x128xf32, #tpu.memory_space<vmem_shared>> -> memref<10008x128xf32, #tpu.memory_space<vmem_shared>>
    tpu.wait_indirect_dma semaphore(%arg21 : memref<!tpu.dma_semaphore, #tpu.memory_space<semaphore_mem>>) src(%dma_wait3A_23 : memref<128x128xf32, #tpu.memory_space<vmem>>) dst(%dma_wait3A_26 : memref<10008x128xf32, #tpu.memory_space<vmem_shared>>)
    %dma_wait3A_27 = arith.constant 1 : i32
    %dma_wait3A_28 = arith.constant 0 : i32
    %dma_wait3A_29 = arith.constant 0 : i32
    %dma_wait3A_30 = tpu.memref_slice %arg8[%dma_wait3A_27, %dma_wait3A_28, %dma_wait3A_29] : memref<3x128x128xf32, #tpu.memory_space<vmem>> -> memref<1x128x128xf32, #tpu.memory_space<vmem>>
    %dma_wait3A_31 = tpu.memref_squeeze %dma_wait3A_30 : memref<1x128x128xf32, #tpu.memory_space<vmem>> -> memref<128x128xf32, #tpu.memory_space<vmem>>
    %dma_wait3A_32 = arith.constant 0 : i32
    %dma_wait3A_33 = arith.constant 0 : i32
    %dma_wait3A_34 = tpu.memref_slice %arg7[%dma_wait3A_32, %dma_wait3A_33] : memref<10008x128xf32, #tpu.memory_space<vmem_shared>> -> memref<10008x128xf32, #tpu.memory_space<vmem_shared>>
    tpu.wait_indirect_dma semaphore(%arg22 : memref<!tpu.dma_semaphore, #tpu.memory_space<semaphore_mem>>) src(%dma_wait3A_31 : memref<128x128xf32, #tpu.memory_space<vmem>>) dst(%dma_wait3A_34 : memref<10008x128xf32, #tpu.memory_space<vmem_shared>>)
    %dma_wait3A_35 = arith.constant 2 : i32
    %dma_wait3A_36 = arith.constant 0 : i32
    %dma_wait3A_37 = arith.constant 0 : i32
    %dma_wait3A_38 = tpu.memref_slice %arg8[%dma_wait3A_35, %dma_wait3A_36, %dma_wait3A_37] : memref<3x128x128xf32, #tpu.memory_space<vmem>> -> memref<1x128x128xf32, #tpu.memory_space<vmem>>
    %dma_wait3A_39 = tpu.memref_squeeze %dma_wait3A_38 : memref<1x128x128xf32, #tpu.memory_space<vmem>> -> memref<128x128xf32, #tpu.memory_space<vmem>>
    %dma_wait3A_40 = arith.constant 0 : i32
    %dma_wait3A_41 = arith.constant 0 : i32
    %dma_wait3A_42 = tpu.memref_slice %arg7[%dma_wait3A_40, %dma_wait3A_41] : memref<10008x128xf32, #tpu.memory_space<vmem_shared>> -> memref<10008x128xf32, #tpu.memory_space<vmem_shared>>
    tpu.wait_indirect_dma semaphore(%arg23 : memref<!tpu.dma_semaphore, #tpu.memory_space<semaphore_mem>>) src(%dma_wait3A_39 : memref<128x128xf32, #tpu.memory_space<vmem>>) dst(%dma_wait3A_42 : memref<10008x128xf32, #tpu.memory_space<vmem_shared>>)
    %barrier3A_43 = arith.constant 0 : index
    tpu.barrier barrier_id(%barrier3A_43)
    %mul3A_44 = arith.constant 624 : i32
    %mul3A_45 = arith.muli %arg1, %mul3A_44 : i32
    %mul3A_46 = arith.constant 10000 : i32
    %mul3A_47 = arith.muli %arg0, %mul3A_46 : i32
    %mul3A_48 = arith.constant 624 : i32
    %mul3A_49 = arith.muli %arg1, %mul3A_48 : i32
    %add3A_50 = arith.addi %mul3A_47, %mul3A_49 : i32
    "tpu.region"() ({
      %run_scoped3A = tpu.sem_alloc : memref<!tpu.dma_semaphore, #tpu.memory_space<semaphore_mem>>
      %dma_start3A = arith.constant 0 : i32
      %dma_start3A_56 = tpu.memref_slice %arg6[%add3A_50, %dma_start3A] : memref<20000x128xf32, #tpu.memory_space<hbm>> -> memref<624x128xf32, #tpu.memory_space<hbm>>
      %dma_start3A_57 = arith.constant 0 : i32
      %dma_start3A_58 = tpu.memref_slice %arg7[%mul3A_45, %dma_start3A_57] : memref<10008x128xf32, #tpu.memory_space<vmem_shared>> -> memref<624x128xf32, #tpu.memory_space<vmem_shared>>
      tpu.enqueue_dma source(%dma_start3A_58 : memref<624x128xf32, #tpu.memory_space<vmem_shared>>) target(%dma_start3A_56 : memref<624x128xf32, #tpu.memory_space<hbm>>) target_semaphore(%run_scoped3A : memref<!tpu.dma_semaphore, #tpu.memory_space<semaphore_mem>>)
      %dma_wait3A_59 = arith.constant 0 : i32
      %dma_wait3A_60 = tpu.memref_slice %arg6[%add3A_50, %dma_wait3A_59] : memref<20000x128xf32, #tpu.memory_space<hbm>> -> memref<624x128xf32, #tpu.memory_space<hbm>>
      %dma_wait3A_61 = arith.constant 0 : i32
      %dma_wait3A_62 = tpu.memref_slice %arg7[%mul3A_45, %dma_wait3A_61] : memref<10008x128xf32, #tpu.memory_space<vmem_shared>> -> memref<624x128xf32, #tpu.memory_space<vmem_shared>>
      tpu.wait_dma2 semaphore(%run_scoped3A : memref<!tpu.dma_semaphore, #tpu.memory_space<semaphore_mem>>) src(%dma_wait3A_62 : memref<624x128xf32, #tpu.memory_space<vmem_shared>>) dst(%dma_wait3A_60 : memref<624x128xf32, #tpu.memory_space<hbm>>)
      tpu.yield
    }) : () -> ()
    %eq3A_51 = arith.constant 15 : i32
    %eq3A_52 = arith.cmpi eq, %arg1, %eq3A_51 : i32
    %convert_element_type3A_53 = arith.extui %eq3A_52 : i1 to i32
    %cond3A_54 = arith.constant 0 : i32
    %cond3A_55 = arith.cmpi ne, %convert_element_type3A_53, %cond3A_54 : i32
    scf.if %cond3A_55 {
      %mul3A_56 = arith.constant 10000 : i32
      %mul3A_57 = arith.muli %arg0, %mul3A_56 : i32
      %add3A_58 = arith.constant 9984 : i32
      %add3A_59 = arith.addi %mul3A_57, %add3A_58 : i32
      "tpu.region"() ({
        %run_scoped3A = tpu.sem_alloc : memref<!tpu.dma_semaphore, #tpu.memory_space<semaphore_mem>>
        %dma_start3A = arith.constant 0 : i32
        %dma_start3A_60 = tpu.memref_slice %arg6[%add3A_59, %dma_start3A] : memref<20000x128xf32, #tpu.memory_space<hbm>> -> memref<16x128xf32, #tpu.memory_space<hbm>>
        %dma_start3A_61 = arith.constant 9984 : i32
        %dma_start3A_62 = arith.constant 0 : i32
        %dma_start3A_63 = tpu.memref_slice %arg7[%dma_start3A_61, %dma_start3A_62] : memref<10008x128xf32, #tpu.memory_space<vmem_shared>> -> memref<16x128xf32, #tpu.memory_space<vmem_shared>>
        tpu.enqueue_dma source(%dma_start3A_63 : memref<16x128xf32, #tpu.memory_space<vmem_shared>>) target(%dma_start3A_60 : memref<16x128xf32, #tpu.memory_space<hbm>>) target_semaphore(%run_scoped3A : memref<!tpu.dma_semaphore, #tpu.memory_space<semaphore_mem>>)
        %dma_wait3A_64 = arith.constant 0 : i32
        %dma_wait3A_65 = tpu.memref_slice %arg6[%add3A_59, %dma_wait3A_64] : memref<20000x128xf32, #tpu.memory_space<hbm>> -> memref<16x128xf32, #tpu.memory_space<hbm>>
        %dma_wait3A_66 = arith.constant 9984 : i32
        %dma_wait3A_67 = arith.constant 0 : i32
        %dma_wait3A_68 = tpu.memref_slice %arg7[%dma_wait3A_66, %dma_wait3A_67] : memref<10008x128xf32, #tpu.memory_space<vmem_shared>> -> memref<16x128xf32, #tpu.memory_space<vmem_shared>>
        tpu.wait_dma2 semaphore(%run_scoped3A : memref<!tpu.dma_semaphore, #tpu.memory_space<semaphore_mem>>) src(%dma_wait3A_68 : memref<16x128xf32, #tpu.memory_space<vmem_shared>>) dst(%dma_wait3A_65 : memref<16x128xf32, #tpu.memory_space<hbm>>)
        tpu.yield
      }) : () -> ()
    } else {
    }
    return
  }
}

#map = affine_map<(d0, d1) -> (0, 0)>
#map1 = affine_map<(d0, d1) -> (0)>
module attributes {stable_mosaic.version = 14 : i64} {
  func.func @body(%arg0: i32, %arg1: i32, %arg2: memref<10000x128xf32, #tpu.memory_space<hbm>>, %arg3: memref<321536xi32, #tpu.memory_space<hbm>>, %arg4: memref<321536xi32, #tpu.memory_space<hbm>>, %arg5: memref<624x128xf32, #tpu.memory_space<hbm>>, %arg6: memref<20000x128xf32, #tpu.memory_space<hbm>>, %arg7: memref<10008x128xf32, #tpu.memory_space<vmem_shared>>, %arg8: memref<3x128x128xf32, #tpu.memory_space<vmem>>, %arg9: memref<128xi32, #tpu.memory_space<vmem>>, %arg10: memref<128xi32, #tpu.memory_space<vmem>>, %arg11: memref<128xi32, #tpu.memory_space<vmem>>, %arg12: memref<128xi32, #tpu.memory_space<vmem>>, %arg13: memref<128xi32, #tpu.memory_space<vmem>>, %arg14: memref<128xi32, #tpu.memory_space<vmem>>, %arg15: memref<!tpu.dma_semaphore, #tpu.memory_space<semaphore_mem>>, %arg16: memref<!tpu.dma_semaphore, #tpu.memory_space<semaphore_mem>>, %arg17: memref<!tpu.dma_semaphore, #tpu.memory_space<semaphore_mem>>, %arg18: memref<!tpu.dma_semaphore, #tpu.memory_space<semaphore_mem>>, %arg19: memref<!tpu.dma_semaphore, #tpu.memory_space<semaphore_mem>>, %arg20: memref<!tpu.dma_semaphore, #tpu.memory_space<semaphore_mem>>, %arg21: memref<!tpu.dma_semaphore, #tpu.memory_space<semaphore_mem>>, %arg22: memref<!tpu.dma_semaphore, #tpu.memory_space<semaphore_mem>>, %arg23: memref<!tpu.dma_semaphore, #tpu.memory_space<semaphore_mem>>) attributes {dimension_semantics = [#tpu.dimension_semantics<core_parallel>, #tpu.dimension_semantics<subcore_parallel>], iteration_bounds = array<i64: 2, 16>, scalar_prefetch = 0 : i64, scratch_operands = 17 : i64, tpu.core_type = #tpu.core_type<sc_vector_subcore>, window_params = [{transform_indices = #map}, {transform_indices = #map1}, {transform_indices = #map1}, {transform_indices = #map}, {transform_indices = #map}]} {
    %eq3A = arith.constant 0 : i32
    %eq3A_0 = arith.cmpi eq, %arg0, %eq3A : i32
    %jit3A = arith.constant 32 : i32
    %jit3A_1 = arith.constant 125 : i32
    %select_n3A = arith.select %eq3A_0, %jit3A, %jit3A_1 : i32
    %eq3A_2 = arith.constant 0 : i32
    %eq3A_3 = arith.cmpi eq, %arg0, %eq3A_2 : i32
    %mul3A = arith.constant 32 : i32
    %mul3A_4 = arith.muli %arg1, %mul3A : i32
    %mul3A_5 = arith.constant 125 : i32
    %mul3A_6 = arith.muli %arg1, %mul3A_5 : i32
    %add3A = arith.constant 512 : i32
    %add3A_7 = arith.addi %add3A, %mul3A_6 : i32
    %select_n3A_8 = arith.select %eq3A_3, %mul3A_4, %add3A_7 : i32
    %mul3A_9 = arith.constant 128 : i32
    %mul3A_10 = arith.muli %select_n3A_8, %mul3A_9 : i32
    %mul3A_11 = arith.constant 624 : i32
    %mul3A_12 = arith.muli %arg1, %mul3A_11 : i32
    "tpu.region"() ({
      %run_scoped3A = tpu.sem_alloc : memref<!tpu.dma_semaphore, #tpu.memory_space<semaphore_mem>>
      %dma_start3A = arith.constant 0 : i32
      %dma_start3A_56 = tpu.memref_slice %arg7[%mul3A_12, %dma_start3A] : memref<10008x128xf32, #tpu.memory_space<vmem_shared>> -> memref<624x128xf32, #tpu.memory_space<vmem_shared>>
      tpu.enqueue_dma source(%arg5 : memref<624x128xf32, #tpu.memory_space<hbm>>) target(%dma_start3A_56 : memref<624x128xf32, #tpu.memory_space<vmem_shared>>) target_semaphore(%run_scoped3A : memref<!tpu.dma_semaphore, #tpu.memory_space<semaphore_mem>>)
      %dma_wait3A_57 = arith.constant 0 : i32
      %dma_wait3A_58 = tpu.memref_slice %arg7[%mul3A_12, %dma_wait3A_57] : memref<10008x128xf32, #tpu.memory_space<vmem_shared>> -> memref<624x128xf32, #tpu.memory_space<vmem_shared>>
      tpu.wait_dma2 semaphore(%run_scoped3A : memref<!tpu.dma_semaphore, #tpu.memory_space<semaphore_mem>>) src(%arg5 : memref<624x128xf32, #tpu.memory_space<hbm>>) dst(%dma_wait3A_58 : memref<624x128xf32, #tpu.memory_space<vmem_shared>>)
      tpu.yield
    }) : () -> ()
    %eq3A_13 = arith.constant 15 : i32
    %eq3A_14 = arith.cmpi eq, %arg1, %eq3A_13 : i32
    %convert_element_type3A = arith.extui %eq3A_14 : i1 to i32
    %cond3A = arith.constant 0 : i32
    %cond3A_15 = arith.cmpi ne, %convert_element_type3A, %cond3A : i32
    scf.if %cond3A_15 {
      "tpu.region"() ({
        %run_scoped3A = tpu.sem_alloc : memref<!tpu.dma_semaphore, #tpu.memory_space<semaphore_mem>>
        %dma_start3A = arith.constant 9984 : i32
        %dma_start3A_56 = arith.constant 0 : i32
        %dma_start3A_57 = tpu.memref_slice %arg7[%dma_start3A, %dma_start3A_56] : memref<10008x128xf32, #tpu.memory_space<vmem_shared>> -> memref<16x128xf32, #tpu.memory_space<vmem_shared>>
        %dma_start3A_58 = arith.constant 0 : i32
        %dma_start3A_59 = arith.constant 0 : i32
        %dma_start3A_60 = tpu.memref_slice %arg5[%dma_start3A_58, %dma_start3A_59] : memref<624x128xf32, #tpu.memory_space<hbm>> -> memref<16x128xf32, #tpu.memory_space<hbm>>
        tpu.enqueue_dma source(%dma_start3A_60 : memref<16x128xf32, #tpu.memory_space<hbm>>) target(%dma_start3A_57 : memref<16x128xf32, #tpu.memory_space<vmem_shared>>) target_semaphore(%run_scoped3A : memref<!tpu.dma_semaphore, #tpu.memory_space<semaphore_mem>>)
        %dma_wait3A_61 = arith.constant 9984 : i32
        %dma_wait3A_62 = arith.constant 0 : i32
        %dma_wait3A_63 = tpu.memref_slice %arg7[%dma_wait3A_61, %dma_wait3A_62] : memref<10008x128xf32, #tpu.memory_space<vmem_shared>> -> memref<16x128xf32, #tpu.memory_space<vmem_shared>>
        %dma_wait3A_64 = arith.constant 0 : i32
        %dma_wait3A_65 = arith.constant 0 : i32
        %dma_wait3A_66 = tpu.memref_slice %arg5[%dma_wait3A_64, %dma_wait3A_65] : memref<624x128xf32, #tpu.memory_space<hbm>> -> memref<16x128xf32, #tpu.memory_space<hbm>>
        tpu.wait_dma2 semaphore(%run_scoped3A : memref<!tpu.dma_semaphore, #tpu.memory_space<semaphore_mem>>) src(%dma_wait3A_66 : memref<16x128xf32, #tpu.memory_space<hbm>>) dst(%dma_wait3A_63 : memref<16x128xf32, #tpu.memory_space<vmem_shared>>)
        tpu.yield
      }) : () -> ()
    } else {
    }
    %barrier3A = arith.constant 0 : index
    tpu.barrier barrier_id(%barrier3A)
    %scan3A = arith.constant 0 : i32
    %scan3A_16 = arith.constant 42 : i32
    %scan3A_17 = arith.addi %scan3A, %scan3A_16 : i32
    %scan3A_18 = arith.constant 1 : i32
    scf.for %scan3A_56 = %scan3A to %scan3A_17 step %scan3A_18  : i32 {
      %mul3A_57 = arith.constant 3 : i32
      %mul3A_58 = arith.muli %scan3A_56, %mul3A_57 : i32
      %add3A_59 = arith.constant 0 : i32
      %add3A_60 = arith.addi %add3A_59, %mul3A_58 : i32
      %add3A_61 = arith.constant 0 : i32
      %add3A_62 = arith.addi %add3A_60, %add3A_61 : i32
      %ge3A = arith.constant 3 : i32
      %ge3A_63 = arith.cmpi sge, %add3A_62, %ge3A : i32
      %lt3A = arith.cmpi slt, %add3A_62, %select_n3A : i32
      %and3A = arith.andi %ge3A_63, %lt3A : i1
      %convert_element_type3A_64 = arith.extui %and3A : i1 to i32
      %cond3A_65 = arith.constant 0 : i32
      %cond3A_66 = arith.cmpi ne, %convert_element_type3A_64, %cond3A_65 : i32
      scf.if %cond3A_66 {
        %dma_wait3A_129 = arith.constant 0 : i32
        %dma_wait3A_130 = arith.constant 0 : i32
        %dma_wait3A_131 = arith.constant 0 : i32
        %dma_wait3A_132 = tpu.memref_slice %arg8[%dma_wait3A_129, %dma_wait3A_130, %dma_wait3A_131] : memref<3x128x128xf32, #tpu.memory_space<vmem>> -> memref<1x128x128xf32, #tpu.memory_space<vmem>>
        %dma_wait3A_133 = tpu.memref_squeeze %dma_wait3A_132 : memref<1x128x128xf32, #tpu.memory_space<vmem>> -> memref<128x128xf32, #tpu.memory_space<vmem>>
        %dma_wait3A_134 = arith.constant 0 : i32
        %dma_wait3A_135 = arith.constant 0 : i32
        %dma_wait3A_136 = tpu.memref_slice %arg7[%dma_wait3A_134, %dma_wait3A_135] : memref<10008x128xf32, #tpu.memory_space<vmem_shared>> -> memref<10008x128xf32, #tpu.memory_space<vmem_shared>>
        tpu.wait_indirect_dma semaphore(%arg21 : memref<!tpu.dma_semaphore, #tpu.memory_space<semaphore_mem>>) src(%dma_wait3A_133 : memref<128x128xf32, #tpu.memory_space<vmem>>) dst(%dma_wait3A_136 : memref<10008x128xf32, #tpu.memory_space<vmem_shared>>)
      } else {
      }
      %lt3A_67 = arith.cmpi slt, %add3A_62, %select_n3A : i32
      %convert_element_type3A_68 = arith.extui %lt3A_67 : i1 to i32
      %cond3A_69 = arith.constant 0 : i32
      %cond3A_70 = arith.cmpi ne, %convert_element_type3A_68, %cond3A_69 : i32
      scf.if %cond3A_70 {
        %mul3A_129 = arith.constant 128 : i32
        %mul3A_130 = arith.muli %add3A_62, %mul3A_129 : i32
        %add3A_131 = arith.addi %mul3A_10, %mul3A_130 : i32
        %dma_start3A = tpu.memref_slice %arg3[%add3A_131] : memref<321536xi32, #tpu.memory_space<hbm>> -> memref<128xi32, #tpu.memory_space<hbm>>
        %dma_start3A_132 = tpu.memref_slice %arg3[%add3A_131] : memref<321536xi32, #tpu.memory_space<hbm>> -> memref<128xi32, #tpu.memory_space<hbm>>
        tpu.enqueue_dma source(%dma_start3A_132 : memref<128xi32, #tpu.memory_space<hbm>>) target(%arg9 : memref<128xi32, #tpu.memory_space<vmem>>) target_semaphore(%arg15 : memref<!tpu.dma_semaphore, #tpu.memory_space<semaphore_mem>>)
        %mul3A_133 = arith.constant 128 : i32
        %mul3A_134 = arith.muli %add3A_62, %mul3A_133 : i32
        %add3A_135 = arith.addi %mul3A_10, %mul3A_134 : i32
        %dma_start3A_136 = tpu.memref_slice %arg4[%add3A_135] : memref<321536xi32, #tpu.memory_space<hbm>> -> memref<128xi32, #tpu.memory_space<hbm>>
        %dma_start3A_137 = tpu.memref_slice %arg4[%add3A_135] : memref<321536xi32, #tpu.memory_space<hbm>> -> memref<128xi32, #tpu.memory_space<hbm>>
        tpu.enqueue_dma source(%dma_start3A_137 : memref<128xi32, #tpu.memory_space<hbm>>) target(%arg12 : memref<128xi32, #tpu.memory_space<vmem>>) target_semaphore(%arg15 : memref<!tpu.dma_semaphore, #tpu.memory_space<semaphore_mem>>)
      } else {
      }
      %ge3A_71 = arith.constant 1 : i32
      %ge3A_72 = arith.cmpi sge, %add3A_62, %ge3A_71 : i32
      %le3A = arith.cmpi sle, %add3A_62, %select_n3A : i32
      %and3A_73 = arith.andi %ge3A_72, %le3A : i1
      %convert_element_type3A_74 = arith.extui %and3A_73 : i1 to i32
      %cond3A_75 = arith.constant 0 : i32
      %cond3A_76 = arith.cmpi ne, %convert_element_type3A_74, %cond3A_75 : i32
      scf.if %cond3A_76 {
        %dma_wait3A_129 = arith.constant 2 : i32
        %dma_wait3A_130 = arith.constant 0 : i32
        %dma_wait3A_131 = arith.constant 0 : i32
        %dma_wait3A_132 = tpu.memref_slice %arg8[%dma_wait3A_129, %dma_wait3A_130, %dma_wait3A_131] : memref<3x128x128xf32, #tpu.memory_space<vmem>> -> memref<1x128x128xf32, #tpu.memory_space<vmem>>
        %dma_wait3A_133 = tpu.memref_squeeze %dma_wait3A_132 : memref<1x128x128xf32, #tpu.memory_space<vmem>> -> memref<128x128xf32, #tpu.memory_space<vmem>>
        %dma_wait3A_134 = arith.constant 0 : i32
        %dma_wait3A_135 = arith.constant 0 : i32
        %dma_wait3A_136 = tpu.memref_slice %arg2[%dma_wait3A_134, %dma_wait3A_135] : memref<10000x128xf32, #tpu.memory_space<hbm>> -> memref<10000x128xf32, #tpu.memory_space<hbm>>
        tpu.wait_indirect_dma semaphore(%arg20 : memref<!tpu.dma_semaphore, #tpu.memory_space<semaphore_mem>>) src(%dma_wait3A_136 : memref<10000x128xf32, #tpu.memory_space<hbm>>) dst(%dma_wait3A_133 : memref<128x128xf32, #tpu.memory_space<vmem>>)
        %dma_start3A = arith.constant 2 : i32
        %dma_start3A_137 = arith.constant 0 : i32
        %dma_start3A_138 = arith.constant 0 : i32
        %dma_start3A_139 = tpu.memref_slice %arg8[%dma_start3A, %dma_start3A_137, %dma_start3A_138] : memref<3x128x128xf32, #tpu.memory_space<vmem>> -> memref<1x128x128xf32, #tpu.memory_space<vmem>>
        %dma_start3A_140 = tpu.memref_squeeze %dma_start3A_139 : memref<1x128x128xf32, #tpu.memory_space<vmem>> -> memref<128x128xf32, #tpu.memory_space<vmem>>
        %dma_start3A_141 = arith.constant 0 : i32
        %dma_start3A_142 = arith.constant 0 : i32
        %dma_start3A_143 = tpu.memref_slice %arg7[%dma_start3A_141, %dma_start3A_142] : memref<10008x128xf32, #tpu.memory_space<vmem_shared>> -> memref<10008x128xf32, #tpu.memory_space<vmem_shared>>
        tpu.enqueue_indirect_dma source(%dma_start3A_140 : memref<128x128xf32, #tpu.memory_space<vmem>>) target(%dma_start3A_143 : memref<10008x128xf32, #tpu.memory_space<vmem_shared>>) offsets(%arg14 : memref<128xi32, #tpu.memory_space<vmem>>) semaphore(%arg23 : memref<!tpu.dma_semaphore, #tpu.memory_space<semaphore_mem>>) {add = true}
      } else {
      }
      %lt3A_77 = arith.cmpi slt, %add3A_62, %select_n3A : i32
      %convert_element_type3A_78 = arith.extui %lt3A_77 : i1 to i32
      %cond3A_79 = arith.constant 0 : i32
      %cond3A_80 = arith.cmpi ne, %convert_element_type3A_78, %cond3A_79 : i32
      scf.if %cond3A_80 {
        %dma_wait3A_129 = tpu.memref_slice %arg3[%mul3A_10] : memref<321536xi32, #tpu.memory_space<hbm>> -> memref<128xi32, #tpu.memory_space<hbm>>
        %dma_wait3A_130 = tpu.memref_slice %arg3[%mul3A_10] : memref<321536xi32, #tpu.memory_space<hbm>> -> memref<128xi32, #tpu.memory_space<hbm>>
        tpu.wait_dma2 semaphore(%arg15 : memref<!tpu.dma_semaphore, #tpu.memory_space<semaphore_mem>>) src(%dma_wait3A_130 : memref<128xi32, #tpu.memory_space<hbm>>) dst(%arg9 : memref<128xi32, #tpu.memory_space<vmem>>)
        %dma_wait3A_131 = tpu.memref_slice %arg4[%mul3A_10] : memref<321536xi32, #tpu.memory_space<hbm>> -> memref<128xi32, #tpu.memory_space<hbm>>
        %dma_wait3A_132 = tpu.memref_slice %arg4[%mul3A_10] : memref<321536xi32, #tpu.memory_space<hbm>> -> memref<128xi32, #tpu.memory_space<hbm>>
        tpu.wait_dma2 semaphore(%arg15 : memref<!tpu.dma_semaphore, #tpu.memory_space<semaphore_mem>>) src(%dma_wait3A_132 : memref<128xi32, #tpu.memory_space<hbm>>) dst(%arg12 : memref<128xi32, #tpu.memory_space<vmem>>)
        %dma_start3A = arith.constant 0 : i32
        %dma_start3A_133 = arith.constant 0 : i32
        %dma_start3A_134 = arith.constant 0 : i32
        %dma_start3A_135 = tpu.memref_slice %arg8[%dma_start3A, %dma_start3A_133, %dma_start3A_134] : memref<3x128x128xf32, #tpu.memory_space<vmem>> -> memref<1x128x128xf32, #tpu.memory_space<vmem>>
        %dma_start3A_136 = tpu.memref_squeeze %dma_start3A_135 : memref<1x128x128xf32, #tpu.memory_space<vmem>> -> memref<128x128xf32, #tpu.memory_space<vmem>>
        %dma_start3A_137 = arith.constant 0 : i32
        %dma_start3A_138 = arith.constant 0 : i32
        %dma_start3A_139 = tpu.memref_slice %arg2[%dma_start3A_137, %dma_start3A_138] : memref<10000x128xf32, #tpu.memory_space<hbm>> -> memref<10000x128xf32, #tpu.memory_space<hbm>>
        tpu.enqueue_indirect_dma source(%dma_start3A_139 : memref<10000x128xf32, #tpu.memory_space<hbm>>) target(%dma_start3A_136 : memref<128x128xf32, #tpu.memory_space<vmem>>) offsets(%arg9 : memref<128xi32, #tpu.memory_space<vmem>>) semaphore(%arg18 : memref<!tpu.dma_semaphore, #tpu.memory_space<semaphore_mem>>)
      } else {
      }
      %add3A_81 = arith.constant 1 : i32
      %add3A_82 = arith.addi %add3A_60, %add3A_81 : i32
      %ge3A_83 = arith.constant 3 : i32
      %ge3A_84 = arith.cmpi sge, %add3A_82, %ge3A_83 : i32
      %lt3A_85 = arith.cmpi slt, %add3A_82, %select_n3A : i32
      %and3A_86 = arith.andi %ge3A_84, %lt3A_85 : i1
      %convert_element_type3A_87 = arith.extui %and3A_86 : i1 to i32
      %cond3A_88 = arith.constant 0 : i32
      %cond3A_89 = arith.cmpi ne, %convert_element_type3A_87, %cond3A_88 : i32
      scf.if %cond3A_89 {
        %dma_wait3A_129 = arith.constant 1 : i32
        %dma_wait3A_130 = arith.constant 0 : i32
        %dma_wait3A_131 = arith.constant 0 : i32
        %dma_wait3A_132 = tpu.memref_slice %arg8[%dma_wait3A_129, %dma_wait3A_130, %dma_wait3A_131] : memref<3x128x128xf32, #tpu.memory_space<vmem>> -> memref<1x128x128xf32, #tpu.memory_space<vmem>>
        %dma_wait3A_133 = tpu.memref_squeeze %dma_wait3A_132 : memref<1x128x128xf32, #tpu.memory_space<vmem>> -> memref<128x128xf32, #tpu.memory_space<vmem>>
        %dma_wait3A_134 = arith.constant 0 : i32
        %dma_wait3A_135 = arith.constant 0 : i32
        %dma_wait3A_136 = tpu.memref_slice %arg7[%dma_wait3A_134, %dma_wait3A_135] : memref<10008x128xf32, #tpu.memory_space<vmem_shared>> -> memref<10008x128xf32, #tpu.memory_space<vmem_shared>>
        tpu.wait_indirect_dma semaphore(%arg22 : memref<!tpu.dma_semaphore, #tpu.memory_space<semaphore_mem>>) src(%dma_wait3A_133 : memref<128x128xf32, #tpu.memory_space<vmem>>) dst(%dma_wait3A_136 : memref<10008x128xf32, #tpu.memory_space<vmem_shared>>)
      } else {
      }
      %lt3A_90 = arith.cmpi slt, %add3A_82, %select_n3A : i32
      %convert_element_type3A_91 = arith.extui %lt3A_90 : i1 to i32
      %cond3A_92 = arith.constant 0 : i32
      %cond3A_93 = arith.cmpi ne, %convert_element_type3A_91, %cond3A_92 : i32
      scf.if %cond3A_93 {
        %mul3A_129 = arith.constant 128 : i32
        %mul3A_130 = arith.muli %add3A_82, %mul3A_129 : i32
        %add3A_131 = arith.addi %mul3A_10, %mul3A_130 : i32
        %dma_start3A = tpu.memref_slice %arg3[%add3A_131] : memref<321536xi32, #tpu.memory_space<hbm>> -> memref<128xi32, #tpu.memory_space<hbm>>
        %dma_start3A_132 = tpu.memref_slice %arg3[%add3A_131] : memref<321536xi32, #tpu.memory_space<hbm>> -> memref<128xi32, #tpu.memory_space<hbm>>
        tpu.enqueue_dma source(%dma_start3A_132 : memref<128xi32, #tpu.memory_space<hbm>>) target(%arg10 : memref<128xi32, #tpu.memory_space<vmem>>) target_semaphore(%arg16 : memref<!tpu.dma_semaphore, #tpu.memory_space<semaphore_mem>>)
        %mul3A_133 = arith.constant 128 : i32
        %mul3A_134 = arith.muli %add3A_82, %mul3A_133 : i32
        %add3A_135 = arith.addi %mul3A_10, %mul3A_134 : i32
        %dma_start3A_136 = tpu.memref_slice %arg4[%add3A_135] : memref<321536xi32, #tpu.memory_space<hbm>> -> memref<128xi32, #tpu.memory_space<hbm>>
        %dma_start3A_137 = tpu.memref_slice %arg4[%add3A_135] : memref<321536xi32, #tpu.memory_space<hbm>> -> memref<128xi32, #tpu.memory_space<hbm>>
        tpu.enqueue_dma source(%dma_start3A_137 : memref<128xi32, #tpu.memory_space<hbm>>) target(%arg13 : memref<128xi32, #tpu.memory_space<vmem>>) target_semaphore(%arg16 : memref<!tpu.dma_semaphore, #tpu.memory_space<semaphore_mem>>)
      } else {
      }
      %ge3A_94 = arith.constant 1 : i32
      %ge3A_95 = arith.cmpi sge, %add3A_82, %ge3A_94 : i32
      %le3A_96 = arith.cmpi sle, %add3A_82, %select_n3A : i32
      %and3A_97 = arith.andi %ge3A_95, %le3A_96 : i1
      %convert_element_type3A_98 = arith.extui %and3A_97 : i1 to i32
      %cond3A_99 = arith.constant 0 : i32
      %cond3A_100 = arith.cmpi ne, %convert_element_type3A_98, %cond3A_99 : i32
      scf.if %cond3A_100 {
        %dma_wait3A_129 = arith.constant 0 : i32
        %dma_wait3A_130 = arith.constant 0 : i32
        %dma_wait3A_131 = arith.constant 0 : i32
        %dma_wait3A_132 = tpu.memref_slice %arg8[%dma_wait3A_129, %dma_wait3A_130, %dma_wait3A_131] : memref<3x128x128xf32, #tpu.memory_space<vmem>> -> memref<1x128x128xf32, #tpu.memory_space<vmem>>
        %dma_wait3A_133 = tpu.memref_squeeze %dma_wait3A_132 : memref<1x128x128xf32, #tpu.memory_space<vmem>> -> memref<128x128xf32, #tpu.memory_space<vmem>>
        %dma_wait3A_134 = arith.constant 0 : i32
        %dma_wait3A_135 = arith.constant 0 : i32
        %dma_wait3A_136 = tpu.memref_slice %arg2[%dma_wait3A_134, %dma_wait3A_135] : memref<10000x128xf32, #tpu.memory_space<hbm>> -> memref<10000x128xf32, #tpu.memory_space<hbm>>
        tpu.wait_indirect_dma semaphore(%arg18 : memref<!tpu.dma_semaphore, #tpu.memory_space<semaphore_mem>>) src(%dma_wait3A_136 : memref<10000x128xf32, #tpu.memory_space<hbm>>) dst(%dma_wait3A_133 : memref<128x128xf32, #tpu.memory_space<vmem>>)
        %dma_start3A = arith.constant 0 : i32
        %dma_start3A_137 = arith.constant 0 : i32
        %dma_start3A_138 = arith.constant 0 : i32
        %dma_start3A_139 = tpu.memref_slice %arg8[%dma_start3A, %dma_start3A_137, %dma_start3A_138] : memref<3x128x128xf32, #tpu.memory_space<vmem>> -> memref<1x128x128xf32, #tpu.memory_space<vmem>>
        %dma_start3A_140 = tpu.memref_squeeze %dma_start3A_139 : memref<1x128x128xf32, #tpu.memory_space<vmem>> -> memref<128x128xf32, #tpu.memory_space<vmem>>
        %dma_start3A_141 = arith.constant 0 : i32
        %dma_start3A_142 = arith.constant 0 : i32
        %dma_start3A_143 = tpu.memref_slice %arg7[%dma_start3A_141, %dma_start3A_142] : memref<10008x128xf32, #tpu.memory_space<vmem_shared>> -> memref<10008x128xf32, #tpu.memory_space<vmem_shared>>
        tpu.enqueue_indirect_dma source(%dma_start3A_140 : memref<128x128xf32, #tpu.memory_space<vmem>>) target(%dma_start3A_143 : memref<10008x128xf32, #tpu.memory_space<vmem_shared>>) offsets(%arg12 : memref<128xi32, #tpu.memory_space<vmem>>) semaphore(%arg21 : memref<!tpu.dma_semaphore, #tpu.memory_space<semaphore_mem>>) {add = true}
      } else {
      }
      %lt3A_101 = arith.cmpi slt, %add3A_82, %select_n3A : i32
      %convert_element_type3A_102 = arith.extui %lt3A_101 : i1 to i32
      %cond3A_103 = arith.constant 0 : i32
      %cond3A_104 = arith.cmpi ne, %convert_element_type3A_102, %cond3A_103 : i32
      scf.if %cond3A_104 {
        %dma_wait3A_129 = tpu.memref_slice %arg3[%mul3A_10] : memref<321536xi32, #tpu.memory_space<hbm>> -> memref<128xi32, #tpu.memory_space<hbm>>
        %dma_wait3A_130 = tpu.memref_slice %arg3[%mul3A_10] : memref<321536xi32, #tpu.memory_space<hbm>> -> memref<128xi32, #tpu.memory_space<hbm>>
        tpu.wait_dma2 semaphore(%arg16 : memref<!tpu.dma_semaphore, #tpu.memory_space<semaphore_mem>>) src(%dma_wait3A_130 : memref<128xi32, #tpu.memory_space<hbm>>) dst(%arg10 : memref<128xi32, #tpu.memory_space<vmem>>)
        %dma_wait3A_131 = tpu.memref_slice %arg4[%mul3A_10] : memref<321536xi32, #tpu.memory_space<hbm>> -> memref<128xi32, #tpu.memory_space<hbm>>
        %dma_wait3A_132 = tpu.memref_slice %arg4[%mul3A_10] : memref<321536xi32, #tpu.memory_space<hbm>> -> memref<128xi32, #tpu.memory_space<hbm>>
        tpu.wait_dma2 semaphore(%arg16 : memref<!tpu.dma_semaphore, #tpu.memory_space<semaphore_mem>>) src(%dma_wait3A_132 : memref<128xi32, #tpu.memory_space<hbm>>) dst(%arg13 : memref<128xi32, #tpu.memory_space<vmem>>)
        %dma_start3A = arith.constant 1 : i32
        %dma_start3A_133 = arith.constant 0 : i32
        %dma_start3A_134 = arith.constant 0 : i32
        %dma_start3A_135 = tpu.memref_slice %arg8[%dma_start3A, %dma_start3A_133, %dma_start3A_134] : memref<3x128x128xf32, #tpu.memory_space<vmem>> -> memref<1x128x128xf32, #tpu.memory_space<vmem>>
        %dma_start3A_136 = tpu.memref_squeeze %dma_start3A_135 : memref<1x128x128xf32, #tpu.memory_space<vmem>> -> memref<128x128xf32, #tpu.memory_space<vmem>>
        %dma_start3A_137 = arith.constant 0 : i32
        %dma_start3A_138 = arith.constant 0 : i32
        %dma_start3A_139 = tpu.memref_slice %arg2[%dma_start3A_137, %dma_start3A_138] : memref<10000x128xf32, #tpu.memory_space<hbm>> -> memref<10000x128xf32, #tpu.memory_space<hbm>>
        tpu.enqueue_indirect_dma source(%dma_start3A_139 : memref<10000x128xf32, #tpu.memory_space<hbm>>) target(%dma_start3A_136 : memref<128x128xf32, #tpu.memory_space<vmem>>) offsets(%arg10 : memref<128xi32, #tpu.memory_space<vmem>>) semaphore(%arg19 : memref<!tpu.dma_semaphore, #tpu.memory_space<semaphore_mem>>)
      } else {
      }
      %add3A_105 = arith.constant 2 : i32
      %add3A_106 = arith.addi %add3A_60, %add3A_105 : i32
      %ge3A_107 = arith.constant 3 : i32
      %ge3A_108 = arith.cmpi sge, %add3A_106, %ge3A_107 : i32
      %lt3A_109 = arith.cmpi slt, %add3A_106, %select_n3A : i32
      %and3A_110 = arith.andi %ge3A_108, %lt3A_109 : i1
      %convert_element_type3A_111 = arith.extui %and3A_110 : i1 to i32
      %cond3A_112 = arith.constant 0 : i32
      %cond3A_113 = arith.cmpi ne, %convert_element_type3A_111, %cond3A_112 : i32
      scf.if %cond3A_113 {
        %dma_wait3A_129 = arith.constant 2 : i32
        %dma_wait3A_130 = arith.constant 0 : i32
        %dma_wait3A_131 = arith.constant 0 : i32
        %dma_wait3A_132 = tpu.memref_slice %arg8[%dma_wait3A_129, %dma_wait3A_130, %dma_wait3A_131] : memref<3x128x128xf32, #tpu.memory_space<vmem>> -> memref<1x128x128xf32, #tpu.memory_space<vmem>>
        %dma_wait3A_133 = tpu.memref_squeeze %dma_wait3A_132 : memref<1x128x128xf32, #tpu.memory_space<vmem>> -> memref<128x128xf32, #tpu.memory_space<vmem>>
        %dma_wait3A_134 = arith.constant 0 : i32
        %dma_wait3A_135 = arith.constant 0 : i32
        %dma_wait3A_136 = tpu.memref_slice %arg7[%dma_wait3A_134, %dma_wait3A_135] : memref<10008x128xf32, #tpu.memory_space<vmem_shared>> -> memref<10008x128xf32, #tpu.memory_space<vmem_shared>>
        tpu.wait_indirect_dma semaphore(%arg23 : memref<!tpu.dma_semaphore, #tpu.memory_space<semaphore_mem>>) src(%dma_wait3A_133 : memref<128x128xf32, #tpu.memory_space<vmem>>) dst(%dma_wait3A_136 : memref<10008x128xf32, #tpu.memory_space<vmem_shared>>)
      } else {
      }
      %lt3A_114 = arith.cmpi slt, %add3A_106, %select_n3A : i32
      %convert_element_type3A_115 = arith.extui %lt3A_114 : i1 to i32
      %cond3A_116 = arith.constant 0 : i32
      %cond3A_117 = arith.cmpi ne, %convert_element_type3A_115, %cond3A_116 : i32
      scf.if %cond3A_117 {
        %mul3A_129 = arith.constant 128 : i32
        %mul3A_130 = arith.muli %add3A_106, %mul3A_129 : i32
        %add3A_131 = arith.addi %mul3A_10, %mul3A_130 : i32
        %dma_start3A = tpu.memref_slice %arg3[%add3A_131] : memref<321536xi32, #tpu.memory_space<hbm>> -> memref<128xi32, #tpu.memory_space<hbm>>
        %dma_start3A_132 = tpu.memref_slice %arg3[%add3A_131] : memref<321536xi32, #tpu.memory_space<hbm>> -> memref<128xi32, #tpu.memory_space<hbm>>
        tpu.enqueue_dma source(%dma_start3A_132 : memref<128xi32, #tpu.memory_space<hbm>>) target(%arg11 : memref<128xi32, #tpu.memory_space<vmem>>) target_semaphore(%arg17 : memref<!tpu.dma_semaphore, #tpu.memory_space<semaphore_mem>>)
        %mul3A_133 = arith.constant 128 : i32
        %mul3A_134 = arith.muli %add3A_106, %mul3A_133 : i32
        %add3A_135 = arith.addi %mul3A_10, %mul3A_134 : i32
        %dma_start3A_136 = tpu.memref_slice %arg4[%add3A_135] : memref<321536xi32, #tpu.memory_space<hbm>> -> memref<128xi32, #tpu.memory_space<hbm>>
        %dma_start3A_137 = tpu.memref_slice %arg4[%add3A_135] : memref<321536xi32, #tpu.memory_space<hbm>> -> memref<128xi32, #tpu.memory_space<hbm>>
        tpu.enqueue_dma source(%dma_start3A_137 : memref<128xi32, #tpu.memory_space<hbm>>) target(%arg14 : memref<128xi32, #tpu.memory_space<vmem>>) target_semaphore(%arg17 : memref<!tpu.dma_semaphore, #tpu.memory_space<semaphore_mem>>)
      } else {
      }
      %ge3A_118 = arith.constant 1 : i32
      %ge3A_119 = arith.cmpi sge, %add3A_106, %ge3A_118 : i32
      %le3A_120 = arith.cmpi sle, %add3A_106, %select_n3A : i32
      %and3A_121 = arith.andi %ge3A_119, %le3A_120 : i1
      %convert_element_type3A_122 = arith.extui %and3A_121 : i1 to i32
      %cond3A_123 = arith.constant 0 : i32
      %cond3A_124 = arith.cmpi ne, %convert_element_type3A_122, %cond3A_123 : i32
      scf.if %cond3A_124 {
        %dma_wait3A_129 = arith.constant 1 : i32
        %dma_wait3A_130 = arith.constant 0 : i32
        %dma_wait3A_131 = arith.constant 0 : i32
        %dma_wait3A_132 = tpu.memref_slice %arg8[%dma_wait3A_129, %dma_wait3A_130, %dma_wait3A_131] : memref<3x128x128xf32, #tpu.memory_space<vmem>> -> memref<1x128x128xf32, #tpu.memory_space<vmem>>
        %dma_wait3A_133 = tpu.memref_squeeze %dma_wait3A_132 : memref<1x128x128xf32, #tpu.memory_space<vmem>> -> memref<128x128xf32, #tpu.memory_space<vmem>>
        %dma_wait3A_134 = arith.constant 0 : i32
        %dma_wait3A_135 = arith.constant 0 : i32
        %dma_wait3A_136 = tpu.memref_slice %arg2[%dma_wait3A_134, %dma_wait3A_135] : memref<10000x128xf32, #tpu.memory_space<hbm>> -> memref<10000x128xf32, #tpu.memory_space<hbm>>
        tpu.wait_indirect_dma semaphore(%arg19 : memref<!tpu.dma_semaphore, #tpu.memory_space<semaphore_mem>>) src(%dma_wait3A_136 : memref<10000x128xf32, #tpu.memory_space<hbm>>) dst(%dma_wait3A_133 : memref<128x128xf32, #tpu.memory_space<vmem>>)
        %dma_start3A = arith.constant 1 : i32
        %dma_start3A_137 = arith.constant 0 : i32
        %dma_start3A_138 = arith.constant 0 : i32
        %dma_start3A_139 = tpu.memref_slice %arg8[%dma_start3A, %dma_start3A_137, %dma_start3A_138] : memref<3x128x128xf32, #tpu.memory_space<vmem>> -> memref<1x128x128xf32, #tpu.memory_space<vmem>>
        %dma_start3A_140 = tpu.memref_squeeze %dma_start3A_139 : memref<1x128x128xf32, #tpu.memory_space<vmem>> -> memref<128x128xf32, #tpu.memory_space<vmem>>
        %dma_start3A_141 = arith.constant 0 : i32
        %dma_start3A_142 = arith.constant 0 : i32
        %dma_start3A_143 = tpu.memref_slice %arg7[%dma_start3A_141, %dma_start3A_142] : memref<10008x128xf32, #tpu.memory_space<vmem_shared>> -> memref<10008x128xf32, #tpu.memory_space<vmem_shared>>
        tpu.enqueue_indirect_dma source(%dma_start3A_140 : memref<128x128xf32, #tpu.memory_space<vmem>>) target(%dma_start3A_143 : memref<10008x128xf32, #tpu.memory_space<vmem_shared>>) offsets(%arg13 : memref<128xi32, #tpu.memory_space<vmem>>) semaphore(%arg22 : memref<!tpu.dma_semaphore, #tpu.memory_space<semaphore_mem>>) {add = true}
      } else {
      }
      %lt3A_125 = arith.cmpi slt, %add3A_106, %select_n3A : i32
      %convert_element_type3A_126 = arith.extui %lt3A_125 : i1 to i32
      %cond3A_127 = arith.constant 0 : i32
      %cond3A_128 = arith.cmpi ne, %convert_element_type3A_126, %cond3A_127 : i32
      scf.if %cond3A_128 {
        %dma_wait3A_129 = tpu.memref_slice %arg3[%mul3A_10] : memref<321536xi32, #tpu.memory_space<hbm>> -> memref<128xi32, #tpu.memory_space<hbm>>
        %dma_wait3A_130 = tpu.memref_slice %arg3[%mul3A_10] : memref<321536xi32, #tpu.memory_space<hbm>> -> memref<128xi32, #tpu.memory_space<hbm>>
        tpu.wait_dma2 semaphore(%arg17 : memref<!tpu.dma_semaphore, #tpu.memory_space<semaphore_mem>>) src(%dma_wait3A_130 : memref<128xi32, #tpu.memory_space<hbm>>) dst(%arg11 : memref<128xi32, #tpu.memory_space<vmem>>)
        %dma_wait3A_131 = tpu.memref_slice %arg4[%mul3A_10] : memref<321536xi32, #tpu.memory_space<hbm>> -> memref<128xi32, #tpu.memory_space<hbm>>
        %dma_wait3A_132 = tpu.memref_slice %arg4[%mul3A_10] : memref<321536xi32, #tpu.memory_space<hbm>> -> memref<128xi32, #tpu.memory_space<hbm>>
        tpu.wait_dma2 semaphore(%arg17 : memref<!tpu.dma_semaphore, #tpu.memory_space<semaphore_mem>>) src(%dma_wait3A_132 : memref<128xi32, #tpu.memory_space<hbm>>) dst(%arg14 : memref<128xi32, #tpu.memory_space<vmem>>)
        %dma_start3A = arith.constant 2 : i32
        %dma_start3A_133 = arith.constant 0 : i32
        %dma_start3A_134 = arith.constant 0 : i32
        %dma_start3A_135 = tpu.memref_slice %arg8[%dma_start3A, %dma_start3A_133, %dma_start3A_134] : memref<3x128x128xf32, #tpu.memory_space<vmem>> -> memref<1x128x128xf32, #tpu.memory_space<vmem>>
        %dma_start3A_136 = tpu.memref_squeeze %dma_start3A_135 : memref<1x128x128xf32, #tpu.memory_space<vmem>> -> memref<128x128xf32, #tpu.memory_space<vmem>>
        %dma_start3A_137 = arith.constant 0 : i32
        %dma_start3A_138 = arith.constant 0 : i32
        %dma_start3A_139 = tpu.memref_slice %arg2[%dma_start3A_137, %dma_start3A_138] : memref<10000x128xf32, #tpu.memory_space<hbm>> -> memref<10000x128xf32, #tpu.memory_space<hbm>>
        tpu.enqueue_indirect_dma source(%dma_start3A_139 : memref<10000x128xf32, #tpu.memory_space<hbm>>) target(%dma_start3A_136 : memref<128x128xf32, #tpu.memory_space<vmem>>) offsets(%arg11 : memref<128xi32, #tpu.memory_space<vmem>>) semaphore(%arg20 : memref<!tpu.dma_semaphore, #tpu.memory_space<semaphore_mem>>)
      } else {
      }
    }
    %scan3A_19 = arith.constant 42 : i32
    %dma_wait3A = arith.constant 0 : i32
    %dma_wait3A_20 = arith.constant 0 : i32
    %dma_wait3A_21 = arith.constant 0 : i32
    %dma_wait3A_22 = tpu.memref_slice %arg8[%dma_wait3A, %dma_wait3A_20, %dma_wait3A_21] : memref<3x128x128xf32, #tpu.memory_space<vmem>> -> memref<1x128x128xf32, #tpu.memory_space<vmem>>
    %dma_wait3A_23 = tpu.memref_squeeze %dma_wait3A_22 : memref<1x128x128xf32, #tpu.memory_space<vmem>> -> memref<128x128xf32, #tpu.memory_space<vmem>>
    %dma_wait3A_24 = arith.constant 0 : i32
    %dma_wait3A_25 = arith.constant 0 : i32
    %dma_wait3A_26 = tpu.memref_slice %arg7[%dma_wait3A_24, %dma_wait3A_25] : memref<10008x128xf32, #tpu.memory_space<vmem_shared>> -> memref<10008x128xf32, #tpu.memory_space<vmem_shared>>
    tpu.wait_indirect_dma semaphore(%arg21 : memref<!tpu.dma_semaphore, #tpu.memory_space<semaphore_mem>>) src(%dma_wait3A_23 : memref<128x128xf32, #tpu.memory_space<vmem>>) dst(%dma_wait3A_26 : memref<10008x128xf32, #tpu.memory_space<vmem_shared>>)
    %dma_wait3A_27 = arith.constant 1 : i32
    %dma_wait3A_28 = arith.constant 0 : i32
    %dma_wait3A_29 = arith.constant 0 : i32
    %dma_wait3A_30 = tpu.memref_slice %arg8[%dma_wait3A_27, %dma_wait3A_28, %dma_wait3A_29] : memref<3x128x128xf32, #tpu.memory_space<vmem>> -> memref<1x128x128xf32, #tpu.memory_space<vmem>>
    %dma_wait3A_31 = tpu.memref_squeeze %dma_wait3A_30 : memref<1x128x128xf32, #tpu.memory_space<vmem>> -> memref<128x128xf32, #tpu.memory_space<vmem>>
    %dma_wait3A_32 = arith.constant 0 : i32
    %dma_wait3A_33 = arith.constant 0 : i32
    %dma_wait3A_34 = tpu.memref_slice %arg7[%dma_wait3A_32, %dma_wait3A_33] : memref<10008x128xf32, #tpu.memory_space<vmem_shared>> -> memref<10008x128xf32, #tpu.memory_space<vmem_shared>>
    tpu.wait_indirect_dma semaphore(%arg22 : memref<!tpu.dma_semaphore, #tpu.memory_space<semaphore_mem>>) src(%dma_wait3A_31 : memref<128x128xf32, #tpu.memory_space<vmem>>) dst(%dma_wait3A_34 : memref<10008x128xf32, #tpu.memory_space<vmem_shared>>)
    %dma_wait3A_35 = arith.constant 2 : i32
    %dma_wait3A_36 = arith.constant 0 : i32
    %dma_wait3A_37 = arith.constant 0 : i32
    %dma_wait3A_38 = tpu.memref_slice %arg8[%dma_wait3A_35, %dma_wait3A_36, %dma_wait3A_37] : memref<3x128x128xf32, #tpu.memory_space<vmem>> -> memref<1x128x128xf32, #tpu.memory_space<vmem>>
    %dma_wait3A_39 = tpu.memref_squeeze %dma_wait3A_38 : memref<1x128x128xf32, #tpu.memory_space<vmem>> -> memref<128x128xf32, #tpu.memory_space<vmem>>
    %dma_wait3A_40 = arith.constant 0 : i32
    %dma_wait3A_41 = arith.constant 0 : i32
    %dma_wait3A_42 = tpu.memref_slice %arg7[%dma_wait3A_40, %dma_wait3A_41] : memref<10008x128xf32, #tpu.memory_space<vmem_shared>> -> memref<10008x128xf32, #tpu.memory_space<vmem_shared>>
    tpu.wait_indirect_dma semaphore(%arg23 : memref<!tpu.dma_semaphore, #tpu.memory_space<semaphore_mem>>) src(%dma_wait3A_39 : memref<128x128xf32, #tpu.memory_space<vmem>>) dst(%dma_wait3A_42 : memref<10008x128xf32, #tpu.memory_space<vmem_shared>>)
    %barrier3A_43 = arith.constant 0 : index
    tpu.barrier barrier_id(%barrier3A_43)
    %mul3A_44 = arith.constant 624 : i32
    %mul3A_45 = arith.muli %arg1, %mul3A_44 : i32
    %mul3A_46 = arith.constant 10000 : i32
    %mul3A_47 = arith.muli %arg0, %mul3A_46 : i32
    %mul3A_48 = arith.constant 624 : i32
    %mul3A_49 = arith.muli %arg1, %mul3A_48 : i32
    %add3A_50 = arith.addi %mul3A_47, %mul3A_49 : i32
    "tpu.region"() ({
      %run_scoped3A = tpu.sem_alloc : memref<!tpu.dma_semaphore, #tpu.memory_space<semaphore_mem>>
      %dma_start3A = arith.constant 0 : i32
      %dma_start3A_56 = tpu.memref_slice %arg6[%add3A_50, %dma_start3A] : memref<20000x128xf32, #tpu.memory_space<hbm>> -> memref<624x128xf32, #tpu.memory_space<hbm>>
      %dma_start3A_57 = arith.constant 0 : i32
      %dma_start3A_58 = tpu.memref_slice %arg7[%mul3A_45, %dma_start3A_57] : memref<10008x128xf32, #tpu.memory_space<vmem_shared>> -> memref<624x128xf32, #tpu.memory_space<vmem_shared>>
      tpu.enqueue_dma source(%dma_start3A_58 : memref<624x128xf32, #tpu.memory_space<vmem_shared>>) target(%dma_start3A_56 : memref<624x128xf32, #tpu.memory_space<hbm>>) target_semaphore(%run_scoped3A : memref<!tpu.dma_semaphore, #tpu.memory_space<semaphore_mem>>)
      %dma_wait3A_59 = arith.constant 0 : i32
      %dma_wait3A_60 = tpu.memref_slice %arg6[%add3A_50, %dma_wait3A_59] : memref<20000x128xf32, #tpu.memory_space<hbm>> -> memref<624x128xf32, #tpu.memory_space<hbm>>
      %dma_wait3A_61 = arith.constant 0 : i32
      %dma_wait3A_62 = tpu.memref_slice %arg7[%mul3A_45, %dma_wait3A_61] : memref<10008x128xf32, #tpu.memory_space<vmem_shared>> -> memref<624x128xf32, #tpu.memory_space<vmem_shared>>
      tpu.wait_dma2 semaphore(%run_scoped3A : memref<!tpu.dma_semaphore, #tpu.memory_space<semaphore_mem>>) src(%dma_wait3A_62 : memref<624x128xf32, #tpu.memory_space<vmem_shared>>) dst(%dma_wait3A_60 : memref<624x128xf32, #tpu.memory_space<hbm>>)
      tpu.yield
    }) : () -> ()
    %eq3A_51 = arith.constant 15 : i32
    %eq3A_52 = arith.cmpi eq, %arg1, %eq3A_51 : i32
    %convert_element_type3A_53 = arith.extui %eq3A_52 : i1 to i32
    %cond3A_54 = arith.constant 0 : i32
    %cond3A_55 = arith.cmpi ne, %convert_element_type3A_53, %cond3A_54 : i32
    scf.if %cond3A_55 {
      %mul3A_56 = arith.constant 10000 : i32
      %mul3A_57 = arith.muli %arg0, %mul3A_56 : i32
      %add3A_58 = arith.constant 9984 : i32
      %add3A_59 = arith.addi %mul3A_57, %add3A_58 : i32
      "tpu.region"() ({
        %run_scoped3A = tpu.sem_alloc : memref<!tpu.dma_semaphore, #tpu.memory_space<semaphore_mem>>
        %dma_start3A = arith.constant 0 : i32
        %dma_start3A_60 = tpu.memref_slice %arg6[%add3A_59, %dma_start3A] : memref<20000x128xf32, #tpu.memory_space<hbm>> -> memref<16x128xf32, #tpu.memory_space<hbm>>
        %dma_start3A_61 = arith.constant 9984 : i32
        %dma_start3A_62 = arith.constant 0 : i32
        %dma_start3A_63 = tpu.memref_slice %arg7[%dma_start3A_61, %dma_start3A_62] : memref<10008x128xf32, #tpu.memory_space<vmem_shared>> -> memref<16x128xf32, #tpu.memory_space<vmem_shared>>
        tpu.enqueue_dma source(%dma_start3A_63 : memref<16x128xf32, #tpu.memory_space<vmem_shared>>) target(%dma_start3A_60 : memref<16x128xf32, #tpu.memory_space<hbm>>) target_semaphore(%run_scoped3A : memref<!tpu.dma_semaphore, #tpu.memory_space<semaphore_mem>>)
        %dma_wait3A_64 = arith.constant 0 : i32
        %dma_wait3A_65 = tpu.memref_slice %arg6[%add3A_59, %dma_wait3A_64] : memref<20000x128xf32, #tpu.memory_space<hbm>> -> memref<16x128xf32, #tpu.memory_space<hbm>>
        %dma_wait3A_66 = arith.constant 9984 : i32
        %dma_wait3A_67 = arith.constant 0 : i32
        %dma_wait3A_68 = tpu.memref_slice %arg7[%dma_wait3A_66, %dma_wait3A_67] : memref<10008x128xf32, #tpu.memory_space<vmem_shared>> -> memref<16x128xf32, #tpu.memory_space<vmem_shared>>
        tpu.wait_dma2 semaphore(%run_scoped3A : memref<!tpu.dma_semaphore, #tpu.memory_space<semaphore_mem>>) src(%dma_wait3A_68 : memref<16x128xf32, #tpu.memory_space<vmem_shared>>) dst(%dma_wait3A_65 : memref<16x128xf32, #tpu.memory_space<hbm>>)
        tpu.yield
      }) : () -> ()
    } else {
    }
    return
  }
}

module attributes {stable_mosaic.version = 14 : i64} {
  func.func @body(%arg0: i32, %arg1: memref<1000x128xf32, #tpu.memory_space<vmem>>, %arg2: memref<1000x128xf32, #tpu.memory_space<vmem>>, %arg3: memref<1000x128xf32, #tpu.memory_space<vmem>>, %arg4: memref<128x128xf32, #tpu.memory_space<vmem>>, %arg5: memref<128x128xf32, #tpu.memory_space<vmem>>, %arg6: memref<128x128xf32, #tpu.memory_space<vmem>>, %arg7: memref<128x128xf32, #tpu.memory_space<vmem>>, %arg8: memref<128x128xf32, #tpu.memory_space<vmem>>, %arg9: memref<128x128xf32, #tpu.memory_space<vmem>>, %arg10: memref<128x128xf32, #tpu.memory_space<vmem>>, %arg11: memref<128x128xf32, #tpu.memory_space<vmem>>, %arg12: memref<128x128xf32, #tpu.memory_space<vmem>>, %arg13: memref<1x128xf32, #tpu.memory_space<vmem>>, %arg14: memref<1x128xf32, #tpu.memory_space<vmem>>, %arg15: memref<1x128xf32, #tpu.memory_space<vmem>>, %arg16: memref<1x128xf32, #tpu.memory_space<vmem>>, %arg17: memref<1x128xf32, #tpu.memory_space<vmem>>, %arg18: memref<1000x128xf32, #tpu.memory_space<vmem>>) attributes {dimension_semantics = [#tpu.dimension_semantics<arbitrary>], iteration_bounds = array<i64: 10>, scalar_prefetch = 0 : i64, scratch_operands = 0 : i64, tpu.core_type = #tpu.core_type<tc>, window_params = [{transform_indices = @transform_0, window_bounds = array<i64: 1000, 128>}, {transform_indices = @transform_1, window_bounds = array<i64: 1000, 128>}, {transform_indices = @transform_2, window_bounds = array<i64: 1000, 128>}, {pipeline_mode = #tpu.pipeline_mode<synchronous>, transform_indices = @transform_3, window_bounds = array<i64: 128, 128>}, {pipeline_mode = #tpu.pipeline_mode<synchronous>, transform_indices = @transform_4, window_bounds = array<i64: 128, 128>}, {pipeline_mode = #tpu.pipeline_mode<synchronous>, transform_indices = @transform_5, window_bounds = array<i64: 128, 128>}, {pipeline_mode = #tpu.pipeline_mode<synchronous>, transform_indices = @transform_6, window_bounds = array<i64: 128, 128>}, {pipeline_mode = #tpu.pipeline_mode<synchronous>, transform_indices = @transform_7, window_bounds = array<i64: 128, 128>}, {pipeline_mode = #tpu.pipeline_mode<synchronous>, transform_indices = @transform_8, window_bounds = array<i64: 128, 128>}, {pipeline_mode = #tpu.pipeline_mode<synchronous>, transform_indices = @transform_9, window_bounds = array<i64: 128, 128>}, {pipeline_mode = #tpu.pipeline_mode<synchronous>, transform_indices = @transform_10, window_bounds = array<i64: 128, 128>}, {pipeline_mode = #tpu.pipeline_mode<synchronous>, transform_indices = @transform_11, window_bounds = array<i64: 128, 128>}, {pipeline_mode = #tpu.pipeline_mode<synchronous>, transform_indices = @transform_12, window_bounds = array<i64: 1, 128>}, {pipeline_mode = #tpu.pipeline_mode<synchronous>, transform_indices = @transform_13, window_bounds = array<i64: 1, 128>}, {pipeline_mode = #tpu.pipeline_mode<synchronous>, transform_indices = @transform_14, window_bounds = array<i64: 1, 128>}, {pipeline_mode = #tpu.pipeline_mode<synchronous>, transform_indices = @transform_15, window_bounds = array<i64: 1, 128>}, {pipeline_mode = #tpu.pipeline_mode<synchronous>, transform_indices = @transform_16, window_bounds = array<i64: 1, 128>}, {transform_indices = @transform_17, window_bounds = array<i64: 1000, 128>}]} {
    %get3A = arith.constant 0 : index
    %get3A_0 = arith.constant 0 : index
    %get3A_1 = vector.load %arg3[%get3A, %get3A_0] : memref<1000x128xf32, #tpu.memory_space<vmem>>, vector<1000x128xf32>
    %get3A_2 = arith.constant 0 : index
    %get3A_3 = arith.constant 0 : index
    %get3A_4 = vector.load %arg1[%get3A_2, %get3A_3] : memref<1000x128xf32, #tpu.memory_space<vmem>>, vector<1000x128xf32>
    %get3A_5 = arith.constant 0 : index
    %get3A_6 = arith.constant 0 : index
    %get3A_7 = vector.load %arg2[%get3A_5, %get3A_6] : memref<1000x128xf32, #tpu.memory_space<vmem>>, vector<1000x128xf32>
    %add3A = arith.addf %get3A_4, %get3A_7 : vector<1000x128xf32>
    %add3A_8 = arith.addf %add3A, %get3A_1 : vector<1000x128xf32>
    %get3A_9 = arith.constant 0 : index
    %get3A_10 = arith.constant 0 : index
    %get3A_11 = vector.load %arg4[%get3A_9, %get3A_10] : memref<128x128xf32, #tpu.memory_space<vmem>>, vector<128x128xf32>
    %dot_general3A = arith.constant dense<0.000000e+00> : vector<1000x128xf32>
    %dot_general3A_12 = tpu.matmul %add3A_8, %get3A_11, %dot_general3A {dimension_numbers = #tpu.dot_dimension_numbers<[1], [0], [0], [1], [0, 0, 1, 1], [], []>, transpose_lhs_hint = false} : vector<1000x128xf32>, vector<128x128xf32>, vector<1000x128xf32> -> vector<1000x128xf32>
    %get3A_13 = arith.constant 0 : index
    %get3A_14 = arith.constant 0 : index
    %get3A_15 = vector.load %arg5[%get3A_13, %get3A_14] : memref<128x128xf32, #tpu.memory_space<vmem>>, vector<128x128xf32>
    %dot_general3A_16 = arith.constant dense<0.000000e+00> : vector<1000x128xf32>
    %dot_general3A_17 = tpu.matmul %dot_general3A_12, %get3A_15, %dot_general3A_16 {dimension_numbers = #tpu.dot_dimension_numbers<[1], [0], [0], [1], [0, 0, 1, 1], [], []>, transpose_lhs_hint = false} : vector<1000x128xf32>, vector<128x128xf32>, vector<1000x128xf32> -> vector<1000x128xf32>
    %get3A_18 = arith.constant 0 : index
    %get3A_19 = arith.constant 0 : index
    %get3A_20 = vector.load %arg6[%get3A_18, %get3A_19] : memref<128x128xf32, #tpu.memory_space<vmem>>, vector<128x128xf32>
    %dot_general3A_21 = arith.constant dense<0.000000e+00> : vector<1000x128xf32>
    %dot_general3A_22 = tpu.matmul %get3A_1, %get3A_20, %dot_general3A_21 {dimension_numbers = #tpu.dot_dimension_numbers<[1], [0], [0], [1], [0, 0, 1, 1], [], []>, transpose_lhs_hint = false} : vector<1000x128xf32>, vector<128x128xf32>, vector<1000x128xf32> -> vector<1000x128xf32>
    %add3A_23 = arith.addf %dot_general3A_17, %dot_general3A_22 : vector<1000x128xf32>
    %get3A_24 = arith.constant 0 : index
    %get3A_25 = arith.constant 0 : index
    %get3A_26 = vector.load %arg13[%get3A_24, %get3A_25] : memref<1x128xf32, #tpu.memory_space<vmem>>, vector<1x128xf32>
    %add3A_27 = vector.broadcast %get3A_26 : vector<1x128xf32> to vector<1000x128xf32>
    %add3A_28 = arith.addf %add3A_23, %add3A_27 : vector<1000x128xf32>
    %logistic3A = arith.negf %add3A_28 : vector<1000x128xf32>
    %logistic3A_29 = math.exp %logistic3A : vector<1000x128xf32>
    %logistic3A_30 = arith.constant 1.000000e+00 : f32
    %logistic3A_31 = vector.broadcast %logistic3A_30 : f32 to vector<1000x128xf32>
    %logistic3A_32 = arith.addf %logistic3A_31, %logistic3A_29 : vector<1000x128xf32>
    %logistic3A_33 = arith.divf %logistic3A_31, %logistic3A_32 : vector<1000x128xf32>
    %get3A_34 = arith.constant 0 : index
    %get3A_35 = arith.constant 0 : index
    %get3A_36 = vector.load %arg7[%get3A_34, %get3A_35] : memref<128x128xf32, #tpu.memory_space<vmem>>, vector<128x128xf32>
    %dot_general3A_37 = arith.constant dense<0.000000e+00> : vector<1000x128xf32>
    %dot_general3A_38 = tpu.matmul %dot_general3A_12, %get3A_36, %dot_general3A_37 {dimension_numbers = #tpu.dot_dimension_numbers<[1], [0], [0], [1], [0, 0, 1, 1], [], []>, transpose_lhs_hint = false} : vector<1000x128xf32>, vector<128x128xf32>, vector<1000x128xf32> -> vector<1000x128xf32>
    %get3A_39 = arith.constant 0 : index
    %get3A_40 = arith.constant 0 : index
    %get3A_41 = vector.load %arg8[%get3A_39, %get3A_40] : memref<128x128xf32, #tpu.memory_space<vmem>>, vector<128x128xf32>
    %dot_general3A_42 = arith.constant dense<0.000000e+00> : vector<1000x128xf32>
    %dot_general3A_43 = tpu.matmul %get3A_1, %get3A_41, %dot_general3A_42 {dimension_numbers = #tpu.dot_dimension_numbers<[1], [0], [0], [1], [0, 0, 1, 1], [], []>, transpose_lhs_hint = false} : vector<1000x128xf32>, vector<128x128xf32>, vector<1000x128xf32> -> vector<1000x128xf32>
    %add3A_44 = arith.addf %dot_general3A_38, %dot_general3A_43 : vector<1000x128xf32>
    %get3A_45 = arith.constant 0 : index
    %get3A_46 = arith.constant 0 : index
    %get3A_47 = vector.load %arg14[%get3A_45, %get3A_46] : memref<1x128xf32, #tpu.memory_space<vmem>>, vector<1x128xf32>
    %add3A_48 = vector.broadcast %get3A_47 : vector<1x128xf32> to vector<1000x128xf32>
    %add3A_49 = arith.addf %add3A_44, %add3A_48 : vector<1000x128xf32>
    %logistic3A_50 = arith.negf %add3A_49 : vector<1000x128xf32>
    %logistic3A_51 = math.exp %logistic3A_50 : vector<1000x128xf32>
    %logistic3A_52 = arith.constant 1.000000e+00 : f32
    %logistic3A_53 = vector.broadcast %logistic3A_52 : f32 to vector<1000x128xf32>
    %logistic3A_54 = arith.addf %logistic3A_53, %logistic3A_51 : vector<1000x128xf32>
    %logistic3A_55 = arith.divf %logistic3A_53, %logistic3A_54 : vector<1000x128xf32>
    %get3A_56 = arith.constant 0 : index
    %get3A_57 = arith.constant 0 : index
    %get3A_58 = vector.load %arg9[%get3A_56, %get3A_57] : memref<128x128xf32, #tpu.memory_space<vmem>>, vector<128x128xf32>
    %dot_general3A_59 = arith.constant dense<0.000000e+00> : vector<1000x128xf32>
    %dot_general3A_60 = tpu.matmul %dot_general3A_12, %get3A_58, %dot_general3A_59 {dimension_numbers = #tpu.dot_dimension_numbers<[1], [0], [0], [1], [0, 0, 1, 1], [], []>, transpose_lhs_hint = false} : vector<1000x128xf32>, vector<128x128xf32>, vector<1000x128xf32> -> vector<1000x128xf32>
    %mul3A = arith.mulf %logistic3A_55, %get3A_1 : vector<1000x128xf32>
    %get3A_61 = arith.constant 0 : index
    %get3A_62 = arith.constant 0 : index
    %get3A_63 = vector.load %arg10[%get3A_61, %get3A_62] : memref<128x128xf32, #tpu.memory_space<vmem>>, vector<128x128xf32>
    %dot_general3A_64 = arith.constant dense<0.000000e+00> : vector<1000x128xf32>
    %dot_general3A_65 = tpu.matmul %mul3A, %get3A_63, %dot_general3A_64 {dimension_numbers = #tpu.dot_dimension_numbers<[1], [0], [0], [1], [0, 0, 1, 1], [], []>, transpose_lhs_hint = false} : vector<1000x128xf32>, vector<128x128xf32>, vector<1000x128xf32> -> vector<1000x128xf32>
    %add3A_66 = arith.addf %dot_general3A_60, %dot_general3A_65 : vector<1000x128xf32>
    %get3A_67 = arith.constant 0 : index
    %get3A_68 = arith.constant 0 : index
    %get3A_69 = vector.load %arg15[%get3A_67, %get3A_68] : memref<1x128xf32, #tpu.memory_space<vmem>>, vector<1x128xf32>
    %add3A_70 = vector.broadcast %get3A_69 : vector<1x128xf32> to vector<1000x128xf32>
    %add3A_71 = arith.addf %add3A_66, %add3A_70 : vector<1000x128xf32>
    %get3A_72 = arith.constant 0 : index
    %get3A_73 = arith.constant 0 : index
    %get3A_74 = vector.load %arg11[%get3A_72, %get3A_73] : memref<128x128xf32, #tpu.memory_space<vmem>>, vector<128x128xf32>
    %dot_general3A_75 = arith.constant dense<0.000000e+00> : vector<1000x128xf32>
    %dot_general3A_76 = tpu.matmul %add3A_71, %get3A_74, %dot_general3A_75 {dimension_numbers = #tpu.dot_dimension_numbers<[1], [0], [0], [1], [0, 0, 1, 1], [], []>, transpose_lhs_hint = false} : vector<1000x128xf32>, vector<128x128xf32>, vector<1000x128xf32> -> vector<1000x128xf32>
    %get3A_77 = arith.constant 0 : index
    %get3A_78 = arith.constant 0 : index
    %get3A_79 = vector.load %arg16[%get3A_77, %get3A_78] : memref<1x128xf32, #tpu.memory_space<vmem>>, vector<1x128xf32>
    %add3A_80 = vector.broadcast %get3A_79 : vector<1x128xf32> to vector<1000x128xf32>
    %add3A_81 = arith.addf %dot_general3A_76, %add3A_80 : vector<1000x128xf32>
    %logistic3A_82 = arith.negf %add3A_81 : vector<1000x128xf32>
    %logistic3A_83 = math.exp %logistic3A_82 : vector<1000x128xf32>
    %logistic3A_84 = arith.constant 1.000000e+00 : f32
    %logistic3A_85 = vector.broadcast %logistic3A_84 : f32 to vector<1000x128xf32>
    %logistic3A_86 = arith.addf %logistic3A_85, %logistic3A_83 : vector<1000x128xf32>
    %logistic3A_87 = arith.divf %logistic3A_85, %logistic3A_86 : vector<1000x128xf32>
    %get3A_88 = arith.constant 0 : index
    %get3A_89 = arith.constant 0 : index
    %get3A_90 = vector.load %arg12[%get3A_88, %get3A_89] : memref<128x128xf32, #tpu.memory_space<vmem>>, vector<128x128xf32>
    %dot_general3A_91 = arith.constant dense<0.000000e+00> : vector<1000x128xf32>
    %dot_general3A_92 = tpu.matmul %add3A_71, %get3A_90, %dot_general3A_91 {dimension_numbers = #tpu.dot_dimension_numbers<[1], [0], [0], [1], [0, 0, 1, 1], [], []>, transpose_lhs_hint = false} : vector<1000x128xf32>, vector<128x128xf32>, vector<1000x128xf32> -> vector<1000x128xf32>
    %get3A_93 = arith.constant 0 : index
    %get3A_94 = arith.constant 0 : index
    %get3A_95 = vector.load %arg17[%get3A_93, %get3A_94] : memref<1x128xf32, #tpu.memory_space<vmem>>, vector<1x128xf32>
    %add3A_96 = vector.broadcast %get3A_95 : vector<1x128xf32> to vector<1000x128xf32>
    %add3A_97 = arith.addf %dot_general3A_92, %add3A_96 : vector<1000x128xf32>
    %mul3A_98 = arith.mulf %add3A_97, %logistic3A_87 : vector<1000x128xf32>
    %mul3A_99 = arith.mulf %logistic3A_33, %mul3A_98 : vector<1000x128xf32>
    %sub3A = arith.constant 1.000000e+00 : f32
    %sub3A_100 = vector.broadcast %sub3A : f32 to vector<1000x128xf32>
    %sub3A_101 = arith.subf %sub3A_100, %logistic3A_33 : vector<1000x128xf32>
    %mul3A_102 = arith.mulf %sub3A_101, %get3A_1 : vector<1000x128xf32>
    %add3A_103 = arith.addf %mul3A_99, %mul3A_102 : vector<1000x128xf32>
    %swap3A = arith.constant 0 : index
    %swap3A_104 = arith.constant 0 : index
    %swap3A_105 = vector.load %arg18[%swap3A, %swap3A_104] : memref<1000x128xf32, #tpu.memory_space<vmem>>, vector<1000x128xf32>
    tpu.vector_store %arg18[%swap3A, %swap3A_104], %add3A_103 {strides = array<i32>} : memref<1000x128xf32, #tpu.memory_space<vmem>>, vector<1000x128xf32>,
    return
  }
  func.func @transform_0(%arg0: i32) -> (i32, i32) {
    %add3A = arith.constant 0 : i32
    %add3A_0 = arith.addi %arg0, %add3A : i32
    %c0_i32 = arith.constant 0 : i32
    %c0_i32_1 = arith.constant 0 : i32
    return %add3A_0, %c0_i32 : i32, i32
  }
  func.func @transform_1(%arg0: i32) -> (i32, i32) {
    %add3A = arith.constant 10 : i32
    %add3A_0 = arith.addi %arg0, %add3A : i32
    %c0_i32 = arith.constant 0 : i32
    %c0_i32_1 = arith.constant 0 : i32
    return %add3A_0, %c0_i32 : i32, i32
  }
  func.func @transform_2(%arg0: i32) -> (i32, i32) {
    %add3A = arith.constant 0 : i32
    %add3A_0 = arith.addi %arg0, %add3A : i32
    %c0_i32 = arith.constant 0 : i32
    %c0_i32_1 = arith.constant 0 : i32
    return %add3A_0, %c0_i32 : i32, i32
  }
  func.func @transform_3(%arg0: i32) -> (i32, i32) {
    %c0_i32 = arith.constant 0 : i32
    %c0_i32_0 = arith.constant 0 : i32
    %c0_i32_1 = arith.constant 0 : i32
    return %c0_i32, %c0_i32_0 : i32, i32
  }
  func.func @transform_4(%arg0: i32) -> (i32, i32) {
    %c0_i32 = arith.constant 0 : i32
    %c0_i32_0 = arith.constant 0 : i32
    %c0_i32_1 = arith.constant 0 : i32
    return %c0_i32, %c0_i32_0 : i32, i32
  }
  func.func @transform_5(%arg0: i32) -> (i32, i32) {
    %c0_i32 = arith.constant 0 : i32
    %c0_i32_0 = arith.constant 0 : i32
    %c0_i32_1 = arith.constant 0 : i32
    return %c0_i32, %c0_i32_0 : i32, i32
  }
  func.func @transform_6(%arg0: i32) -> (i32, i32) {
    %c0_i32 = arith.constant 0 : i32
    %c0_i32_0 = arith.constant 0 : i32
    %c0_i32_1 = arith.constant 0 : i32
    return %c0_i32, %c0_i32_0 : i32, i32
  }
  func.func @transform_7(%arg0: i32) -> (i32, i32) {
    %c0_i32 = arith.constant 0 : i32
    %c0_i32_0 = arith.constant 0 : i32
    %c0_i32_1 = arith.constant 0 : i32
    return %c0_i32, %c0_i32_0 : i32, i32
  }
  func.func @transform_8(%arg0: i32) -> (i32, i32) {
    %c0_i32 = arith.constant 0 : i32
    %c0_i32_0 = arith.constant 0 : i32
    %c0_i32_1 = arith.constant 0 : i32
    return %c0_i32, %c0_i32_0 : i32, i32
  }
  func.func @transform_9(%arg0: i32) -> (i32, i32) {
    %c0_i32 = arith.constant 0 : i32
    %c0_i32_0 = arith.constant 0 : i32
    %c0_i32_1 = arith.constant 0 : i32
    return %c0_i32, %c0_i32_0 : i32, i32
  }
  func.func @transform_10(%arg0: i32) -> (i32, i32) {
    %c0_i32 = arith.constant 0 : i32
    %c0_i32_0 = arith.constant 0 : i32
    %c0_i32_1 = arith.constant 0 : i32
    return %c0_i32, %c0_i32_0 : i32, i32
  }
  func.func @transform_11(%arg0: i32) -> (i32, i32) {
    %c0_i32 = arith.constant 0 : i32
    %c0_i32_0 = arith.constant 0 : i32
    %c0_i32_1 = arith.constant 0 : i32
    return %c0_i32, %c0_i32_0 : i32, i32
  }
  func.func @transform_12(%arg0: i32) -> (i32, i32) {
    %c0_i32 = arith.constant 0 : i32
    %c0_i32_0 = arith.constant 0 : i32
    %c0_i32_1 = arith.constant 0 : i32
    return %c0_i32, %c0_i32_0 : i32, i32
  }
  func.func @transform_13(%arg0: i32) -> (i32, i32) {
    %c0_i32 = arith.constant 0 : i32
    %c0_i32_0 = arith.constant 0 : i32
    %c0_i32_1 = arith.constant 0 : i32
    return %c0_i32, %c0_i32_0 : i32, i32
  }
  func.func @transform_14(%arg0: i32) -> (i32, i32) {
    %c0_i32 = arith.constant 0 : i32
    %c0_i32_0 = arith.constant 0 : i32
    %c0_i32_1 = arith.constant 0 : i32
    return %c0_i32, %c0_i32_0 : i32, i32
  }
  func.func @transform_15(%arg0: i32) -> (i32, i32) {
    %c0_i32 = arith.constant 0 : i32
    %c0_i32_0 = arith.constant 0 : i32
    %c0_i32_1 = arith.constant 0 : i32
    return %c0_i32, %c0_i32_0 : i32, i32
  }
  func.func @transform_16(%arg0: i32) -> (i32, i32) {
    %c0_i32 = arith.constant 0 : i32
    %c0_i32_0 = arith.constant 0 : i32
    %c0_i32_1 = arith.constant 0 : i32
    return %c0_i32, %c0_i32_0 : i32, i32
  }
  func.func @transform_17(%arg0: i32) -> (i32, i32) {
    %add3A = arith.constant 0 : i32
    %add3A_0 = arith.addi %arg0, %add3A : i32
    %c0_i32 = arith.constant 0 : i32
    %c0_i32_1 = arith.constant 0 : i32
    return %add3A_0, %c0_i32 : i32, i32
  }
}

module attributes {stable_mosaic.version = 14 : i64} {
  func.func @body(%arg0: i32, %arg1: memref<1000x128xf32, #tpu.memory_space<vmem>>, %arg2: memref<1000x1xi32, #tpu.memory_space<vmem>>, %arg3: memref<1x128xf32, #tpu.memory_space<vmem>>, %arg4: memref<1x1xf32, #tpu.memory_space<vmem>>, %arg5: memref<128x128xf32, #tpu.memory_space<vmem>>, %arg6: memref<1x128xf32, #tpu.memory_space<vmem>>, %arg7: memref<128x128xf32, #tpu.memory_space<vmem>>, %arg8: memref<128x128xf32, #tpu.memory_space<vmem>>, %arg9: memref<1x128xf32, #tpu.memory_space<vmem>>, %arg10: memref<128x10xf32, #tpu.memory_space<vmem>>, %arg11: memref<1x10xf32, #tpu.memory_space<vmem>>, %arg12: memref<64x10xf32, #tpu.memory_space<vmem>>, %arg13: memref<64x128xf32, #tpu.memory_space<vmem>>, %arg14: memref<64x128xf32, #tpu.memory_space<vmem>>, %arg15: memref<64x1xf32, #tpu.memory_space<vmem>>) attributes {dimension_semantics = [#tpu.dimension_semantics<arbitrary>], iteration_bounds = array<i64: 10>, scalar_prefetch = 0 : i64, scratch_operands = 3 : i64, tpu.core_type = #tpu.core_type<tc>, window_params = [{transform_indices = @transform_0, window_bounds = array<i64: 1000, 128>}, {transform_indices = @transform_1, window_bounds = array<i64: 1000, 1>}, {pipeline_mode = #tpu.pipeline_mode<synchronous>, transform_indices = @transform_2, window_bounds = array<i64: 1, 128>}, {pipeline_mode = #tpu.pipeline_mode<synchronous>, transform_indices = @transform_3, window_bounds = array<i64: 1, 1>}, {pipeline_mode = #tpu.pipeline_mode<synchronous>, transform_indices = @transform_4, window_bounds = array<i64: 128, 128>}, {pipeline_mode = #tpu.pipeline_mode<synchronous>, transform_indices = @transform_5, window_bounds = array<i64: 1, 128>}, {pipeline_mode = #tpu.pipeline_mode<synchronous>, transform_indices = @transform_6, window_bounds = array<i64: 128, 128>}, {pipeline_mode = #tpu.pipeline_mode<synchronous>, transform_indices = @transform_7, window_bounds = array<i64: 128, 128>}, {pipeline_mode = #tpu.pipeline_mode<synchronous>, transform_indices = @transform_8, window_bounds = array<i64: 1, 128>}, {pipeline_mode = #tpu.pipeline_mode<synchronous>, transform_indices = @transform_9, window_bounds = array<i64: 128, 10>}, {pipeline_mode = #tpu.pipeline_mode<synchronous>, transform_indices = @transform_10, window_bounds = array<i64: 1, 10>}, {pipeline_mode = #tpu.pipeline_mode<synchronous>, transform_indices = @transform_11, window_bounds = array<i64: 64, 10>}]} {
    %eq3A = arith.constant 0 : i32
    %eq3A_0 = arith.cmpi eq, %arg0, %eq3A : i32
    %convert_element_type3A = arith.extui %eq3A_0 : i1 to i32
    %cond3A = arith.constant 0 : i32
    %cond3A_1 = arith.cmpi ne, %convert_element_type3A, %cond3A : i32
    scf.if %cond3A_1 {
      %broadcast_in_dim3A_76 = arith.constant 0xFF800000 : f32
      %broadcast_in_dim3A_77 = vector.broadcast %broadcast_in_dim3A_76 : f32 to vector<64x128xf32>
      %swap3A_78 = arith.constant 0 : index
      %swap3A_79 = arith.constant 0 : index
      %swap3A_80 = vector.load %arg13[%swap3A_78, %swap3A_79] : memref<64x128xf32, #tpu.memory_space<vmem>>, vector<64x128xf32>
      tpu.vector_store %arg13[%swap3A_78, %swap3A_79], %broadcast_in_dim3A_77 {strides = array<i32>} : memref<64x128xf32, #tpu.memory_space<vmem>>, vector<64x128xf32>,
      %broadcast_in_dim3A_81 = arith.constant 0.000000e+00 : f32
      %broadcast_in_dim3A_82 = vector.broadcast %broadcast_in_dim3A_81 : f32 to vector<64x128xf32>
      %swap3A_83 = arith.constant 0 : index
      %swap3A_84 = arith.constant 0 : index
      %swap3A_85 = vector.load %arg14[%swap3A_83, %swap3A_84] : memref<64x128xf32, #tpu.memory_space<vmem>>, vector<64x128xf32>
      tpu.vector_store %arg14[%swap3A_83, %swap3A_84], %broadcast_in_dim3A_82 {strides = array<i32>} : memref<64x128xf32, #tpu.memory_space<vmem>>, vector<64x128xf32>,
      %broadcast_in_dim3A_86 = arith.constant 0.000000e+00 : f32
      %broadcast_in_dim3A_87 = vector.broadcast %broadcast_in_dim3A_86 : f32 to vector<64x1xf32>
      %swap3A_88 = arith.constant 0 : index
      %swap3A_89 = arith.constant 0 : index
      %swap3A_90 = vector.load %arg15[%swap3A_88, %swap3A_89] : memref<64x1xf32, #tpu.memory_space<vmem>>, vector<64x1xf32>
      tpu.vector_store %arg15[%swap3A_88, %swap3A_89], %broadcast_in_dim3A_87 {strides = array<i32>} : memref<64x1xf32, #tpu.memory_space<vmem>>, vector<64x1xf32>,
    } else {
    }
    %get3A = arith.constant 0 : index
    %get3A_2 = arith.constant 0 : index
    %get3A_3 = vector.load %arg1[%get3A, %get3A_2] : memref<1000x128xf32, #tpu.memory_space<vmem>>, vector<1000x128xf32>
    %get3A_4 = arith.constant 0 : index
    %get3A_5 = arith.constant 0 : index
    %get3A_6 = vector.load %arg3[%get3A_4, %get3A_5] : memref<1x128xf32, #tpu.memory_space<vmem>>, vector<1x128xf32>
    %mul3A = vector.broadcast %get3A_6 : vector<1x128xf32> to vector<1000x128xf32>
    %mul3A_7 = arith.mulf %get3A_3, %mul3A : vector<1000x128xf32>
    %reduce_sum3A = arith.constant dense<0.000000e+00> : vector<1000xf32>
    %reduce_sum3A_8 = vector.multi_reduction <add>, %mul3A_7, %reduce_sum3A [1] : vector<1000x128xf32> to vector<1000xf32>
    %broadcast_in_dim3A = vector.shape_cast %reduce_sum3A_8 : vector<1000xf32> to vector<1000x1xf32>
    %get3A_9 = arith.constant 0 : index
    %get3A_10 = arith.constant 0 : index
    %get3A_11 = vector.load %arg4[%get3A_9, %get3A_10] : memref<1x1xf32, #tpu.memory_space<vmem>>, vector<1x1xf32>
    %get3A_12 = vector.extract %get3A_11[0, 0] : f32 from vector<1x1xf32>
    %add3A = vector.broadcast %get3A_12 : f32 to vector<1000x1xf32>
    %add3A_13 = arith.addf %broadcast_in_dim3A, %add3A : vector<1000x1xf32>
    %logistic3A = arith.negf %add3A_13 : vector<1000x1xf32>
    %logistic3A_14 = math.exp %logistic3A : vector<1000x1xf32>
    %logistic3A_15 = arith.constant 1.000000e+00 : f32
    %logistic3A_16 = vector.broadcast %logistic3A_15 : f32 to vector<1000x1xf32>
    %logistic3A_17 = arith.addf %logistic3A_16, %logistic3A_14 : vector<1000x1xf32>
    %logistic3A_18 = arith.divf %logistic3A_16, %logistic3A_17 : vector<1000x1xf32>
    %mul3A_19 = vector.broadcast %logistic3A_18 : vector<1000x1xf32> to vector<1000x128xf32>
    %mul3A_20 = arith.mulf %get3A_3, %mul3A_19 : vector<1000x128xf32>
    %get3A_21 = arith.constant 0 : index
    %get3A_22 = arith.constant 0 : index
    %get3A_23 = vector.load %arg5[%get3A_21, %get3A_22] : memref<128x128xf32, #tpu.memory_space<vmem>>, vector<128x128xf32>
    %dot_general3A = arith.constant dense<0.000000e+00> : vector<1000x128xf32>
    %dot_general3A_24 = tpu.matmul %mul3A_20, %get3A_23, %dot_general3A {dimension_numbers = #tpu.dot_dimension_numbers<[1], [0], [0], [1], [0, 0, 1, 1], [], []>, transpose_lhs_hint = false} : vector<1000x128xf32>, vector<128x128xf32>, vector<1000x128xf32> -> vector<1000x128xf32>
    %get3A_25 = arith.constant 0 : index
    %get3A_26 = arith.constant 0 : index
    %get3A_27 = vector.load %arg6[%get3A_25, %get3A_26] : memref<1x128xf32, #tpu.memory_space<vmem>>, vector<1x128xf32>
    %add3A_28 = vector.broadcast %get3A_27 : vector<1x128xf32> to vector<1000x128xf32>
    %add3A_29 = arith.addf %dot_general3A_24, %add3A_28 : vector<1000x128xf32>
    %max3A = arith.constant 0.000000e+00 : f32
    %max3A_30 = vector.broadcast %max3A : f32 to vector<1000x128xf32>
    %max3A_31 = arith.maximumf %add3A_29, %max3A_30 : vector<1000x128xf32>
    %get3A_32 = arith.constant 0 : index
    %get3A_33 = arith.constant 0 : index
    %get3A_34 = vector.load %arg2[%get3A_32, %get3A_33] : memref<1000x1xi32, #tpu.memory_space<vmem>>, vector<1000x1xi32>
    %reshape3A = vector.shape_cast %get3A_34 : vector<1000x1xi32> to vector<1x1000xi32>
    %iota3A = tpu.iota {dimensions = array<i32: 0>} : vector<64x1000xi32>
    %eq3A_35 = vector.broadcast %reshape3A : vector<1x1000xi32> to vector<64x1000xi32>
    %eq3A_36 = arith.cmpi eq, %iota3A, %eq3A_35 : vector<64x1000xi32>
    %convert_element_type3A_37 = arith.extui %eq3A_36 : vector<64x1000xi1> to vector<64x1000xi32>
    %convert_element_type3A_38 = arith.sitofp %convert_element_type3A_37 : vector<64x1000xi32> to vector<64x1000xf32>
    %get3A_39 = arith.constant 0 : index
    %get3A_40 = arith.constant 0 : index
    %get3A_41 = vector.load %arg14[%get3A_39, %get3A_40] : memref<64x128xf32, #tpu.memory_space<vmem>>, vector<64x128xf32>
    %dot_general3A_42 = arith.constant dense<0.000000e+00> : vector<64x128xf32>
    %dot_general3A_43 = tpu.matmul %convert_element_type3A_38, %max3A_31, %dot_general3A_42 {dimension_numbers = #tpu.dot_dimension_numbers<[1], [0], [0], [1], [0, 0, 1, 1], [], []>, transpose_lhs_hint = false} : vector<64x1000xf32>, vector<1000x128xf32>, vector<64x128xf32> -> vector<64x128xf32>
    %add3A_44 = arith.addf %get3A_41, %dot_general3A_43 : vector<64x128xf32>
    %swap3A = arith.constant 0 : index
    %swap3A_45 = arith.constant 0 : index
    %swap3A_46 = vector.load %arg14[%swap3A, %swap3A_45] : memref<64x128xf32, #tpu.memory_space<vmem>>, vector<64x128xf32>
    tpu.vector_store %arg14[%swap3A, %swap3A_45], %add3A_44 {strides = array<i32>} : memref<64x128xf32, #tpu.memory_space<vmem>>, vector<64x128xf32>,
    %get3A_47 = arith.constant 0 : index
    %get3A_48 = arith.constant 0 : index
    %get3A_49 = vector.load %arg15[%get3A_47, %get3A_48] : memref<64x1xf32, #tpu.memory_space<vmem>>, vector<64x1xf32>
    %reduce_sum3A_50 = arith.constant dense<0.000000e+00> : vector<64xf32>
    %reduce_sum3A_51 = vector.multi_reduction <add>, %convert_element_type3A_38, %reduce_sum3A_50 [1] : vector<64x1000xf32> to vector<64xf32>
    %broadcast_in_dim3A_52 = vector.shape_cast %reduce_sum3A_51 : vector<64xf32> to vector<64x1xf32>
    %add3A_53 = arith.addf %get3A_49, %broadcast_in_dim3A_52 : vector<64x1xf32>
    %swap3A_54 = arith.constant 0 : index
    %swap3A_55 = arith.constant 0 : index
    %swap3A_56 = vector.load %arg15[%swap3A_54, %swap3A_55] : memref<64x1xf32, #tpu.memory_space<vmem>>, vector<64x1xf32>
    tpu.vector_store %arg15[%swap3A_54, %swap3A_55], %add3A_53 {strides = array<i32>} : memref<64x1xf32, #tpu.memory_space<vmem>>, vector<64x1xf32>,
    %slice3A = vector.extract_strided_slice %get3A_34 {offsets = [0, 0], sizes = [1, 1], strides = [1, 1]} : vector<1000x1xi32> to vector<1x1xi32>
    %squeeze3A = vector.extract %slice3A[0, 0] : i32 from vector<1x1xi32>
    %slice3A_57 = vector.extract_strided_slice %get3A_34 {offsets = [999, 0], sizes = [1, 1], strides = [1, 1]} : vector<1000x1xi32> to vector<1x1xi32>
    %squeeze3A_58 = vector.extract %slice3A_57[0, 0] : i32 from vector<1x1xi32>
    %add3A_59 = arith.constant 1 : i32
    %add3A_60 = arith.addi %squeeze3A_58, %add3A_59 : i32
    %while3A = arith.constant 0 : i32
    %while3A_61 = arith.subi %add3A_60, %squeeze3A : i32
    %while3A_62 = arith.addi %squeeze3A, %while3A_61 : i32
    %while3A_63 = arith.constant 1 : i32
    %while3A_64 = arith.divsi %while3A_61, %while3A_63 : i32
    %while3A_65 = arith.muli %while3A_64, %while3A_63 : i32
    %while3A_66 = arith.addi %squeeze3A, %while3A_65 : i32
    %while3A_67 = arith.constant 1 : i32
    %while3A_68 = scf.for %while3A_76 = %squeeze3A to %while3A_66 step %while3A_67 iter_args(%while3A_77 = %while3A) -> (i32)  : i32 {
      %eq3A_78 = vector.broadcast %while3A_76 : i32 to vector<1000x1xi32>
      %eq3A_79 = arith.cmpi eq, %get3A_34, %eq3A_78 : vector<1000x1xi32>
      %jit3A = arith.constant 0xFF800000 : f32
      %broadcast_in_dim3A_80 = vector.shape_cast %eq3A_79 : vector<1000x1xi1> to vector<1000x1xi1>
      %broadcast_in_dim3A_81 = vector.broadcast %broadcast_in_dim3A_80 : vector<1000x1xi1> to vector<1000x128xi1>
      %broadcast_in_dim3A_82 = vector.broadcast %jit3A : f32 to vector<1000x128xf32>
      %select_n3A = arith.select %broadcast_in_dim3A_81, %max3A_31, %broadcast_in_dim3A_82 : vector<1000x128xi1>, vector<1000x128xf32>
      %reduce_max3A = arith.constant dense<0xFF800000> : vector<128xf32>
      %reduce_max3A_83 = vector.multi_reduction <maximumf>, %select_n3A, %reduce_max3A [0] : vector<1000x128xf32> to vector<128xf32>
      %broadcast_in_dim3A_84 = vector.shape_cast %reduce_max3A_83 : vector<128xf32> to vector<1x128xf32>
      %get3A_85 = arith.index_cast %while3A_76 : i32 to index
      %get3A_86 = arith.constant 0 : index
      %get3A_87 = vector.load %arg13[%get3A_85, %get3A_86] : memref<64x128xf32, #tpu.memory_space<vmem>>, vector<1x128xf32>
      %max3A_88 = arith.maximumf %get3A_87, %broadcast_in_dim3A_84 : vector<1x128xf32>
      %swap3A_89 = arith.index_cast %while3A_76 : i32 to index
      %swap3A_90 = arith.constant 0 : index
      %swap3A_91 = vector.load %arg13[%swap3A_89, %swap3A_90] : memref<64x128xf32, #tpu.memory_space<vmem>>, vector<1x128xf32>
      tpu.vector_store %arg13[%swap3A_89, %swap3A_90], %max3A_88 {strides = array<i32>} : memref<64x128xf32, #tpu.memory_space<vmem>>, vector<1x128xf32>,
      %while3A_92 = arith.constant 0 : i32
      scf.yield %while3A_92 : i32
    }
    %while3A_69 = arith.constant 1 : i32
    %while3A_70 = scf.for %while3A_76 = %while3A_66 to %while3A_62 step %while3A_69 iter_args(%while3A_77 = %while3A_68) -> (i32)  : i32 {
      %eq3A_78 = vector.broadcast %while3A_76 : i32 to vector<1000x1xi32>
      %eq3A_79 = arith.cmpi eq, %get3A_34, %eq3A_78 : vector<1000x1xi32>
      %jit3A = arith.constant 0xFF800000 : f32
      %broadcast_in_dim3A_80 = vector.shape_cast %eq3A_79 : vector<1000x1xi1> to vector<1000x1xi1>
      %broadcast_in_dim3A_81 = vector.broadcast %broadcast_in_dim3A_80 : vector<1000x1xi1> to vector<1000x128xi1>
      %broadcast_in_dim3A_82 = vector.broadcast %jit3A : f32 to vector<1000x128xf32>
      %select_n3A = arith.select %broadcast_in_dim3A_81, %max3A_31, %broadcast_in_dim3A_82 : vector<1000x128xi1>, vector<1000x128xf32>
      %reduce_max3A = arith.constant dense<0xFF800000> : vector<128xf32>
      %reduce_max3A_83 = vector.multi_reduction <maximumf>, %select_n3A, %reduce_max3A [0] : vector<1000x128xf32> to vector<128xf32>
      %broadcast_in_dim3A_84 = vector.shape_cast %reduce_max3A_83 : vector<128xf32> to vector<1x128xf32>
      %get3A_85 = arith.index_cast %while3A_76 : i32 to index
      %get3A_86 = arith.constant 0 : index
      %get3A_87 = vector.load %arg13[%get3A_85, %get3A_86] : memref<64x128xf32, #tpu.memory_space<vmem>>, vector<1x128xf32>
      %max3A_88 = arith.maximumf %get3A_87, %broadcast_in_dim3A_84 : vector<1x128xf32>
      %swap3A_89 = arith.index_cast %while3A_76 : i32 to index
      %swap3A_90 = arith.constant 0 : index
      %swap3A_91 = vector.load %arg13[%swap3A_89, %swap3A_90] : memref<64x128xf32, #tpu.memory_space<vmem>>, vector<1x128xf32>
      tpu.vector_store %arg13[%swap3A_89, %swap3A_90], %max3A_88 {strides = array<i32>} : memref<64x128xf32, #tpu.memory_space<vmem>>, vector<1x128xf32>,
      %while3A_92 = arith.constant 0 : i32
      scf.yield %while3A_92 : i32
    }
    %eq3A_71 = arith.constant 9 : i32
    %eq3A_72 = arith.cmpi eq, %arg0, %eq3A_71 : i32
    %convert_element_type3A_73 = arith.extui %eq3A_72 : i1 to i32
    %cond3A_74 = arith.constant 0 : i32
    %cond3A_75 = arith.cmpi ne, %convert_element_type3A_73, %cond3A_74 : i32
    scf.if %cond3A_75 {
      %get3A_76 = arith.constant 0 : index
      %get3A_77 = arith.constant 0 : index
      %get3A_78 = vector.load %arg13[%get3A_76, %get3A_77] : memref<64x128xf32, #tpu.memory_space<vmem>>, vector<64x128xf32>
      %get3A_79 = arith.constant 0 : index
      %get3A_80 = arith.constant 0 : index
      %get3A_81 = vector.load %arg14[%get3A_79, %get3A_80] : memref<64x128xf32, #tpu.memory_space<vmem>>, vector<64x128xf32>
      %get3A_82 = arith.constant 0 : index
      %get3A_83 = arith.constant 0 : index
      %get3A_84 = vector.load %arg15[%get3A_82, %get3A_83] : memref<64x1xf32, #tpu.memory_space<vmem>>, vector<64x1xf32>
      %max3A_85 = arith.constant 1.000000e+00 : f32
      %max3A_86 = vector.broadcast %max3A_85 : f32 to vector<64x1xf32>
      %max3A_87 = arith.maximumf %get3A_84, %max3A_86 : vector<64x1xf32>
      %div3A = vector.broadcast %max3A_87 : vector<64x1xf32> to vector<64x128xf32>
      %div3A_88 = arith.divf %get3A_81, %div3A : vector<64x128xf32>
      %get3A_89 = arith.constant 0 : index
      %get3A_90 = arith.constant 0 : index
      %get3A_91 = vector.load %arg7[%get3A_89, %get3A_90] : memref<128x128xf32, #tpu.memory_space<vmem>>, vector<128x128xf32>
      %dot_general3A_92 = arith.constant dense<0.000000e+00> : vector<64x128xf32>
      %dot_general3A_93 = tpu.matmul %get3A_78, %get3A_91, %dot_general3A_92 {dimension_numbers = #tpu.dot_dimension_numbers<[1], [0], [0], [1], [0, 0, 1, 1], [], []>, transpose_lhs_hint = false} : vector<64x128xf32>, vector<128x128xf32>, vector<64x128xf32> -> vector<64x128xf32>
      %get3A_94 = arith.constant 0 : index
      %get3A_95 = arith.constant 0 : index
      %get3A_96 = vector.load %arg8[%get3A_94, %get3A_95] : memref<128x128xf32, #tpu.memory_space<vmem>>, vector<128x128xf32>
      %dot_general3A_97 = arith.constant dense<0.000000e+00> : vector<64x128xf32>
      %dot_general3A_98 = tpu.matmul %div3A_88, %get3A_96, %dot_general3A_97 {dimension_numbers = #tpu.dot_dimension_numbers<[1], [0], [0], [1], [0, 0, 1, 1], [], []>, transpose_lhs_hint = false} : vector<64x128xf32>, vector<128x128xf32>, vector<64x128xf32> -> vector<64x128xf32>
      %add3A_99 = arith.addf %dot_general3A_93, %dot_general3A_98 : vector<64x128xf32>
      %get3A_100 = arith.constant 0 : index
      %get3A_101 = arith.constant 0 : index
      %get3A_102 = vector.load %arg9[%get3A_100, %get3A_101] : memref<1x128xf32, #tpu.memory_space<vmem>>, vector<1x128xf32>
      %add3A_103 = vector.broadcast %get3A_102 : vector<1x128xf32> to vector<64x128xf32>
      %add3A_104 = arith.addf %add3A_99, %add3A_103 : vector<64x128xf32>
      %max3A_105 = arith.constant 0.000000e+00 : f32
      %max3A_106 = vector.broadcast %max3A_105 : f32 to vector<64x128xf32>
      %max3A_107 = arith.maximumf %add3A_104, %max3A_106 : vector<64x128xf32>
      %get3A_108 = arith.constant 0 : index
      %get3A_109 = arith.constant 0 : index
      %get3A_110 = vector.load %arg10[%get3A_108, %get3A_109] : memref<128x10xf32, #tpu.memory_space<vmem>>, vector<128x10xf32>
      %dot_general3A_111 = arith.constant dense<0.000000e+00> : vector<64x10xf32>
      %dot_general3A_112 = tpu.matmul %max3A_107, %get3A_110, %dot_general3A_111 {dimension_numbers = #tpu.dot_dimension_numbers<[1], [0], [0], [1], [0, 0, 1, 1], [], []>, transpose_lhs_hint = false} : vector<64x128xf32>, vector<128x10xf32>, vector<64x10xf32> -> vector<64x10xf32>
      %get3A_113 = arith.constant 0 : index
      %get3A_114 = arith.constant 0 : index
      %get3A_115 = vector.load %arg11[%get3A_113, %get3A_114] : memref<1x10xf32, #tpu.memory_space<vmem>>, vector<1x10xf32>
      %add3A_116 = vector.broadcast %get3A_115 : vector<1x10xf32> to vector<64x10xf32>
      %add3A_117 = arith.addf %dot_general3A_112, %add3A_116 : vector<64x10xf32>
      %swap3A_118 = arith.constant 0 : index
      %swap3A_119 = arith.constant 0 : index
      %swap3A_120 = vector.load %arg12[%swap3A_118, %swap3A_119] : memref<64x10xf32, #tpu.memory_space<vmem>>, vector<64x10xf32>
      tpu.vector_store %arg12[%swap3A_118, %swap3A_119], %add3A_117 {strides = array<i32>} : memref<64x10xf32, #tpu.memory_space<vmem>>, vector<64x10xf32>,
    } else {
    }
    return
  }
  func.func @transform_0(%arg0: i32) -> (i32, i32) {
    %c0_i32 = arith.constant 0 : i32
    %c0_i32_0 = arith.constant 0 : i32
    return %arg0, %c0_i32 : i32, i32
  }
  func.func @transform_1(%arg0: i32) -> (i32, i32) {
    %c0_i32 = arith.constant 0 : i32
    %c0_i32_0 = arith.constant 0 : i32
    return %arg0, %c0_i32 : i32, i32
  }
  func.func @transform_2(%arg0: i32) -> (i32, i32) {
    %c0_i32 = arith.constant 0 : i32
    %c0_i32_0 = arith.constant 0 : i32
    %c0_i32_1 = arith.constant 0 : i32
    return %c0_i32, %c0_i32_0 : i32, i32
  }
  func.func @transform_3(%arg0: i32) -> (i32, i32) {
    %c0_i32 = arith.constant 0 : i32
    %c0_i32_0 = arith.constant 0 : i32
    %c0_i32_1 = arith.constant 0 : i32
    return %c0_i32, %c0_i32_0 : i32, i32
  }
  func.func @transform_4(%arg0: i32) -> (i32, i32) {
    %c0_i32 = arith.constant 0 : i32
    %c0_i32_0 = arith.constant 0 : i32
    %c0_i32_1 = arith.constant 0 : i32
    return %c0_i32, %c0_i32_0 : i32, i32
  }
  func.func @transform_5(%arg0: i32) -> (i32, i32) {
    %c0_i32 = arith.constant 0 : i32
    %c0_i32_0 = arith.constant 0 : i32
    %c0_i32_1 = arith.constant 0 : i32
    return %c0_i32, %c0_i32_0 : i32, i32
  }
  func.func @transform_6(%arg0: i32) -> (i32, i32) {
    %c0_i32 = arith.constant 0 : i32
    %c0_i32_0 = arith.constant 0 : i32
    %c0_i32_1 = arith.constant 0 : i32
    return %c0_i32, %c0_i32_0 : i32, i32
  }
  func.func @transform_7(%arg0: i32) -> (i32, i32) {
    %c0_i32 = arith.constant 0 : i32
    %c0_i32_0 = arith.constant 0 : i32
    %c0_i32_1 = arith.constant 0 : i32
    return %c0_i32, %c0_i32_0 : i32, i32
  }
  func.func @transform_8(%arg0: i32) -> (i32, i32) {
    %c0_i32 = arith.constant 0 : i32
    %c0_i32_0 = arith.constant 0 : i32
    %c0_i32_1 = arith.constant 0 : i32
    return %c0_i32, %c0_i32_0 : i32, i32
  }
  func.func @transform_9(%arg0: i32) -> (i32, i32) {
    %c0_i32 = arith.constant 0 : i32
    %c0_i32_0 = arith.constant 0 : i32
    %c0_i32_1 = arith.constant 0 : i32
    return %c0_i32, %c0_i32_0 : i32, i32
  }
  func.func @transform_10(%arg0: i32) -> (i32, i32) {
    %c0_i32 = arith.constant 0 : i32
    %c0_i32_0 = arith.constant 0 : i32
    %c0_i32_1 = arith.constant 0 : i32
    return %c0_i32, %c0_i32_0 : i32, i32
  }
  func.func @transform_11(%arg0: i32) -> (i32, i32) {
    %c0_i32 = arith.constant 0 : i32
    %c0_i32_0 = arith.constant 0 : i32
    %c0_i32_1 = arith.constant 0 : i32
    return %c0_i32, %c0_i32_0 : i32, i32
  }
}

</mosaic_0001>

<sc_bundles>
// kernel: kernel.12.cloned.1.call-start
scs
__scs_entry_jumppad:
0x0: {  	(pc) =	sbr.rel $0x88, $3  }
0x1: {  	(tag) =	ssettag $0x0;
	lr =	simm.s32 $0x1  }
0x2: {  	[smem:$0x3F82] =	sst lr;
	_ =	strace $0xD0000000  }
0x3: {  	_ = 	snop  }
0x4: {  	_ = 	snop  }
0x5: {  	_ = 	snop  }
0x6: {  	_ = 	snop  }
0x7: {  	_ = 	snop  }
__scs_overlays_trampoline_lowered:
0x8: {  	[smem:$0x3F91] =	sst s0  }
0x9: {  	[smem:$0x3F92] =	sst s1  }
0xa: {  	[smem:$0x3F93] =	sst s2  }
0xb: {  	[smem:$0x3F94] =	sst s3  }
0xc: {  	[smem:$0x3F95] =	sst s4  }
0xd: {  	[smem:$0x3F96] =	sst s5  }
0xe: {  	[smem:$0x3F97] =	sst s6  }
0xf: {  	[smem:$0x3F98] =	sst s7  }
0x10: {  	[smem:$0x3F99] =	sst s8  }
0x11: {  	[smem:$0x3F9A] =	sst s9;
	s0 =	simm.s32 @!p0 $0x0  }
0x12: {  	s1 =	sld [smem:$0x3F80];
	s0 =	simm.s32 @p0 $0x1  }
0x13: {  	[smem:$0x3F9B] =	sst s0;
	s0 =	simm.s32 @!p1 $0x0  }
0x14: {  	s2 =	sld [smem:$0x3F7F];
	s0 =	simm.s32 @p1 $0x1  }
0x15: {  	[smem:$0x3F9C] =	sst s0;
	s0 =	simm.s32 @!p2 $0x0  }
0x16: {  	s3 =	sld [smem:$0x3FDB];
	s0 =	simm.s32 @p2 $0x1  }
0x17: {  	s4 =	simm.s32 $0x1BF5;
	[smem:$0x3F9E] =	sst s0  }
0x18: {  	s0 =	sld [smem:$0x3F81];
	_ =	swait.ge [sflag:s4], $0x0  }
0x19: {  	s7 =	sld [smem:$0x3F82]  }
0x1a: {  	s8 =	sadd.s32 $0xFFFFE003, lr  }
0x1b: {  	s9 =	sadd.s32 $0xFFFFFEF7, lr;
	s5 =	simm.s32 $0xFFFFFFFF;
	p2 =	slt.u32 s8, $0xFFFFF086  }
0x1c: {  	p1 =	slt.u32 s9, $0xF7A;
	s5 =	simm.s32 @!p2 $0x0  }
0x1d: {  	s5 =	simm.s32 @p1 $0x1;
	p0 =	seq.s32 s7, s2  }
0x1e: {  	s7 =	smul.u32 @!p0 $0xF7A, s2;
	p2 =	seq.s32 @!p0 s5, $0x0  }
0x1f: {  	s9 =	smul.u32 $0xF7A, s1;
	s8 =	simm.s32 @!p0 $0x1BF5;
	p2 =	por !p2, p0  }
0x20: {  	[sflag:s8] =	ssyncset.s32 @!p0 $0xFFFFF086;
	s6 =	sadd.s32 @!p0 s3, s7;
	s7 =	simm.s32 @!p0 $0x108  }
0x21: {  	s3 =	sadd.s32 s3, s9;
	s6 =	sadd.s32 @!p0 $0x88, s6;
	s7 =	simm.s32 @p2 $0x1082  }
0x22: {  	[simem:s7], [sflag:s8] =	dma.local @!p0 [hbm:s6], $0xF7A  }
0x23: {  	s9 =	sor.u32 $0xD0000000, s2;
	s6 =	simm.s32 $0x108;
	_ =	swait.ge @!p0 [sflag:s8], $0x0  }
0x24: {  	s3 =	sadd.s32 $0x88, s3;
	s6 =	simm.s32 @!p1 $0x1082;
	[sflag:s4] =	ssyncset.s32 $0xFFFFF086  }
0x25: {  	[simem:s6], [sflag:s4] =	dma.local [hbm:s3], $0xF7A  }
0x26: {  	[smem:$0x3F82] =	sst s1;
	(tag) =	ssettag s2;
	_ =	strace s9  }
0x27: {  	s1 =	sld [smem:$0x3F92]  }
0x28: {  	s2 =	sld [smem:$0x3F93]  }
0x29: {  	s4 =	sld [smem:$0x3F95]  }
0x2a: {  	p0 =	seq.s32 s5, $0x0;
	s5 =	sld [smem:$0x3F96]  }
0x2b: {  	s6 =	sld [smem:$0x3F97]  }
0x2c: {  	s7 =	sld [smem:$0x3F98]  }
0x2d: {  	s3 =	simm.s32 $0x108;
	s8 =	sld [smem:$0x3F99]  }
0x2e: {  	s3 =	simm.s32 @!p0 $0x1082;
	s9 =	sld [smem:$0x3F9A]  }
0x2f: {  	lr =	sadd.s32 s0, s3;
	s0 =	sld [smem:$0x3F91]  }
0x30: {  	s3 =	sld [smem:$0x3F94]  }
0x31: {  	[smem:$0x3F9D] =	sst s10  }
0x32: {  	s10 =	sld [smem:$0x3F9B];
	_ =	sdelay $0x3  }
0x33: {  	p0 =	seq.s32 s10, $0x1;
	s10 =	sld [smem:$0x3F9D];
	_ =	sdelay $0x3  }
0x34: {  	[smem:$0x3F9D] =	sst s10  }
0x35: {  	s10 =	sld [smem:$0x3F9C];
	_ =	sdelay $0x3  }
0x36: {  	p1 =	seq.s32 s10, $0x1;
	s10 =	sld [smem:$0x3F9D];
	_ =	sdelay $0x3  }
0x37: {  	[smem:$0x3F9D] =	sst s10  }
0x38: {  	s10 =	sld [smem:$0x3F9E]  }
0x39: {  	_ = 	snop;
	(pc) =	sbr.ind lr, $3  }
0x3a: {  	_ = 	snop  }
0x3b: {  	_ = 	snop  }
0x3c: {  	p2 =	seq.s32 s10, $0x1;
	s10 =	sld [smem:$0x3F9D]  }
0x3d: {  	_ =	shalt  }
0x3e: {  	_ =	shalt  }
0x3f: {  	_ =	shalt  }
0x40: {  	_ =	shalt  }
0x41: {  	_ =	shalt  }
0x42: {  	_ =	shalt  }
0x43: {  	_ =	shalt  }
0x44: {  	_ =	shalt  }
0x45: {  	_ =	shalt  }
0x46: {  	_ =	shalt  }
0x47: {  	_ =	shalt  }
0x48: {  	_ =	shalt  }
0x49: {  	_ =	shalt  }
0x4a: {  	_ =	shalt  }
0x4b: {  	_ =	shalt  }
0x4c: {  	_ =	shalt  }
0x4d: {  	_ =	shalt  }
0x4e: {  	_ =	shalt  }
0x4f: {  	_ =	shalt  }
0x50: {  	_ =	shalt  }
0x51: {  	_ =	shalt  }
0x52: {  	_ =	shalt  }
0x53: {  	_ =	shalt  }
0x54: {  	_ =	shalt  }
0x55: {  	_ =	shalt  }
0x56: {  	_ =	shalt  }
0x57: {  	_ =	shalt  }
0x58: {  	_ =	shalt  }
0x59: {  	_ =	shalt  }
0x5a: {  	_ =	shalt  }
0x5b: {  	_ =	shalt  }
0x5c: {  	_ =	shalt  }
0x5d: {  	_ =	shalt  }
0x5e: {  	_ =	shalt  }
0x5f: {  	_ =	shalt  }
0x60: {  	_ =	shalt  }
0x61: {  	_ =	shalt  }
0x62: {  	_ =	shalt  }
0x63: {  	_ =	shalt  }
0x64: {  	_ =	shalt  }
0x65: {  	_ =	shalt  }
0x66: {  	_ =	shalt  }
0x67: {  	_ =	shalt  }
0x68: {  	_ =	shalt  }
0x69: {  	_ =	shalt  }
0x6a: {  	_ =	shalt  }
0x6b: {  	_ =	shalt  }
0x6c: {  	_ =	shalt  }
0x6d: {  	_ =	shalt  }
0x6e: {  	_ =	shalt  }
0x6f: {  	_ =	shalt  }
0x70: {  	_ =	shalt  }
0x71: {  	_ =	shalt  }
0x72: {  	_ =	shalt  }
0x73: {  	_ =	shalt  }
0x74: {  	_ =	shalt  }
0x75: {  	_ =	shalt  }
0x76: {  	_ =	shalt  }
0x77: {  	_ =	shalt  }
0x78: {  	_ =	shalt  }
0x79: {  	_ =	shalt  }
0x7a: {  	_ =	shalt  }
0x7b: {  	_ =	shalt  }
0x7c: {  	_ =	shalt  }
0x7d: {  	_ =	shalt  }
0x7e: {  	_ =	shalt  }
0x7f: {  	_ =	shalt  }
0x80: {  	_ =	shalt  }
0x81: {  	_ =	shalt  }
0x82: {  	_ =	shalt  }
0x83: {  	_ =	shalt  }
0x84: {  	_ =	shalt  }
0x85: {  	_ =	shalt  }
0x86: {  	_ =	shalt  }
0x87: {  	_ =	shalt  }
.Lfunc_end0:
.L_simem_size_0:
called_computation.1_lowered:
.L_overlay_start_0:
0x88: {  	s2 =	sld [smem:$0x3FD9]  }
0x89: {  	s3 =	sld [smem:$0x3FFE];
	_ =	sdelay $0x1  }
0x8a: {  	s1 =	srdreg.scid  }
0x8b: {  	s0 =	sand.u32 $0x1, s1  }
0x8c: {  	s16 =	sshll.u32 s0, $0xA;
	s2 =	sadd.s32 s3, s2  }
0x8d: {  	s2 =	sadd.s32 s2, s16  }
0x8e: {  	[smem:$0x3FA9] =	sst s2  }
0x8f: {  	_ = 	snop  }
0x90: {  	(tm) =	ssettm $0x1  }
0x91: {  	s17 =	sld [smem:$0x3FFB];
	_ =	sdelay $0x3  }
0x92: {  	_ =	strace s17  }
0x93: {  	s2 =	sld [smem:$0x3FFC];
	_ =	sdelay $0x3  }
0x94: {  	_ =	strace s2  }
0x95: {  	s2 =	sld [smem:$0x3FFD];
	_ =	sdelay $0x3  }
0x96: {  	_ =	strace s2  }
0x97: {  	_ =	strace $0x8FFFFFFF  }
0x98: {  	s18 =	sld [smem:$0x3FDB];
	_ =	sdelay $0x1  }
0x99: {  	s19 =	simm.s32 $_scs_section_size  }
0x9a: {  	s4 =	simm.s32 $_size__tile_overlayer_lowered;
	s5 =	simm.s32 $_tile_overlayer_lowered  }
0x9b: {  	s22 =	simm.s32 $0x1BFF;
	s21 =	sshll.u32 s5, $0x1;
	s2 =	sadd.s32 s19, s18  }
0x9c: {  	s6 =	simm.s32 $0x0;
	s20 =	sshll.u32 s4, $0x1;
	s4 =	sadd.s32 s21, s2  }
0x9d: {  	[timem:s6], [sflag:s22] =	dma.local [hbm:s4], s20  }
0x9e: {  	_ =	swait.ge [sflag:s22], s20  }
0x9f: {  	s3 =	ssub.s32 $0x0, s20;
	[sflag:s22] =	ssyncset.done $0x0  }
0xa0: {  	[sflag:s22] =	ssyncadd.s32 s3;
	_ =	sdelay $0x1  }
0xa1: {  	s23 =	simm.s32 $0x1B8B  }
0xa2: {  	_ =	swait.ge [sflag:s23], $0x1  }
0xa3: {  	[sflag:s23] =	ssyncset.done $0x0  }
0xa4: {  	s25 =	simm.s32 $0x1B8E;
	s24 =	sld [smem:$0x3FFE];
	[sflag:s23] =	ssyncadd.s32 $0xFFFFFFFF  }
0xa5: {  	s26 =	simm.s32 $execute0_lowered;
	[smem:$0x3FD2] =	sst s25  }
0xa6: {  	s4 =	sshll.u32 s26, $0x1;
	_ =	strace $0x80000049;
	[dreg:$0x1] =	wrdreg $0xFFFFFFFF  }
0xa7: {  	s28 =	simm.s32 $_size_execute0_lowered;
	s2 =	sadd.s32 s2, s4;
	[dreg:$0x0] =	wrdreg $0x0  }
0xa8: {  	s4 =	sshll.u32 s28, $0x1;
	[dreg:$0x2] =	wrdreg s2  }
0xa9: {  	[dreg:$0x3] =	wrdreg s4  }
0xaa: {  	[dreg:$0x4] =	wrdreg $0xC0  }
0xab: {  	_ =	task [dreg:s6], $0x5FFFF  }
0xac: {  	[dreg:$0x1] =	wrdreg $0xFFFFFFFF  }
0xad: {  	[dreg:$0x0] =	wrdreg $0x60  }
0xae: {  	[dreg:$0x2] =	wrdreg s24  }
0xaf: {  	[dreg:$0x3] =	wrdreg $0x0  }
0xb0: {  	[dreg:$0x4] =	wrdreg $0x9  }
0xb1: {  	_ =	task.clear_ibuf [dreg:s6], $0x5FFFF;
	_ =	strace $0x90000049  }
0xb2: {  	s29 =	simm.s32 $0x9;
	_ =	strace $0x8000004B  }
0xb3: {  	_ =	swait.ge [sflag:s29], $0x1  }
0xb4: {  	[sflag:s29] =	ssyncadd.s32 $0xFFFFFFFF  }
0xb5: {  	_ =	strace $0x9000004B  }
0xb6: {  	_ =	sfence  }
0xb7: {  	s30 =	sld [smem:$0x0];
	_ =	sdelay $0x2  }
0xb8: {  	s31 =	sshll.u32 s1, $0xD;
	s1 =	sshrl.u32 s1, $0x2  }
0xb9: {  	s3 =	sand.u32 $0x4000, s31;
	s1 =	sadd.s32 s1, s30  }
0xba: {  	s0 =	sor.u32 s3, s0;
	s1 =	sshll.u32 s1, $0x11  }
0xbb: {  	s0 =	sor.u32 s1, s0  }
0xbc: {  	s0 =	sadd.s32 $0x8F2B, s0  }
0xbd: {  	[sflag:s0] =	ssyncadd.remote.s32 $0x1  }
0xbe: {  	_ =	sfence.sel $0xFFFF  }
0xbf: {  	[dreg:$0x0] =	wrdreg $0xFFFFFFFF;
	(pc) =	sbr.abs _section_cstart, $3  }
0xc0: {  	[dreg:$0x1] =	wrdreg $0xFFFFFFFF  }
0xc1: {  	_ =	task.clear_ibuf [dreg:s6], $0x2FFFF;
	_ =	strace $0x9FFFFFFF  }
0xc2: {  	(tm) =	ssettm $0x7FFFFFFF  }
0xc3: {  	_ =	shalt  }
tec
execute0_lowered:
.L_overlay_start_1:
0x0: {  	(tag) =	ssettag $0x1  }
0x1: {  	s6 =	rddreg [dreg:$0x0]  }
0x2: {  	s2 =	rddreg [dreg:$0x1];
	s0 =	stileid.u32  }
0x3: {  	s4 =	srdreg.scid;
	s1 =	rddreg [dreg:$0x2];
	s3 =	simm.s32 $0x0  }
0x4: {  	s17 =	simm.s32 $0x8;
	s18 =	simm.s32 $0x9;
	s5 =	smul.u32 $0x7D, s0  }
0x5: {  	s7 =	sand.u32 $0x1, s4;
	s4 =	sshll.u32 s0, $0x5;
	s10 =	smul.u32 $0x2700, s0  }
0x6: {  	[smem:$0x7FF] =	sst s3;
	s8 =	sadd.s32 $0x42C00, s6;
	s13 =	smul.u32 $0x4E000, s0  }
0x7: {  	s14 =	sshll.u32 s0, $0x6;
	s16 =	sadd.s32 $0x138000, s2;
	p2 =	sne.s32 s0, $0xF  }
0x8: {  	p0 =	seq.s32 s7, $0x0;
	_ =	strace $0x8000004A;
	s31 =	smul.u32 $0x138800, s7  }
0x9: {  	s9 =	ssub.s32 $0x2, s7;
	s15 =	smul.u32 $0x27100, s7;
	s7 =	sor.u32 $0x1C0A, s14  }
0xa: {  	s14 =	simm.s32 $0xA;
	s19 =	simm.s32 @!p2 $0x0;
	s5 =	sadd.s32 $0x200, s5  }
0xb: {  	s11 =	sshrl.u32 s9, $0x1;
	s13 =	sshrl.u32 s13, $0x2;
	s19 =	simm.s32 @p2 $0x1  }
0xc: {  	s5 =	smov.u32 @p0 s4;
	s4 =	sadd.s32 $0x1BA00, s6;
	s11 =	ssub.s32 s9, s11  }
0xd: {  	s13 =	sadd.s32 s13, s2;
	s9 =	sshrl.u32 s31, $0x3;
	s10 =	sadd.s32 s10, s15  }
0xe: {  	s15 =	sshrl.u32 @!p2 s16, $0x3;
	s16 =	simm.s32 $0x7;
	[smem:$0x7FD] =	sst s19  }
0xf: {  	s5 =	sshll.u32 s5, $0x4;
	s9 =	sadd.s32 s8, s9;
	s8 =	sadd.s32 s8, s10  }
0x10: {  	s10 =	smax.u32 s11, $0x1;
	s13 =	sshrl.u32 s13, $0x3;
	s12 =	sadd.s32 s5, s6  }
0x11: {  	s5 =	sadd.s32 $0x19200, s6;
	s6 =	simm.s32 $0x20;
	s9 =	sadd.s32 $0x27000, s9  }
0x12: {  	s6 =	simm.s32 @!p0 $0x7D;
	s11 =	sadd.s32 $0xF400, s12;
	s12 =	sadd.s32 $0x5600, s12  }
.LBB2_1:
0x13: {  	[spmem:s13], [sflag:s7] =	dma.local [hbm:s5], $0x2700  }
0x14: {  	_ =	swait.ge [sflag:s14], $0x2700  }
0x15: {  	[sflag:s14] =	ssyncset.done $0x0  }
0x16: {  	s19 =	simm.s32 @!p2 $0xA;
	[sflag:s14] =	ssyncadd.s32 $0xFFFFD900  }
0x17: {  	[spmem:s15], [sflag:s7] =	dma.local @!p2 [hbm:s5], $0x100  }
0x18: {  	p1 =	por $0x1, $0x1;
	_ =	swait.ge @!p2 [sflag:s19], $0x100  }
0x19: {  	p0 =	sle.u32 @!p1 s6, $0x0;
	[sflag:s19] =	ssyncset.done @!p2 $0x0  }
0x1a: {  	p3 =	por p0, p1;
	[sflag:s19] =	ssyncadd.s32 @!p2 $0xFFFFFF00  }
0x1b: {  	s19 =	simm.s32 @!p3 $0x7;
	[bflag:$0x0] =	sbarrier.arrive $0xFFFF  }
0x1c: {  	p0 =	slt.u32 @!p1 s6, $0x0;
	p2 =	sle.u32 s6, $0x0;
	_ =	swait.ge @!p3 [sflag:s19], $0x4000  }
0x1d: {  	p0 =	por p0, p1;
	s20 =	sadd.s32 @!p2 $0x0, s12;
	[sflag:s19] =	ssyncset.done @!p3 $0x0  }
0x1e: {  	s21 =	simm.s32 @!p2 $0x1F8C0;
	[sflag:s19] =	ssyncadd.s32 @!p3 $0xFFFFC000;
	s19 =	simm.s32 @!p2 $0x0  }
0x1f: {  	[tilespmem:s21], [sflag:$0x1] =	stream.linear.gather @!p2 [hbm4b:s20+s19], $0x80, $0x38;
	[tilespmem:$0x1FBC0] =	vst v63  }
0x20: {  	s23 =	simm.s32 @!p0 $0x6;
	s22 =	sadd.s32 @!p2 $0x0, s11;
	s20 =	simm.s32 @!p2 $0x1FA40  }
0x21: {  	[tilespmem:s20], [sflag:$0x1] =	stream.linear.gather @!p2 [hbm4b:s22+s19], $0x80, $0x38;
	[tilespmem:$0x1FBC0] =	vst v63  }
0x22: {  	_ =	swait.ge @!p0 [sflag:s23], $0x4000  }
0x23: {  	s24 =	simm.s32 @!p0 $0x1B8C0;
	s19 =	simm.s32 @!p0 $0x80;
	[sflag:s23] =	ssyncset.done @!p0 $0x0  }
0x24: {  	s22 =	simm.s32 @!p0 $0x1FB40;
	[sflag:s23] =	ssyncadd.s32 @!p0 $0xFFFFC000;
	s23 =	simm.s32 @!p2 $0x1  }
0x25: {  	[spmem:s2] =	stream.indirect.scatter.add.f32 @!p0 [tilespmem:s24], [sflag:$0x9], $0x80, s22, s19, $0xb8;
	[tilespmem:$0x1FBC0] =	vst v63  }
0x26: {  	_ =	swait.ge @!p2 [sflag:s23], $0x80  }
0x27: {  	[sflag:s23] =	ssyncset.done @!p2 $0x0  }
0x28: {  	[sflag:s23] =	ssyncadd.s32 @!p2 $0xFFFFFF80  }
0x29: {  	p4 =	sle.u32 s6, $0x1;
	p0 =	sle.u32 @!p1 s6, $0x1;
	_ =	swait.ge @!p2 [sflag:s23], $0x80  }
0x2a: {  	s19 =	simm.s32 @!p2 $0x80;
	p0 =	por p0, p1;
	[sflag:s23] =	ssyncset.done @!p2 $0x0  }
0x2b: {  	s22 =	simm.s32 @!p2 $0x138C0;
	[sflag:s23] =	ssyncadd.s32 @!p2 $0xFFFFFF80;
	s23 =	simm.s32 @!p0 $0x8  }
0x2c: {  	[tilespmem:s22], [sflag:$0x4] =	stream.indirect.gather @!p2 [hbm4b:s4+s19], $0x80, s21, s19, $0xb8;
	[tilespmem:$0x1FBC0] =	vst v63  }
0x2d: {  	s25 =	simm.s32 @!p4 $0x0;
	_ =	swait.ge @!p0 [sflag:s23], $0x4000  }
0x2e: {  	s24 =	simm.s32 @!p4 $0x1F940;
	s21 =	sadd.s32 @!p4 $0x0, s12;
	[sflag:s23] =	ssyncset.done @!p0 $0x0  }
0x2f: {  	s21 =	sadd.s32 @!p4 $0x10, s21;
	[sflag:s23] =	ssyncadd.s32 @!p0 $0xFFFFC000;
	s23 =	sadd.s32 @!p4 $0x0, s11  }
0x30: {  	[tilespmem:s24], [sflag:$0x2] =	stream.linear.gather @!p4 [hbm4b:s21+s25], $0x80, $0x38;
	[tilespmem:$0x1FBC0] =	vst v63  }
0x31: {  	s26 =	simm.s32 @!p2 $0x4;
	s21 =	simm.s32 @!p4 $0x1FAC0;
	s23 =	sadd.s32 @!p4 $0x10, s23  }
0x32: {  	[tilespmem:s21], [sflag:$0x2] =	stream.linear.gather @!p4 [hbm4b:s23+s25], $0x80, $0x38;
	[tilespmem:$0x1FBC0] =	vst v63  }
0x33: {  	_ =	swait.ge @!p2 [sflag:s26], $0x4000  }
0x34: {  	[sflag:s26] =	ssyncset.done @!p2 $0x0  }
0x35: {  	s21 =	simm.s32 @!p4 $0x2;
	[sflag:s26] =	ssyncadd.s32 @!p2 $0xFFFFC000  }
0x36: {  	[spmem:s2] =	stream.indirect.scatter.add.f32 @!p2 [tilespmem:s22], [sflag:$0x7], $0x80, s20, s19, $0xb8;
	[tilespmem:$0x1FBC0] =	vst v63  }
0x37: {  	_ =	swait.ge @!p4 [sflag:s21], $0x80  }
0x38: {  	[sflag:s21] =	ssyncset.done @!p4 $0x0  }
0x39: {  	[sflag:s21] =	ssyncadd.s32 @!p4 $0xFFFFFF80  }
0x3a: {  	p3 =	sle.u32 s6, $0x2;
	p0 =	sle.u32 @!p1 s6, $0x2;
	_ =	swait.ge @!p4 [sflag:s21], $0x80  }
0x3b: {  	p1 =	por p0, p1;
	s19 =	simm.s32 @!p4 $0x178C0;
	[sflag:s21] =	ssyncset.done @!p4 $0x0  }
0x3c: {  	s20 =	simm.s32 @!p4 $0x80;
	[sflag:s21] =	ssyncadd.s32 @!p4 $0xFFFFFF80;
	s21 =	simm.s32 @!p1 $0x9  }
0x3d: {  	[tilespmem:s19], [sflag:$0x5] =	stream.indirect.gather @!p4 [hbm4b:s4+s20], $0x80, s24, s20, $0xb8;
	[tilespmem:$0x1FBC0] =	vst v63  }
0x3e: {  	p0 =	slt.u32 s6, $0x2;
	s19 =	sadd.s32 @!p3 $0x0, s12;
	_ =	swait.ge @!p1 [sflag:s21], $0x4000  }
0x3f: {  	s24 =	simm.s32 @!p3 $0x1F9C0;
	s20 =	simm.s32 @!p3 $0x0;
	[sflag:s21] =	ssyncset.done @!p1 $0x0  }
0x40: {  	s19 =	sadd.s32 @!p3 $0x20, s19;
	[sflag:s21] =	ssyncadd.s32 @!p1 $0xFFFFC000;
	s21 =	sadd.s32 @!p3 $0x0, s11  }
0x41: {  	[tilespmem:s24], [sflag:$0x3] =	stream.linear.gather @!p3 [hbm4b:s19+s20], $0x80, $0x38;
	[tilespmem:$0x1FBC0] =	vst v63  }
0x42: {  	s22 =	simm.s32 @!p0 $0x5;
	s19 =	simm.s32 @!p3 $0x1FB40;
	s21 =	sadd.s32 @!p3 $0x20, s21  }
0x43: {  	[tilespmem:s19], [sflag:$0x3] =	stream.linear.gather @!p3 [hbm4b:s21+s20], $0x80, $0x38;
	[tilespmem:$0x1FBC0] =	vst v63  }
0x44: {  	s28 =	simm.s32 @!p3 $0x80;
	s25 =	simm.s32 @!p0 $0x80;
	_ =	swait.ge @!p0 [sflag:s22], $0x4000  }
0x45: {  	s23 =	simm.s32 @!p3 $0x3;
	s26 =	simm.s32 @!p0 $0x1FAC0;
	[sflag:s22] =	ssyncset.done @!p0 $0x0  }
0x46: {  	p1 =	por $0x0, $0x0;
	s20 =	simm.s32 @!p0 $0x178C0;
	[sflag:s22] =	ssyncadd.s32 @!p0 $0xFFFFC000  }
0x47: {  	[spmem:s2] =	stream.indirect.scatter.add.f32 @!p0 [tilespmem:s20], [sflag:$0x8], $0x80, s26, s25, $0xb8;
	[tilespmem:$0x1FBC0] =	vst v63  }
0x48: {  	p2 =	sle.u32 @!p1 s6, $0x3;
	p5 =	sle.u32 @!p1 s6, $0x4;
	_ =	swait.ge @!p3 [sflag:s23], $0x80  }
0x49: {  	p6 =	por p2, p1;
	s19 =	simm.s32 $0x30;
	[sflag:s23] =	ssyncset.done @!p3 $0x0  }
0x4a: {  	s21 =	simm.s32 $0x60;
	s22 =	simm.s32 $0x4;
	[sflag:s23] =	ssyncadd.s32 @!p3 $0xFFFFFF80  }
0x4b: {  	s20 =	simm.s32 $0x5;
	s25 =	simm.s32 @!p3 $0x1B8C0;
	_ =	swait.ge @!p3 [sflag:s23], $0x80  }
0x4c: {  	s26 =	simm.s32 $0x3;
	p0 =	slt.u32 @!p1 s6, $0x3;
	[sflag:s23] =	ssyncset.done @!p3 $0x0  }
.LBB2_2:
0x4d: {  	s29 =	simm.s32 @!p6 $0x7  }
0x4e: {  	p4 =	sge.u32 @!p1 s20, s6;
	[sflag:s23] =	ssyncadd.s32 @!p3 $0xFFFFFF80;
	s23 =	smov.u32 s21  }
0x4f: {  	[tilespmem:s25], [sflag:$0x6] =	stream.indirect.gather @!p3 [hbm4b:s4+s28], $0x80, s24, s28, $0xb8;
	[tilespmem:$0x1FBC0] =	vst v63  }
0x50: {  	p0 =	por p0, p1;
	p3 =	sge.u32 s26, s6;
	_ =	swait.ge @!p6 [sflag:s29], $0x4000  }
0x51: {  	s25 =	sadd.s32 @!p3 s19, s12;
	s24 =	simm.s32 @!p3 $0x1FA40;
	[sflag:s29] =	ssyncset.done @!p6 $0x0  }
0x52: {  	s26 =	simm.s32 @!p3 $0x0;
	s28 =	simm.s32 @!p3 $0x1F8C0;
	[sflag:s29] =	ssyncadd.s32 @!p6 $0xFFFFC000  }
0x53: {  	[tilespmem:s28], [sflag:$0x1] =	stream.linear.gather @!p3 [hbm4b:s25+s26], $0x80, $0x38;
	[tilespmem:$0x1FBC0] =	vst v63  }
0x54: {  	s21 =	sadd.s32 $0x30, s21;
	s29 =	simm.s32 @!p0 $0x6;
	s25 =	sadd.s32 @!p3 s19, s11  }
0x55: {  	[tilespmem:s24], [sflag:$0x1] =	stream.linear.gather @!p3 [hbm4b:s25+s26], $0x80, $0x38;
	[tilespmem:$0x1FBC0] =	vst v63  }
0x56: {  	p2 =	sne.s32 s21, $0x7E0;
	s25 =	simm.s32 @!p0 $0x80;
	_ =	swait.ge @!p0 [sflag:s29], $0x4000  }
0x57: {  	s30 =	simm.s32 @!p0 $0x1B8C0;
	s26 =	simm.s32 @!p0 $0x1FB40;
	[sflag:s29] =	ssyncset.done @!p0 $0x0  }
0x58: {  	[sflag:s29] =	ssyncadd.s32 @!p0 $0xFFFFC000;
	s29 =	simm.s32 @!p3 $0x1  }
0x59: {  	[spmem:s2] =	stream.indirect.scatter.add.f32 @!p0 [tilespmem:s30], [sflag:$0x9], $0x80, s26, s25, $0xb8;
	[tilespmem:$0x1FBC0] =	vst v63  }
0x5a: {  	_ =	swait.ge @!p3 [sflag:s29], $0x80  }
0x5b: {  	[sflag:s29] =	ssyncset.done @!p3 $0x0  }
0x5c: {  	[sflag:s29] =	ssyncadd.s32 @!p3 $0xFFFFFF80  }
0x5d: {  	p0 =	por p5, p1;
	_ =	swait.ge @!p3 [sflag:s29], $0x80  }
0x5e: {  	s25 =	simm.s32 @!p3 $0x80;
	s26 =	simm.s32 @!p3 $0x138C0;
	[sflag:s29] =	ssyncset.done @!p3 $0x0  }
0x5f: {  	p5 =	sge.u32 s22, s6;
	[sflag:s29] =	ssyncadd.s32 @!p3 $0xFFFFFF80;
	s29 =	simm.s32 @!p0 $0x8  }
0x60: {  	[tilespmem:s26], [sflag:$0x4] =	stream.indirect.gather @!p3 [hbm4b:s4+s25], $0x80, s28, s25, $0xb8;
	[tilespmem:$0x1FBC0] =	vst v63  }
0x61: {  	s22 =	sadd.s32 @!p5 s19, s12;
	s28 =	simm.s32 @!p5 $0x1F940;
	_ =	swait.ge @!p0 [sflag:s29], $0x4000  }
0x62: {  	s30 =	simm.s32 @!p5 $0x0;
	s22 =	sadd.s32 @!p5 $0x10, s22;
	[sflag:s29] =	ssyncset.done @!p0 $0x0  }
0x63: {  	s31 =	simm.s32 @!p5 $0x1FAC0;
	[sflag:s29] =	ssyncadd.s32 @!p0 $0xFFFFC000;
	s29 =	sadd.s32 @!p5 s19, s11  }
0x64: {  	[tilespmem:s28], [sflag:$0x2] =	stream.linear.gather @!p5 [hbm4b:s22+s30], $0x80, $0x38;
	[tilespmem:$0x1FBC0] =	vst v63  }
0x65: {  	s22 =	sadd.s32 @!p5 $0x10, s29;
	s29 =	simm.s32 @!p3 $0x4  }
0x66: {  	[tilespmem:s31], [sflag:$0x2] =	stream.linear.gather @!p5 [hbm4b:s22+s30], $0x80, $0x38;
	[tilespmem:$0x1FBC0] =	vst v63  }
0x67: {  	_ =	swait.ge @!p3 [sflag:s29], $0x4000  }
0x68: {  	[sflag:s29] =	ssyncset.done @!p3 $0x0  }
0x69: {  	s22 =	simm.s32 @!p5 $0x2;
	[sflag:s29] =	ssyncadd.s32 @!p3 $0xFFFFC000  }
0x6a: {  	[spmem:s2] =	stream.indirect.scatter.add.f32 @!p3 [tilespmem:s26], [sflag:$0x7], $0x80, s24, s25, $0xb8;
	[tilespmem:$0x1FBC0] =	vst v63  }
0x6b: {  	_ =	swait.ge @!p5 [sflag:s22], $0x80  }
0x6c: {  	[sflag:s22] =	ssyncset.done @!p5 $0x0  }
0x6d: {  	[sflag:s22] =	ssyncadd.s32 @!p5 $0xFFFFFF80  }
0x6e: {  	p6 =	sgt.u32 s20, s6;
	s24 =	simm.s32 @!p5 $0x178C0;
	_ =	swait.ge @!p5 [sflag:s22], $0x80  }
0x6f: {  	p0 =	por p4, p1;
	s25 =	simm.s32 @!p5 $0x80;
	[sflag:s22] =	ssyncset.done @!p5 $0x0  }
0x70: {  	p3 =	sge.u32 s20, s6;
	[sflag:s22] =	ssyncadd.s32 @!p5 $0xFFFFFF80;
	s22 =	simm.s32 @!p0 $0x9  }
0x71: {  	[tilespmem:s24], [sflag:$0x5] =	stream.indirect.gather @!p5 [hbm4b:s4+s25], $0x80, s28, s25, $0xb8;
	[tilespmem:$0x1FBC0] =	vst v63  }
0x72: {  	s25 =	sadd.s32 @!p3 s19, s12;
	s24 =	simm.s32 @!p3 $0x1F9C0;
	_ =	swait.ge @!p0 [sflag:s22], $0x4000  }
0x73: {  	s26 =	simm.s32 @!p3 $0x0;
	s25 =	sadd.s32 @!p3 $0x20, s25;
	[sflag:s22] =	ssyncset.done @!p0 $0x0  }
0x74: {  	s19 =	sadd.s32 @!p3 s19, s11;
	[sflag:s22] =	ssyncadd.s32 @!p0 $0xFFFFC000;
	s22 =	simm.s32 @!p3 $0x1FB40  }
0x75: {  	[tilespmem:s24], [sflag:$0x3] =	stream.linear.gather @!p3 [hbm4b:s25+s26], $0x80, $0x38;
	[tilespmem:$0x1FBC0] =	vst v63  }
0x76: {  	s28 =	simm.s32 @!p6 $0x5;
	s25 =	sadd.s32 @!p3 $0x20, s19;
	s19 =	smov.u32 s23  }
0x77: {  	[tilespmem:s22], [sflag:$0x3] =	stream.linear.gather @!p3 [hbm4b:s25+s26], $0x80, $0x38;
	[tilespmem:$0x1FBC0] =	vst v63  }
0x78: {  	s22 =	simm.s32 @!p6 $0x178C0;
	_ =	swait.ge @!p6 [sflag:s28], $0x4000  }
0x79: {  	s25 =	simm.s32 @!p6 $0x80;
	s26 =	simm.s32 @!p6 $0x1FAC0;
	[sflag:s28] =	ssyncset.done @!p6 $0x0  }
0x7a: {  	s20 =	sadd.s32 $0x3, s20;
	s23 =	simm.s32 @!p3 $0x3;
	[sflag:s28] =	ssyncadd.s32 @!p6 $0xFFFFC000  }
0x7b: {  	[spmem:s2] =	stream.indirect.scatter.add.f32 @!p6 [tilespmem:s22], [sflag:$0x8], $0x80, s26, s25, $0xb8;
	[tilespmem:$0x1FBC0] =	vst v63  }
.Ltmp0:
0x7c: {  	s25 =	simm.s32 @!p3 $0x1B8C0;
	_ =	swait.ge @!p3 [sflag:s23], $0x80;
	(pc) =	sbr.rel @p2 .LBB2_2-.Ltmp0, $4  }
0x7d: {  	s28 =	simm.s32 @!p3 $0x80;
	s22 =	sadd.s32 $0xFFFFFFFF, s20;
	[sflag:s23] =	ssyncset.done @!p3 $0x0  }
0x7e: {  	p1 =	seq.s32 s19, $0x0;
	s26 =	sadd.s32 $0xFFFFFFFE, s20;
	[sflag:s23] =	ssyncadd.s32 @!p3 $0xFFFFFF80  }
0x7f: {  	p4 =	sge.u32 @!p1 s26, s6;
	p0 =	sgt.u32 @!p1 s26, s6;
	_ =	swait.ge @!p3 [sflag:s23], $0x80  }
0x80: {  	p5 =	sge.u32 @!p1 s22, s6;
	p6 =	por p4, p1;
	[sflag:s23] =	ssyncset.done @!p3 $0x0  }
0x81: {  	s21 =	simm.s32 @!p6 $0x7;
	[sflag:s23] =	ssyncadd.s32 @!p3 $0xFFFFFF80  }
0x82: {  	[tilespmem:s25], [sflag:$0x6] =	stream.indirect.gather @!p3 [hbm4b:s4+s28], $0x80, s24, s28, $0xb8;
	[tilespmem:$0x1FBC0] =	vst v63  }
0x83: {  	p2 =	sge.u32 s26, s6;
	_ =	swait.ge @!p6 [sflag:s21], $0x4000  }
0x84: {  	p0 =	por p0, p1;
	s23 =	sadd.s32 @!p2 s19, s12;
	[sflag:s21] =	ssyncset.done @!p6 $0x0  }
0x85: {  	s24 =	simm.s32 @!p2 $0x1F8C0;
	[sflag:s21] =	ssyncadd.s32 @!p6 $0xFFFFC000;
	s21 =	simm.s32 @!p2 $0x0  }
0x86: {  	[tilespmem:s24], [sflag:$0x1] =	stream.linear.gather @!p2 [hbm4b:s23+s21], $0x80, $0x38;
	[tilespmem:$0x1FBC0] =	vst v63  }
0x87: {  	s25 =	sadd.s32 @!p2 s19, s11;
	s26 =	simm.s32 @!p0 $0x6;
	s23 =	simm.s32 @!p2 $0x1FA40  }
0x88: {  	[tilespmem:s23], [sflag:$0x1] =	stream.linear.gather @!p2 [hbm4b:s25+s21], $0x80, $0x38;
	[tilespmem:$0x1FBC0] =	vst v63  }
0x89: {  	_ =	swait.ge @!p0 [sflag:s26], $0x4000  }
0x8a: {  	s28 =	simm.s32 @!p0 $0x1B8C0;
	s21 =	simm.s32 @!p0 $0x80;
	[sflag:s26] =	ssyncset.done @!p0 $0x0  }
0x8b: {  	s25 =	simm.s32 @!p0 $0x1FB40;
	[sflag:s26] =	ssyncadd.s32 @!p0 $0xFFFFC000;
	s26 =	simm.s32 @!p2 $0x1  }
0x8c: {  	[spmem:s2] =	stream.indirect.scatter.add.f32 @!p0 [tilespmem:s28], [sflag:$0x9], $0x80, s25, s21, $0xb8;
	[tilespmem:$0x1FBC0] =	vst v63  }
0x8d: {  	_ =	swait.ge @!p2 [sflag:s26], $0x80  }
0x8e: {  	[sflag:s26] =	ssyncset.done @!p2 $0x0  }
0x8f: {  	[sflag:s26] =	ssyncadd.s32 @!p2 $0xFFFFFF80  }
0x90: {  	p3 =	sge.u32 s22, s6;
	_ =	swait.ge @!p2 [sflag:s26], $0x80  }
0x91: {  	p0 =	por p5, p1;
	s21 =	simm.s32 @!p2 $0x80;
	[sflag:s26] =	ssyncset.done @!p2 $0x0  }
0x92: {  	s25 =	simm.s32 @!p2 $0x138C0;
	[sflag:s26] =	ssyncadd.s32 @!p2 $0xFFFFFF80;
	s26 =	simm.s32 @!p0 $0x8  }
0x93: {  	[tilespmem:s25], [sflag:$0x4] =	stream.indirect.gather @!p2 [hbm4b:s4+s21], $0x80, s24, s21, $0xb8;
	[tilespmem:$0x1FBC0] =	vst v63  }
0x94: {  	s22 =	sadd.s32 @!p3 s19, s12;
	_ =	swait.ge @!p0 [sflag:s26], $0x4000  }
0x95: {  	s22 =	sadd.s32 @!p3 $0x10, s22;
	s28 =	simm.s32 @!p3 $0x0;
	[sflag:s26] =	ssyncset.done @!p0 $0x0  }
0x96: {  	s24 =	simm.s32 @!p3 $0x1F940;
	[sflag:s26] =	ssyncadd.s32 @!p0 $0xFFFFC000;
	s26 =	sadd.s32 @!p3 s19, s11  }
0x97: {  	[tilespmem:s24], [sflag:$0x2] =	stream.linear.gather @!p3 [hbm4b:s22+s28], $0x80, $0x38;
	[tilespmem:$0x1FBC0] =	vst v63  }
0x98: {  	s29 =	simm.s32 @!p2 $0x4;
	s22 =	simm.s32 @!p3 $0x1FAC0;
	s26 =	sadd.s32 @!p3 $0x10, s26  }
0x99: {  	[tilespmem:s22], [sflag:$0x2] =	stream.linear.gather @!p3 [hbm4b:s26+s28], $0x80, $0x38;
	[tilespmem:$0x1FBC0] =	vst v63  }
0x9a: {  	_ =	swait.ge @!p2 [sflag:s29], $0x4000  }
0x9b: {  	[sflag:s29] =	ssyncset.done @!p2 $0x0  }
0x9c: {  	s22 =	simm.s32 @!p3 $0x2;
	[sflag:s29] =	ssyncadd.s32 @!p2 $0xFFFFC000  }
0x9d: {  	[spmem:s2] =	stream.indirect.scatter.add.f32 @!p2 [tilespmem:s25], [sflag:$0x7], $0x80, s23, s21, $0xb8;
	[tilespmem:$0x1FBC0] =	vst v63  }
0x9e: {  	_ =	swait.ge @!p3 [sflag:s22], $0x80  }
0x9f: {  	[sflag:s22] =	ssyncset.done @!p3 $0x0  }
0xa0: {  	[sflag:s22] =	ssyncadd.s32 @!p3 $0xFFFFFF80  }
0xa1: {  	p0 =	sge.u32 @!p1 s20, s6;
	s21 =	simm.s32 @!p3 $0x178C0;
	_ =	swait.ge @!p3 [sflag:s22], $0x80  }
0xa2: {  	s23 =	simm.s32 @!p3 $0x80;
	p2 =	por p0, p1;
	[sflag:s22] =	ssyncset.done @!p3 $0x0  }
0xa3: {  	p1 =	sge.u32 s20, s6;
	[sflag:s22] =	ssyncadd.s32 @!p3 $0xFFFFFF80;
	s22 =	simm.s32 @!p2 $0x9  }
0xa4: {  	[tilespmem:s21], [sflag:$0x5] =	stream.indirect.gather @!p3 [hbm4b:s4+s23], $0x80, s24, s23, $0xb8;
	[tilespmem:$0x1FBC0] =	vst v63  }
0xa5: {  	p0 =	sgt.u32 s20, s6;
	s20 =	sadd.s32 @!p1 s19, s12;
	_ =	swait.ge @!p2 [sflag:s22], $0x4000  }
0xa6: {  	s19 =	sadd.s32 @!p1 s19, s11;
	s20 =	sadd.s32 @!p1 $0x20, s20;
	[sflag:s22] =	ssyncset.done @!p2 $0x0  }
0xa7: {  	s21 =	simm.s32 @!p1 $0x1F9C0;
	s23 =	simm.s32 @!p1 $0x0;
	[sflag:s22] =	ssyncadd.s32 @!p2 $0xFFFFC000  }
0xa8: {  	[tilespmem:s21], [sflag:$0x3] =	stream.linear.gather @!p1 [hbm4b:s20+s23], $0x80, $0x38;
	[tilespmem:$0x1FBC0] =	vst v63  }
0xa9: {  	s19 =	sadd.s32 @!p1 $0x20, s19;
	s22 =	simm.s32 @!p0 $0x5;
	s20 =	simm.s32 @!p1 $0x1FB40  }
0xaa: {  	[tilespmem:s20], [sflag:$0x3] =	stream.linear.gather @!p1 [hbm4b:s19+s23], $0x80, $0x38;
	[tilespmem:$0x1FBC0] =	vst v63  }
0xab: {  	_ =	swait.ge @!p0 [sflag:s22], $0x4000  }
0xac: {  	s19 =	simm.s32 @!p0 $0x178C0;
	s20 =	simm.s32 @!p0 $0x80;
	[sflag:s22] =	ssyncset.done @!p0 $0x0  }
0xad: {  	s23 =	simm.s32 @!p0 $0x1FAC0;
	[sflag:s22] =	ssyncadd.s32 @!p0 $0xFFFFC000;
	s22 =	simm.s32 @!p1 $0x3  }
0xae: {  	[spmem:s2] =	stream.indirect.scatter.add.f32 @!p0 [tilespmem:s19], [sflag:$0x8], $0x80, s23, s20, $0xb8;
	[tilespmem:$0x1FBC0] =	vst v63  }
0xaf: {  	_ =	swait.ge @!p1 [sflag:s22], $0x80  }
0xb0: {  	[sflag:s22] =	ssyncset.done @!p1 $0x0  }
0xb1: {  	[sflag:s22] =	ssyncadd.s32 @!p1 $0xFFFFFF80  }
0xb2: {  	_ =	swait.ge @!p1 [sflag:s22], $0x80  }
0xb3: {  	[sflag:s22] =	ssyncset.done @!p1 $0x0  }
0xb4: {  	s19 =	simm.s32 @!p1 $0x1B8C0;
	s20 =	simm.s32 @!p1 $0x80;
	[sflag:s22] =	ssyncadd.s32 @!p1 $0xFFFFFF80  }
0xb5: {  	[tilespmem:s19], [sflag:$0x6] =	stream.indirect.gather @!p1 [hbm4b:s4+s20], $0x80, s21, s20, $0xb8;
	[tilespmem:$0x1FBC0] =	vst v63  }
0xb6: {  	_ =	swait.ge [sflag:s16], $0x4000  }
0xb7: {  	[sflag:s16] =	ssyncset.done $0x0  }
0xb8: {  	[sflag:s16] =	ssyncadd.s32 $0xFFFFC000  }
0xb9: {  	_ =	swait.ge [sflag:s17], $0x4000  }
0xba: {  	[sflag:s17] =	ssyncset.done $0x0  }
0xbb: {  	[sflag:s17] =	ssyncadd.s32 $0xFFFFC000  }
0xbc: {  	_ =	swait.ge [sflag:s18], $0x4000  }
0xbd: {  	[sflag:s18] =	ssyncset.done $0x0  }
0xbe: {  	[sflag:s18] =	ssyncadd.s32 $0xFFFFC000  }
0xbf: {  	[bflag:$0x0] =	sbarrier.arrive $0xFFFF  }
0xc0: {  	[hbm:s8], [sflag:s7] =	dma.local [spmem:s13], $0x2700  }
0xc1: {  	_ =	swait.ge [sflag:s14], $0x2700  }
0xc2: {  	s31 =	sld [smem:$0x7FD];
	_ =	sdelay $0x1  }
0xc3: {  	s3 =	sadd.s32 $0x1, s3;
	[sflag:s14] =	ssyncset.done $0x0  }
0xc4: {  	p0 =	sne.s32 s3, s10;
	[sflag:s14] =	ssyncadd.s32 $0xFFFFD900;
	p2 =	seq.s32 s31, $0x1  }
0xc5: {  	[hbm:s9], [sflag:s7] =	dma.local @!p2 [spmem:s15], $0x100  }
.Ltmp1:
0xc6: {  	_ = 	snop;
	(pc) =	sbr.rel @p0 .LBB2_1-.Ltmp1, $4  }
0xc7: {  	s19 =	simm.s32 @!p2 $0xA  }
0xc8: {  	_ =	swait.ge @!p2 [sflag:s19], $0x100  }
0xc9: {  	[sflag:s19] =	ssyncset.done @!p2 $0x0  }
0xca: {  	[sflag:s19] =	ssyncadd.s32 @!p2 $0xFFFFFF00  }
0xcb: {  	_ =	sfence.sel $0x180000  }
0xcc: {  	[bflag:$0x0] =	sbarrier.arrive $0xFFFF  }
0xcd: {  	p0 =	sne.s32 s0, $0x0;
	_ =	strace $0x9000004A  }
0xce: {  	s0 =	sadd.s32 @!p0 $0x100000, s1;
	[bflag:$0x2] =	sbarrier.arrive $0xFFFF  }
0xcf: {  	[sflag:s0] =	ssyncadd.tile.s32 @!p0 $0x1;
	_ =	shalt  }
.Lfunc_end2:
_tile_overlayer_lowered:
.L_overlay_start_2:
0xd0: {  	(tag) =	ssettag $0x2  }
0xd1: {  	s0 =	rddreg [dreg:$0x0];
	s2 =	stileid.u32  }
0xd2: {  	s1 =	rddreg [dreg:$0x1];
	p0 =	sne.s32 s2, $0x0  }
0xd3: {  	s3 =	rddreg [dreg:$0x2];
	[bflag:$0x3] =	sbarrier.arrive $0xFFFF;
	s2 =	simm.s32 @!p0 $0x1C0A  }
0xd4: {  	[timem:s3], [sflag:s2] =	dma.local @!p0 [hbm:s0], s1  }
0xd5: {  	s0 =	simm.s32 @!p0 $0xA  }
0xd6: {  	_ =	swait.ge @!p0 [sflag:s0], s1  }
0xd7: {  	s1 =	ssub.s32 @!p0 $0x0, s1;
	[sflag:s0] =	ssyncset.done @!p0 $0x0  }
0xd8: {  	[sflag:s0] =	ssyncadd.s32 @!p0 s1  }
0xd9: {  	[bflag:$0x3] =	sbarrier.arrive $0xFFFF  }
0xda: {  	_ =	shalt  }

// kernel: kernel.15.cloned.1.call-start
scs
__scs_entry_jumppad:
0x0: {  	(pc) =	sbr.rel $0x88, $3  }
0x1: {  	(tag) =	ssettag $0x0;
	lr =	simm.s32 $0x1  }
0x2: {  	[smem:$0x3F82] =	sst lr;
	_ =	strace $0xD0000000  }
0x3: {  	_ = 	snop  }
0x4: {  	_ = 	snop  }
0x5: {  	_ = 	snop  }
0x6: {  	_ = 	snop  }
0x7: {  	_ = 	snop  }
__scs_overlays_trampoline_lowered:
0x8: {  	[smem:$0x3F91] =	sst s0  }
0x9: {  	[smem:$0x3F92] =	sst s1  }
0xa: {  	[smem:$0x3F93] =	sst s2  }
0xb: {  	[smem:$0x3F94] =	sst s3  }
0xc: {  	[smem:$0x3F95] =	sst s4  }
0xd: {  	[smem:$0x3F96] =	sst s5  }
0xe: {  	[smem:$0x3F97] =	sst s6  }
0xf: {  	[smem:$0x3F98] =	sst s7  }
0x10: {  	[smem:$0x3F99] =	sst s8  }
0x11: {  	[smem:$0x3F9A] =	sst s9;
	s0 =	simm.s32 @!p0 $0x0  }
0x12: {  	s1 =	sld [smem:$0x3F80];
	s0 =	simm.s32 @p0 $0x1  }
0x13: {  	[smem:$0x3F9B] =	sst s0;
	s0 =	simm.s32 @!p1 $0x0  }
0x14: {  	s2 =	sld [smem:$0x3F7F];
	s0 =	simm.s32 @p1 $0x1  }
0x15: {  	[smem:$0x3F9C] =	sst s0;
	s0 =	simm.s32 @!p2 $0x0  }
0x16: {  	s3 =	sld [smem:$0x3FDB];
	s0 =	simm.s32 @p2 $0x1  }
0x17: {  	s4 =	simm.s32 $0x1BF5;
	[smem:$0x3F9E] =	sst s0  }
0x18: {  	s0 =	sld [smem:$0x3F81];
	_ =	swait.ge [sflag:s4], $0x0  }
0x19: {  	s7 =	sld [smem:$0x3F82]  }
0x1a: {  	s8 =	sadd.s32 $0xFFFFE003, lr  }
0x1b: {  	s9 =	sadd.s32 $0xFFFFFEF7, lr;
	s5 =	simm.s32 $0xFFFFFFFF;
	p2 =	slt.u32 s8, $0xFFFFF086  }
0x1c: {  	p1 =	slt.u32 s9, $0xF7A;
	s5 =	simm.s32 @!p2 $0x0  }
0x1d: {  	s5 =	simm.s32 @p1 $0x1;
	p0 =	seq.s32 s7, s2  }
0x1e: {  	s7 =	smul.u32 @!p0 $0xF7A, s2;
	p2 =	seq.s32 @!p0 s5, $0x0  }
0x1f: {  	s9 =	smul.u32 $0xF7A, s1;
	s8 =	simm.s32 @!p0 $0x1BF5;
	p2 =	por !p2, p0  }
0x20: {  	[sflag:s8] =	ssyncset.s32 @!p0 $0xFFFFF086;
	s6 =	sadd.s32 @!p0 s3, s7;
	s7 =	simm.s32 @!p0 $0x108  }
0x21: {  	s3 =	sadd.s32 s3, s9;
	s6 =	sadd.s32 @!p0 $0x88, s6;
	s7 =	simm.s32 @p2 $0x1082  }
0x22: {  	[simem:s7], [sflag:s8] =	dma.local @!p0 [hbm:s6], $0xF7A  }
0x23: {  	s9 =	sor.u32 $0xD0000000, s2;
	s6 =	simm.s32 $0x108;
	_ =	swait.ge @!p0 [sflag:s8], $0x0  }
0x24: {  	s3 =	sadd.s32 $0x88, s3;
	s6 =	simm.s32 @!p1 $0x1082;
	[sflag:s4] =	ssyncset.s32 $0xFFFFF086  }
0x25: {  	[simem:s6], [sflag:s4] =	dma.local [hbm:s3], $0xF7A  }
0x26: {  	[smem:$0x3F82] =	sst s1;
	(tag) =	ssettag s2;
	_ =	strace s9  }
0x27: {  	s1 =	sld [smem:$0x3F92]  }
0x28: {  	s2 =	sld [smem:$0x3F93]  }
0x29: {  	s4 =	sld [smem:$0x3F95]  }
0x2a: {  	p0 =	seq.s32 s5, $0x0;
	s5 =	sld [smem:$0x3F96]  }
0x2b: {  	s6 =	sld [smem:$0x3F97]  }
0x2c: {  	s7 =	sld [smem:$0x3F98]  }
0x2d: {  	s3 =	simm.s32 $0x108;
	s8 =	sld [smem:$0x3F99]  }
0x2e: {  	s3 =	simm.s32 @!p0 $0x1082;
	s9 =	sld [smem:$0x3F9A]  }
0x2f: {  	lr =	sadd.s32 s0, s3;
	s0 =	sld [smem:$0x3F91]  }
0x30: {  	s3 =	sld [smem:$0x3F94]  }
0x31: {  	[smem:$0x3F9D] =	sst s10  }
0x32: {  	s10 =	sld [smem:$0x3F9B];
	_ =	sdelay $0x3  }
0x33: {  	p0 =	seq.s32 s10, $0x1;
	s10 =	sld [smem:$0x3F9D];
	_ =	sdelay $0x3  }
0x34: {  	[smem:$0x3F9D] =	sst s10  }
0x35: {  	s10 =	sld [smem:$0x3F9C];
	_ =	sdelay $0x3  }
0x36: {  	p1 =	seq.s32 s10, $0x1;
	s10 =	sld [smem:$0x3F9D];
	_ =	sdelay $0x3  }
0x37: {  	[smem:$0x3F9D] =	sst s10  }
0x38: {  	s10 =	sld [smem:$0x3F9E]  }
0x39: {  	_ = 	snop;
	(pc) =	sbr.ind lr, $3  }
0x3a: {  	_ = 	snop  }
0x3b: {  	_ = 	snop  }
0x3c: {  	p2 =	seq.s32 s10, $0x1;
	s10 =	sld [smem:$0x3F9D]  }
0x3d: {  	_ =	shalt  }
0x3e: {  	_ =	shalt  }
0x3f: {  	_ =	shalt  }
0x40: {  	_ =	shalt  }
0x41: {  	_ =	shalt  }
0x42: {  	_ =	shalt  }
0x43: {  	_ =	shalt  }
0x44: {  	_ =	shalt  }
0x45: {  	_ =	shalt  }
0x46: {  	_ =	shalt  }
0x47: {  	_ =	shalt  }
0x48: {  	_ =	shalt  }
0x49: {  	_ =	shalt  }
0x4a: {  	_ =	shalt  }
0x4b: {  	_ =	shalt  }
0x4c: {  	_ =	shalt  }
0x4d: {  	_ =	shalt  }
0x4e: {  	_ =	shalt  }
0x4f: {  	_ =	shalt  }
0x50: {  	_ =	shalt  }
0x51: {  	_ =	shalt  }
0x52: {  	_ =	shalt  }
0x53: {  	_ =	shalt  }
0x54: {  	_ =	shalt  }
0x55: {  	_ =	shalt  }
0x56: {  	_ =	shalt  }
0x57: {  	_ =	shalt  }
0x58: {  	_ =	shalt  }
0x59: {  	_ =	shalt  }
0x5a: {  	_ =	shalt  }
0x5b: {  	_ =	shalt  }
0x5c: {  	_ =	shalt  }
0x5d: {  	_ =	shalt  }
0x5e: {  	_ =	shalt  }
0x5f: {  	_ =	shalt  }
0x60: {  	_ =	shalt  }
0x61: {  	_ =	shalt  }
0x62: {  	_ =	shalt  }
0x63: {  	_ =	shalt  }
0x64: {  	_ =	shalt  }
0x65: {  	_ =	shalt  }
0x66: {  	_ =	shalt  }
0x67: {  	_ =	shalt  }
0x68: {  	_ =	shalt  }
0x69: {  	_ =	shalt  }
0x6a: {  	_ =	shalt  }
0x6b: {  	_ =	shalt  }
0x6c: {  	_ =	shalt  }
0x6d: {  	_ =	shalt  }
0x6e: {  	_ =	shalt  }
0x6f: {  	_ =	shalt  }
0x70: {  	_ =	shalt  }
0x71: {  	_ =	shalt  }
0x72: {  	_ =	shalt  }
0x73: {  	_ =	shalt  }
0x74: {  	_ =	shalt  }
0x75: {  	_ =	shalt  }
0x76: {  	_ =	shalt  }
0x77: {  	_ =	shalt  }
0x78: {  	_ =	shalt  }
0x79: {  	_ =	shalt  }
0x7a: {  	_ =	shalt  }
0x7b: {  	_ =	shalt  }
0x7c: {  	_ =	shalt  }
0x7d: {  	_ =	shalt  }
0x7e: {  	_ =	shalt  }
0x7f: {  	_ =	shalt  }
0x80: {  	_ =	shalt  }
0x81: {  	_ =	shalt  }
0x82: {  	_ =	shalt  }
0x83: {  	_ =	shalt  }
0x84: {  	_ =	shalt  }
0x85: {  	_ =	shalt  }
0x86: {  	_ =	shalt  }
0x87: {  	_ =	shalt  }
.Lfunc_end0:
.L_simem_size_0:
called_computation.2_lowered:
.L_overlay_start_0:
0x88: {  	s2 =	sld [smem:$0x3FD9]  }
0x89: {  	s3 =	sld [smem:$0x3FFE];
	_ =	sdelay $0x1  }
0x8a: {  	s1 =	srdreg.scid  }
0x8b: {  	s0 =	sand.u32 $0x1, s1  }
0x8c: {  	s16 =	sshll.u32 s0, $0xA;
	s2 =	sadd.s32 s3, s2  }
0x8d: {  	s2 =	sadd.s32 s2, s16  }
0x8e: {  	[smem:$0x3FA9] =	sst s2  }
0x8f: {  	_ = 	snop  }
0x90: {  	(tm) =	ssettm $0x1  }
0x91: {  	s17 =	sld [smem:$0x3FFB];
	_ =	sdelay $0x3  }
0x92: {  	_ =	strace s17  }
0x93: {  	s2 =	sld [smem:$0x3FFC];
	_ =	sdelay $0x3  }
0x94: {  	_ =	strace s2  }
0x95: {  	s2 =	sld [smem:$0x3FFD];
	_ =	sdelay $0x3  }
0x96: {  	_ =	strace s2  }
0x97: {  	_ =	strace $0x8FFFFFFF  }
0x98: {  	s18 =	sld [smem:$0x3FDB];
	_ =	sdelay $0x1  }
0x99: {  	s19 =	simm.s32 $_scs_section_size  }
0x9a: {  	s4 =	simm.s32 $_size__tile_overlayer_lowered;
	s5 =	simm.s32 $_tile_overlayer_lowered  }
0x9b: {  	s22 =	simm.s32 $0x1BFF;
	s21 =	sshll.u32 s5, $0x1;
	s2 =	sadd.s32 s19, s18  }
0x9c: {  	s6 =	simm.s32 $0x0;
	s20 =	sshll.u32 s4, $0x1;
	s4 =	sadd.s32 s21, s2  }
0x9d: {  	[timem:s6], [sflag:s22] =	dma.local [hbm:s4], s20  }
0x9e: {  	_ =	swait.ge [sflag:s22], s20  }
0x9f: {  	s3 =	ssub.s32 $0x0, s20;
	[sflag:s22] =	ssyncset.done $0x0  }
0xa0: {  	[sflag:s22] =	ssyncadd.s32 s3;
	_ =	sdelay $0x1  }
0xa1: {  	s23 =	simm.s32 $0x1B8B  }
0xa2: {  	_ =	swait.ge [sflag:s23], $0x1  }
0xa3: {  	[sflag:s23] =	ssyncset.done $0x0  }
0xa4: {  	s25 =	simm.s32 $0x1B8E;
	s24 =	sld [smem:$0x3FFE];
	[sflag:s23] =	ssyncadd.s32 $0xFFFFFFFF  }
0xa5: {  	s26 =	simm.s32 $execute0_lowered;
	[smem:$0x3FD2] =	sst s25  }
0xa6: {  	s4 =	sshll.u32 s26, $0x1;
	_ =	strace $0x8000004C;
	[dreg:$0x1] =	wrdreg $0xFFFFFFFF  }
0xa7: {  	s28 =	simm.s32 $_size_execute0_lowered;
	s2 =	sadd.s32 s2, s4;
	[dreg:$0x0] =	wrdreg $0x0  }
0xa8: {  	s4 =	sshll.u32 s28, $0x1;
	[dreg:$0x2] =	wrdreg s2  }
0xa9: {  	[dreg:$0x3] =	wrdreg s4  }
0xaa: {  	[dreg:$0x4] =	wrdreg $0xC0  }
0xab: {  	_ =	task [dreg:s6], $0x5FFFF  }
0xac: {  	[dreg:$0x1] =	wrdreg $0xFFFFFFFF  }
0xad: {  	[dreg:$0x0] =	wrdreg $0x60  }
0xae: {  	[dreg:$0x2] =	wrdreg s24  }
0xaf: {  	[dreg:$0x3] =	wrdreg $0x0  }
0xb0: {  	[dreg:$0x4] =	wrdreg $0x9  }
0xb1: {  	_ =	task.clear_ibuf [dreg:s6], $0x5FFFF;
	_ =	strace $0x9000004C  }
0xb2: {  	s29 =	simm.s32 $0x9;
	_ =	strace $0x8000004E  }
0xb3: {  	_ =	swait.ge [sflag:s29], $0x1  }
0xb4: {  	[sflag:s29] =	ssyncadd.s32 $0xFFFFFFFF  }
0xb5: {  	_ =	strace $0x9000004E  }
0xb6: {  	_ =	sfence  }
0xb7: {  	s30 =	sld [smem:$0x0];
	_ =	sdelay $0x2  }
0xb8: {  	s31 =	sshll.u32 s1, $0xD;
	s1 =	sshrl.u32 s1, $0x2  }
0xb9: {  	s3 =	sand.u32 $0x4000, s31;
	s1 =	sadd.s32 s1, s30  }
0xba: {  	s0 =	sor.u32 s3, s0;
	s1 =	sshll.u32 s1, $0x11  }
0xbb: {  	s0 =	sor.u32 s1, s0  }
0xbc: {  	s0 =	sadd.s32 $0x8F2B, s0  }
0xbd: {  	[sflag:s0] =	ssyncadd.remote.s32 $0x1  }
0xbe: {  	_ =	sfence.sel $0xFFFF  }
0xbf: {  	[dreg:$0x0] =	wrdreg $0xFFFFFFFF;
	(pc) =	sbr.abs _section_cstart, $3  }
0xc0: {  	[dreg:$0x1] =	wrdreg $0xFFFFFFFF  }
0xc1: {  	_ =	task.clear_ibuf [dreg:s6], $0x2FFFF;
	_ =	strace $0x9FFFFFFF  }
0xc2: {  	(tm) =	ssettm $0x7FFFFFFF  }
0xc3: {  	_ =	shalt  }
tec
execute0_lowered:
.L_overlay_start_1:
0x0: {  	(tag) =	ssettag $0x1  }
0x1: {  	s6 =	rddreg [dreg:$0x0]  }
0x2: {  	s2 =	rddreg [dreg:$0x1];
	s0 =	stileid.u32  }
0x3: {  	s4 =	srdreg.scid;
	s1 =	rddreg [dreg:$0x2];
	s3 =	simm.s32 $0x0  }
0x4: {  	s17 =	simm.s32 $0x8;
	s18 =	simm.s32 $0x9;
	s5 =	smul.u32 $0x7D, s0  }
0x5: {  	s7 =	sand.u32 $0x1, s4;
	s4 =	sshll.u32 s0, $0x5;
	s10 =	smul.u32 $0x2700, s0  }
0x6: {  	[smem:$0x7FF] =	sst s3;
	s8 =	sadd.s32 $0x42C00, s6;
	s13 =	smul.u32 $0x4E000, s0  }
0x7: {  	s14 =	sshll.u32 s0, $0x6;
	s16 =	sadd.s32 $0x138000, s2;
	p2 =	sne.s32 s0, $0xF  }
0x8: {  	p0 =	seq.s32 s7, $0x0;
	_ =	strace $0x8000004D;
	s31 =	smul.u32 $0x138800, s7  }
0x9: {  	s9 =	ssub.s32 $0x2, s7;
	s15 =	smul.u32 $0x27100, s7;
	s7 =	sor.u32 $0x1C0A, s14  }
0xa: {  	s14 =	simm.s32 $0xA;
	s19 =	simm.s32 @!p2 $0x0;
	s5 =	sadd.s32 $0x200, s5  }
0xb: {  	s11 =	sshrl.u32 s9, $0x1;
	s13 =	sshrl.u32 s13, $0x2;
	s19 =	simm.s32 @p2 $0x1  }
0xc: {  	s5 =	smov.u32 @p0 s4;
	s4 =	sadd.s32 $0x1BA00, s6;
	s11 =	ssub.s32 s9, s11  }
0xd: {  	s13 =	sadd.s32 s13, s2;
	s9 =	sshrl.u32 s31, $0x3;
	s10 =	sadd.s32 s10, s15  }
0xe: {  	s15 =	sshrl.u32 @!p2 s16, $0x3;
	s16 =	simm.s32 $0x7;
	[smem:$0x7FD] =	sst s19  }
0xf: {  	s5 =	sshll.u32 s5, $0x4;
	s9 =	sadd.s32 s8, s9;
	s8 =	sadd.s32 s8, s10  }
0x10: {  	s10 =	smax.u32 s11, $0x1;
	s13 =	sshrl.u32 s13, $0x3;
	s12 =	sadd.s32 s5, s6  }
0x11: {  	s5 =	sadd.s32 $0x19200, s6;
	s6 =	simm.s32 $0x20;
	s9 =	sadd.s32 $0x27000, s9  }
0x12: {  	s6 =	simm.s32 @!p0 $0x7D;
	s11 =	sadd.s32 $0xF400, s12;
	s12 =	sadd.s32 $0x5600, s12  }
.LBB2_1:
0x13: {  	[spmem:s13], [sflag:s7] =	dma.local [hbm:s5], $0x2700  }
0x14: {  	_ =	swait.ge [sflag:s14], $0x2700  }
0x15: {  	[sflag:s14] =	ssyncset.done $0x0  }
0x16: {  	s19 =	simm.s32 @!p2 $0xA;
	[sflag:s14] =	ssyncadd.s32 $0xFFFFD900  }
0x17: {  	[spmem:s15], [sflag:s7] =	dma.local @!p2 [hbm:s5], $0x100  }
0x18: {  	p1 =	por $0x1, $0x1;
	_ =	swait.ge @!p2 [sflag:s19], $0x100  }
0x19: {  	p0 =	sle.u32 @!p1 s6, $0x0;
	[sflag:s19] =	ssyncset.done @!p2 $0x0  }
0x1a: {  	p3 =	por p0, p1;
	[sflag:s19] =	ssyncadd.s32 @!p2 $0xFFFFFF00  }
0x1b: {  	s19 =	simm.s32 @!p3 $0x7;
	[bflag:$0x0] =	sbarrier.arrive $0xFFFF  }
0x1c: {  	p0 =	slt.u32 @!p1 s6, $0x0;
	p2 =	sle.u32 s6, $0x0;
	_ =	swait.ge @!p3 [sflag:s19], $0x4000  }
0x1d: {  	p0 =	por p0, p1;
	s20 =	sadd.s32 @!p2 $0x0, s12;
	[sflag:s19] =	ssyncset.done @!p3 $0x0  }
0x1e: {  	s21 =	simm.s32 @!p2 $0x1F8C0;
	[sflag:s19] =	ssyncadd.s32 @!p3 $0xFFFFC000;
	s19 =	simm.s32 @!p2 $0x0  }
0x1f: {  	[tilespmem:s21], [sflag:$0x1] =	stream.linear.gather @!p2 [hbm4b:s20+s19], $0x80, $0x38;
	[tilespmem:$0x1FBC0] =	vst v63  }
0x20: {  	s23 =	simm.s32 @!p0 $0x6;
	s22 =	sadd.s32 @!p2 $0x0, s11;
	s20 =	simm.s32 @!p2 $0x1FA40  }
0x21: {  	[tilespmem:s20], [sflag:$0x1] =	stream.linear.gather @!p2 [hbm4b:s22+s19], $0x80, $0x38;
	[tilespmem:$0x1FBC0] =	vst v63  }
0x22: {  	_ =	swait.ge @!p0 [sflag:s23], $0x4000  }
0x23: {  	s24 =	simm.s32 @!p0 $0x1B8C0;
	s19 =	simm.s32 @!p0 $0x80;
	[sflag:s23] =	ssyncset.done @!p0 $0x0  }
0x24: {  	s22 =	simm.s32 @!p0 $0x1FB40;
	[sflag:s23] =	ssyncadd.s32 @!p0 $0xFFFFC000;
	s23 =	simm.s32 @!p2 $0x1  }
0x25: {  	[spmem:s2] =	stream.indirect.scatter.add.f32 @!p0 [tilespmem:s24], [sflag:$0x9], $0x80, s22, s19, $0xb8;
	[tilespmem:$0x1FBC0] =	vst v63  }
0x26: {  	_ =	swait.ge @!p2 [sflag:s23], $0x80  }
0x27: {  	[sflag:s23] =	ssyncset.done @!p2 $0x0  }
0x28: {  	[sflag:s23] =	ssyncadd.s32 @!p2 $0xFFFFFF80  }
0x29: {  	p4 =	sle.u32 s6, $0x1;
	p0 =	sle.u32 @!p1 s6, $0x1;
	_ =	swait.ge @!p2 [sflag:s23], $0x80  }
0x2a: {  	s19 =	simm.s32 @!p2 $0x80;
	p0 =	por p0, p1;
	[sflag:s23] =	ssyncset.done @!p2 $0x0  }
0x2b: {  	s22 =	simm.s32 @!p2 $0x138C0;
	[sflag:s23] =	ssyncadd.s32 @!p2 $0xFFFFFF80;
	s23 =	simm.s32 @!p0 $0x8  }
0x2c: {  	[tilespmem:s22], [sflag:$0x4] =	stream.indirect.gather @!p2 [hbm4b:s4+s19], $0x80, s21, s19, $0xb8;
	[tilespmem:$0x1FBC0] =	vst v63  }
0x2d: {  	s25 =	simm.s32 @!p4 $0x0;
	_ =	swait.ge @!p0 [sflag:s23], $0x4000  }
0x2e: {  	s24 =	simm.s32 @!p4 $0x1F940;
	s21 =	sadd.s32 @!p4 $0x0, s12;
	[sflag:s23] =	ssyncset.done @!p0 $0x0  }
0x2f: {  	s21 =	sadd.s32 @!p4 $0x10, s21;
	[sflag:s23] =	ssyncadd.s32 @!p0 $0xFFFFC000;
	s23 =	sadd.s32 @!p4 $0x0, s11  }
0x30: {  	[tilespmem:s24], [sflag:$0x2] =	stream.linear.gather @!p4 [hbm4b:s21+s25], $0x80, $0x38;
	[tilespmem:$0x1FBC0] =	vst v63  }
0x31: {  	s26 =	simm.s32 @!p2 $0x4;
	s21 =	simm.s32 @!p4 $0x1FAC0;
	s23 =	sadd.s32 @!p4 $0x10, s23  }
0x32: {  	[tilespmem:s21], [sflag:$0x2] =	stream.linear.gather @!p4 [hbm4b:s23+s25], $0x80, $0x38;
	[tilespmem:$0x1FBC0] =	vst v63  }
0x33: {  	_ =	swait.ge @!p2 [sflag:s26], $0x4000  }
0x34: {  	[sflag:s26] =	ssyncset.done @!p2 $0x0  }
0x35: {  	s21 =	simm.s32 @!p4 $0x2;
	[sflag:s26] =	ssyncadd.s32 @!p2 $0xFFFFC000  }
0x36: {  	[spmem:s2] =	stream.indirect.scatter.add.f32 @!p2 [tilespmem:s22], [sflag:$0x7], $0x80, s20, s19, $0xb8;
	[tilespmem:$0x1FBC0] =	vst v63  }
0x37: {  	_ =	swait.ge @!p4 [sflag:s21], $0x80  }
0x38: {  	[sflag:s21] =	ssyncset.done @!p4 $0x0  }
0x39: {  	[sflag:s21] =	ssyncadd.s32 @!p4 $0xFFFFFF80  }
0x3a: {  	p3 =	sle.u32 s6, $0x2;
	p0 =	sle.u32 @!p1 s6, $0x2;
	_ =	swait.ge @!p4 [sflag:s21], $0x80  }
0x3b: {  	p1 =	por p0, p1;
	s19 =	simm.s32 @!p4 $0x178C0;
	[sflag:s21] =	ssyncset.done @!p4 $0x0  }
0x3c: {  	s20 =	simm.s32 @!p4 $0x80;
	[sflag:s21] =	ssyncadd.s32 @!p4 $0xFFFFFF80;
	s21 =	simm.s32 @!p1 $0x9  }
0x3d: {  	[tilespmem:s19], [sflag:$0x5] =	stream.indirect.gather @!p4 [hbm4b:s4+s20], $0x80, s24, s20, $0xb8;
	[tilespmem:$0x1FBC0] =	vst v63  }
0x3e: {  	p0 =	slt.u32 s6, $0x2;
	s19 =	sadd.s32 @!p3 $0x0, s12;
	_ =	swait.ge @!p1 [sflag:s21], $0x4000  }
0x3f: {  	s24 =	simm.s32 @!p3 $0x1F9C0;
	s20 =	simm.s32 @!p3 $0x0;
	[sflag:s21] =	ssyncset.done @!p1 $0x0  }
0x40: {  	s19 =	sadd.s32 @!p3 $0x20, s19;
	[sflag:s21] =	ssyncadd.s32 @!p1 $0xFFFFC000;
	s21 =	sadd.s32 @!p3 $0x0, s11  }
0x41: {  	[tilespmem:s24], [sflag:$0x3] =	stream.linear.gather @!p3 [hbm4b:s19+s20], $0x80, $0x38;
	[tilespmem:$0x1FBC0] =	vst v63  }
0x42: {  	s22 =	simm.s32 @!p0 $0x5;
	s19 =	simm.s32 @!p3 $0x1FB40;
	s21 =	sadd.s32 @!p3 $0x20, s21  }
0x43: {  	[tilespmem:s19], [sflag:$0x3] =	stream.linear.gather @!p3 [hbm4b:s21+s20], $0x80, $0x38;
	[tilespmem:$0x1FBC0] =	vst v63  }
0x44: {  	s28 =	simm.s32 @!p3 $0x80;
	s25 =	simm.s32 @!p0 $0x80;
	_ =	swait.ge @!p0 [sflag:s22], $0x4000  }
0x45: {  	s23 =	simm.s32 @!p3 $0x3;
	s26 =	simm.s32 @!p0 $0x1FAC0;
	[sflag:s22] =	ssyncset.done @!p0 $0x0  }
0x46: {  	p1 =	por $0x0, $0x0;
	s20 =	simm.s32 @!p0 $0x178C0;
	[sflag:s22] =	ssyncadd.s32 @!p0 $0xFFFFC000  }
0x47: {  	[spmem:s2] =	stream.indirect.scatter.add.f32 @!p0 [tilespmem:s20], [sflag:$0x8], $0x80, s26, s25, $0xb8;
	[tilespmem:$0x1FBC0] =	vst v63  }
0x48: {  	p2 =	sle.u32 @!p1 s6, $0x3;
	p5 =	sle.u32 @!p1 s6, $0x4;
	_ =	swait.ge @!p3 [sflag:s23], $0x80  }
0x49: {  	p6 =	por p2, p1;
	s19 =	simm.s32 $0x30;
	[sflag:s23] =	ssyncset.done @!p3 $0x0  }
0x4a: {  	s21 =	simm.s32 $0x60;
	s22 =	simm.s32 $0x4;
	[sflag:s23] =	ssyncadd.s32 @!p3 $0xFFFFFF80  }
0x4b: {  	s20 =	simm.s32 $0x5;
	s25 =	simm.s32 @!p3 $0x1B8C0;
	_ =	swait.ge @!p3 [sflag:s23], $0x80  }
0x4c: {  	s26 =	simm.s32 $0x3;
	p0 =	slt.u32 @!p1 s6, $0x3;
	[sflag:s23] =	ssyncset.done @!p3 $0x0  }
.LBB2_2:
0x4d: {  	s29 =	simm.s32 @!p6 $0x7  }
0x4e: {  	p4 =	sge.u32 @!p1 s20, s6;
	[sflag:s23] =	ssyncadd.s32 @!p3 $0xFFFFFF80;
	s23 =	smov.u32 s21  }
0x4f: {  	[tilespmem:s25], [sflag:$0x6] =	stream.indirect.gather @!p3 [hbm4b:s4+s28], $0x80, s24, s28, $0xb8;
	[tilespmem:$0x1FBC0] =	vst v63  }
0x50: {  	p0 =	por p0, p1;
	p3 =	sge.u32 s26, s6;
	_ =	swait.ge @!p6 [sflag:s29], $0x4000  }
0x51: {  	s25 =	sadd.s32 @!p3 s19, s12;
	s24 =	simm.s32 @!p3 $0x1FA40;
	[sflag:s29] =	ssyncset.done @!p6 $0x0  }
0x52: {  	s26 =	simm.s32 @!p3 $0x0;
	s28 =	simm.s32 @!p3 $0x1F8C0;
	[sflag:s29] =	ssyncadd.s32 @!p6 $0xFFFFC000  }
0x53: {  	[tilespmem:s28], [sflag:$0x1] =	stream.linear.gather @!p3 [hbm4b:s25+s26], $0x80, $0x38;
	[tilespmem:$0x1FBC0] =	vst v63  }
0x54: {  	s21 =	sadd.s32 $0x30, s21;
	s29 =	simm.s32 @!p0 $0x6;
	s25 =	sadd.s32 @!p3 s19, s11  }
0x55: {  	[tilespmem:s24], [sflag:$0x1] =	stream.linear.gather @!p3 [hbm4b:s25+s26], $0x80, $0x38;
	[tilespmem:$0x1FBC0] =	vst v63  }
0x56: {  	p2 =	sne.s32 s21, $0x7E0;
	s25 =	simm.s32 @!p0 $0x80;
	_ =	swait.ge @!p0 [sflag:s29], $0x4000  }
0x57: {  	s30 =	simm.s32 @!p0 $0x1B8C0;
	s26 =	simm.s32 @!p0 $0x1FB40;
	[sflag:s29] =	ssyncset.done @!p0 $0x0  }
0x58: {  	[sflag:s29] =	ssyncadd.s32 @!p0 $0xFFFFC000;
	s29 =	simm.s32 @!p3 $0x1  }
0x59: {  	[spmem:s2] =	stream.indirect.scatter.add.f32 @!p0 [tilespmem:s30], [sflag:$0x9], $0x80, s26, s25, $0xb8;
	[tilespmem:$0x1FBC0] =	vst v63  }
0x5a: {  	_ =	swait.ge @!p3 [sflag:s29], $0x80  }
0x5b: {  	[sflag:s29] =	ssyncset.done @!p3 $0x0  }
0x5c: {  	[sflag:s29] =	ssyncadd.s32 @!p3 $0xFFFFFF80  }
0x5d: {  	p0 =	por p5, p1;
	_ =	swait.ge @!p3 [sflag:s29], $0x80  }
0x5e: {  	s25 =	simm.s32 @!p3 $0x80;
	s26 =	simm.s32 @!p3 $0x138C0;
	[sflag:s29] =	ssyncset.done @!p3 $0x0  }
0x5f: {  	p5 =	sge.u32 s22, s6;
	[sflag:s29] =	ssyncadd.s32 @!p3 $0xFFFFFF80;
	s29 =	simm.s32 @!p0 $0x8  }
0x60: {  	[tilespmem:s26], [sflag:$0x4] =	stream.indirect.gather @!p3 [hbm4b:s4+s25], $0x80, s28, s25, $0xb8;
	[tilespmem:$0x1FBC0] =	vst v63  }
0x61: {  	s22 =	sadd.s32 @!p5 s19, s12;
	s28 =	simm.s32 @!p5 $0x1F940;
	_ =	swait.ge @!p0 [sflag:s29], $0x4000  }
0x62: {  	s30 =	simm.s32 @!p5 $0x0;
	s22 =	sadd.s32 @!p5 $0x10, s22;
	[sflag:s29] =	ssyncset.done @!p0 $0x0  }
0x63: {  	s31 =	simm.s32 @!p5 $0x1FAC0;
	[sflag:s29] =	ssyncadd.s32 @!p0 $0xFFFFC000;
	s29 =	sadd.s32 @!p5 s19, s11  }
0x64: {  	[tilespmem:s28], [sflag:$0x2] =	stream.linear.gather @!p5 [hbm4b:s22+s30], $0x80, $0x38;
	[tilespmem:$0x1FBC0] =	vst v63  }
0x65: {  	s22 =	sadd.s32 @!p5 $0x10, s29;
	s29 =	simm.s32 @!p3 $0x4  }
0x66: {  	[tilespmem:s31], [sflag:$0x2] =	stream.linear.gather @!p5 [hbm4b:s22+s30], $0x80, $0x38;
	[tilespmem:$0x1FBC0] =	vst v63  }
0x67: {  	_ =	swait.ge @!p3 [sflag:s29], $0x4000  }
0x68: {  	[sflag:s29] =	ssyncset.done @!p3 $0x0  }
0x69: {  	s22 =	simm.s32 @!p5 $0x2;
	[sflag:s29] =	ssyncadd.s32 @!p3 $0xFFFFC000  }
0x6a: {  	[spmem:s2] =	stream.indirect.scatter.add.f32 @!p3 [tilespmem:s26], [sflag:$0x7], $0x80, s24, s25, $0xb8;
	[tilespmem:$0x1FBC0] =	vst v63  }
0x6b: {  	_ =	swait.ge @!p5 [sflag:s22], $0x80  }
0x6c: {  	[sflag:s22] =	ssyncset.done @!p5 $0x0  }
0x6d: {  	[sflag:s22] =	ssyncadd.s32 @!p5 $0xFFFFFF80  }
0x6e: {  	p6 =	sgt.u32 s20, s6;
	s24 =	simm.s32 @!p5 $0x178C0;
	_ =	swait.ge @!p5 [sflag:s22], $0x80  }
0x6f: {  	p0 =	por p4, p1;
	s25 =	simm.s32 @!p5 $0x80;
	[sflag:s22] =	ssyncset.done @!p5 $0x0  }
0x70: {  	p3 =	sge.u32 s20, s6;
	[sflag:s22] =	ssyncadd.s32 @!p5 $0xFFFFFF80;
	s22 =	simm.s32 @!p0 $0x9  }
0x71: {  	[tilespmem:s24], [sflag:$0x5] =	stream.indirect.gather @!p5 [hbm4b:s4+s25], $0x80, s28, s25, $0xb8;
	[tilespmem:$0x1FBC0] =	vst v63  }
0x72: {  	s25 =	sadd.s32 @!p3 s19, s12;
	s24 =	simm.s32 @!p3 $0x1F9C0;
	_ =	swait.ge @!p0 [sflag:s22], $0x4000  }
0x73: {  	s26 =	simm.s32 @!p3 $0x0;
	s25 =	sadd.s32 @!p3 $0x20, s25;
	[sflag:s22] =	ssyncset.done @!p0 $0x0  }
0x74: {  	s19 =	sadd.s32 @!p3 s19, s11;
	[sflag:s22] =	ssyncadd.s32 @!p0 $0xFFFFC000;
	s22 =	simm.s32 @!p3 $0x1FB40  }
0x75: {  	[tilespmem:s24], [sflag:$0x3] =	stream.linear.gather @!p3 [hbm4b:s25+s26], $0x80, $0x38;
	[tilespmem:$0x1FBC0] =	vst v63  }
0x76: {  	s28 =	simm.s32 @!p6 $0x5;
	s25 =	sadd.s32 @!p3 $0x20, s19;
	s19 =	smov.u32 s23  }
0x77: {  	[tilespmem:s22], [sflag:$0x3] =	stream.linear.gather @!p3 [hbm4b:s25+s26], $0x80, $0x38;
	[tilespmem:$0x1FBC0] =	vst v63  }
0x78: {  	s22 =	simm.s32 @!p6 $0x178C0;
	_ =	swait.ge @!p6 [sflag:s28], $0x4000  }
0x79: {  	s25 =	simm.s32 @!p6 $0x80;
	s26 =	simm.s32 @!p6 $0x1FAC0;
	[sflag:s28] =	ssyncset.done @!p6 $0x0  }
0x7a: {  	s20 =	sadd.s32 $0x3, s20;
	s23 =	simm.s32 @!p3 $0x3;
	[sflag:s28] =	ssyncadd.s32 @!p6 $0xFFFFC000  }
0x7b: {  	[spmem:s2] =	stream.indirect.scatter.add.f32 @!p6 [tilespmem:s22], [sflag:$0x8], $0x80, s26, s25, $0xb8;
	[tilespmem:$0x1FBC0] =	vst v63  }
.Ltmp0:
0x7c: {  	s25 =	simm.s32 @!p3 $0x1B8C0;
	_ =	swait.ge @!p3 [sflag:s23], $0x80;
	(pc) =	sbr.rel @p2 .LBB2_2-.Ltmp0, $4  }
0x7d: {  	s28 =	simm.s32 @!p3 $0x80;
	s22 =	sadd.s32 $0xFFFFFFFF, s20;
	[sflag:s23] =	ssyncset.done @!p3 $0x0  }
0x7e: {  	p1 =	seq.s32 s19, $0x0;
	s26 =	sadd.s32 $0xFFFFFFFE, s20;
	[sflag:s23] =	ssyncadd.s32 @!p3 $0xFFFFFF80  }
0x7f: {  	p4 =	sge.u32 @!p1 s26, s6;
	p0 =	sgt.u32 @!p1 s26, s6;
	_ =	swait.ge @!p3 [sflag:s23], $0x80  }
0x80: {  	p5 =	sge.u32 @!p1 s22, s6;
	p6 =	por p4, p1;
	[sflag:s23] =	ssyncset.done @!p3 $0x0  }
0x81: {  	s21 =	simm.s32 @!p6 $0x7;
	[sflag:s23] =	ssyncadd.s32 @!p3 $0xFFFFFF80  }
0x82: {  	[tilespmem:s25], [sflag:$0x6] =	stream.indirect.gather @!p3 [hbm4b:s4+s28], $0x80, s24, s28, $0xb8;
	[tilespmem:$0x1FBC0] =	vst v63  }
0x83: {  	p2 =	sge.u32 s26, s6;
	_ =	swait.ge @!p6 [sflag:s21], $0x4000  }
0x84: {  	p0 =	por p0, p1;
	s23 =	sadd.s32 @!p2 s19, s12;
	[sflag:s21] =	ssyncset.done @!p6 $0x0  }
0x85: {  	s24 =	simm.s32 @!p2 $0x1F8C0;
	[sflag:s21] =	ssyncadd.s32 @!p6 $0xFFFFC000;
	s21 =	simm.s32 @!p2 $0x0  }
0x86: {  	[tilespmem:s24], [sflag:$0x1] =	stream.linear.gather @!p2 [hbm4b:s23+s21], $0x80, $0x38;
	[tilespmem:$0x1FBC0] =	vst v63  }
0x87: {  	s25 =	sadd.s32 @!p2 s19, s11;
	s26 =	simm.s32 @!p0 $0x6;
	s23 =	simm.s32 @!p2 $0x1FA40  }
0x88: {  	[tilespmem:s23], [sflag:$0x1] =	stream.linear.gather @!p2 [hbm4b:s25+s21], $0x80, $0x38;
	[tilespmem:$0x1FBC0] =	vst v63  }
0x89: {  	_ =	swait.ge @!p0 [sflag:s26], $0x4000  }
0x8a: {  	s28 =	simm.s32 @!p0 $0x1B8C0;
	s21 =	simm.s32 @!p0 $0x80;
	[sflag:s26] =	ssyncset.done @!p0 $0x0  }
0x8b: {  	s25 =	simm.s32 @!p0 $0x1FB40;
	[sflag:s26] =	ssyncadd.s32 @!p0 $0xFFFFC000;
	s26 =	simm.s32 @!p2 $0x1  }
0x8c: {  	[spmem:s2] =	stream.indirect.scatter.add.f32 @!p0 [tilespmem:s28], [sflag:$0x9], $0x80, s25, s21, $0xb8;
	[tilespmem:$0x1FBC0] =	vst v63  }
0x8d: {  	_ =	swait.ge @!p2 [sflag:s26], $0x80  }
0x8e: {  	[sflag:s26] =	ssyncset.done @!p2 $0x0  }
0x8f: {  	[sflag:s26] =	ssyncadd.s32 @!p2 $0xFFFFFF80  }
0x90: {  	p3 =	sge.u32 s22, s6;
	_ =	swait.ge @!p2 [sflag:s26], $0x80  }
0x91: {  	p0 =	por p5, p1;
	s21 =	simm.s32 @!p2 $0x80;
	[sflag:s26] =	ssyncset.done @!p2 $0x0  }
0x92: {  	s25 =	simm.s32 @!p2 $0x138C0;
	[sflag:s26] =	ssyncadd.s32 @!p2 $0xFFFFFF80;
	s26 =	simm.s32 @!p0 $0x8  }
0x93: {  	[tilespmem:s25], [sflag:$0x4] =	stream.indirect.gather @!p2 [hbm4b:s4+s21], $0x80, s24, s21, $0xb8;
	[tilespmem:$0x1FBC0] =	vst v63  }
0x94: {  	s22 =	sadd.s32 @!p3 s19, s12;
	_ =	swait.ge @!p0 [sflag:s26], $0x4000  }
0x95: {  	s22 =	sadd.s32 @!p3 $0x10, s22;
	s28 =	simm.s32 @!p3 $0x0;
	[sflag:s26] =	ssyncset.done @!p0 $0x0  }
0x96: {  	s24 =	simm.s32 @!p3 $0x1F940;
	[sflag:s26] =	ssyncadd.s32 @!p0 $0xFFFFC000;
	s26 =	sadd.s32 @!p3 s19, s11  }
0x97: {  	[tilespmem:s24], [sflag:$0x2] =	stream.linear.gather @!p3 [hbm4b:s22+s28], $0x80, $0x38;
	[tilespmem:$0x1FBC0] =	vst v63  }
0x98: {  	s29 =	simm.s32 @!p2 $0x4;
	s22 =	simm.s32 @!p3 $0x1FAC0;
	s26 =	sadd.s32 @!p3 $0x10, s26  }
0x99: {  	[tilespmem:s22], [sflag:$0x2] =	stream.linear.gather @!p3 [hbm4b:s26+s28], $0x80, $0x38;
	[tilespmem:$0x1FBC0] =	vst v63  }
0x9a: {  	_ =	swait.ge @!p2 [sflag:s29], $0x4000  }
0x9b: {  	[sflag:s29] =	ssyncset.done @!p2 $0x0  }
0x9c: {  	s22 =	simm.s32 @!p3 $0x2;
	[sflag:s29] =	ssyncadd.s32 @!p2 $0xFFFFC000  }
0x9d: {  	[spmem:s2] =	stream.indirect.scatter.add.f32 @!p2 [tilespmem:s25], [sflag:$0x7], $0x80, s23, s21, $0xb8;
	[tilespmem:$0x1FBC0] =	vst v63  }
0x9e: {  	_ =	swait.ge @!p3 [sflag:s22], $0x80  }
0x9f: {  	[sflag:s22] =	ssyncset.done @!p3 $0x0  }
0xa0: {  	[sflag:s22] =	ssyncadd.s32 @!p3 $0xFFFFFF80  }
0xa1: {  	p0 =	sge.u32 @!p1 s20, s6;
	s21 =	simm.s32 @!p3 $0x178C0;
	_ =	swait.ge @!p3 [sflag:s22], $0x80  }
0xa2: {  	s23 =	simm.s32 @!p3 $0x80;
	p2 =	por p0, p1;
	[sflag:s22] =	ssyncset.done @!p3 $0x0  }
0xa3: {  	p1 =	sge.u32 s20, s6;
	[sflag:s22] =	ssyncadd.s32 @!p3 $0xFFFFFF80;
	s22 =	simm.s32 @!p2 $0x9  }
0xa4: {  	[tilespmem:s21], [sflag:$0x5] =	stream.indirect.gather @!p3 [hbm4b:s4+s23], $0x80, s24, s23, $0xb8;
	[tilespmem:$0x1FBC0] =	vst v63  }
0xa5: {  	p0 =	sgt.u32 s20, s6;
	s20 =	sadd.s32 @!p1 s19, s12;
	_ =	swait.ge @!p2 [sflag:s22], $0x4000  }
0xa6: {  	s19 =	sadd.s32 @!p1 s19, s11;
	s20 =	sadd.s32 @!p1 $0x20, s20;
	[sflag:s22] =	ssyncset.done @!p2 $0x0  }
0xa7: {  	s21 =	simm.s32 @!p1 $0x1F9C0;
	s23 =	simm.s32 @!p1 $0x0;
	[sflag:s22] =	ssyncadd.s32 @!p2 $0xFFFFC000  }
0xa8: {  	[tilespmem:s21], [sflag:$0x3] =	stream.linear.gather @!p1 [hbm4b:s20+s23], $0x80, $0x38;
	[tilespmem:$0x1FBC0] =	vst v63  }
0xa9: {  	s19 =	sadd.s32 @!p1 $0x20, s19;
	s22 =	simm.s32 @!p0 $0x5;
	s20 =	simm.s32 @!p1 $0x1FB40  }
0xaa: {  	[tilespmem:s20], [sflag:$0x3] =	stream.linear.gather @!p1 [hbm4b:s19+s23], $0x80, $0x38;
	[tilespmem:$0x1FBC0] =	vst v63  }
0xab: {  	_ =	swait.ge @!p0 [sflag:s22], $0x4000  }
0xac: {  	s19 =	simm.s32 @!p0 $0x178C0;
	s20 =	simm.s32 @!p0 $0x80;
	[sflag:s22] =	ssyncset.done @!p0 $0x0  }
0xad: {  	s23 =	simm.s32 @!p0 $0x1FAC0;
	[sflag:s22] =	ssyncadd.s32 @!p0 $0xFFFFC000;
	s22 =	simm.s32 @!p1 $0x3  }
0xae: {  	[spmem:s2] =	stream.indirect.scatter.add.f32 @!p0 [tilespmem:s19], [sflag:$0x8], $0x80, s23, s20, $0xb8;
	[tilespmem:$0x1FBC0] =	vst v63  }
0xaf: {  	_ =	swait.ge @!p1 [sflag:s22], $0x80  }
0xb0: {  	[sflag:s22] =	ssyncset.done @!p1 $0x0  }
0xb1: {  	[sflag:s22] =	ssyncadd.s32 @!p1 $0xFFFFFF80  }
0xb2: {  	_ =	swait.ge @!p1 [sflag:s22], $0x80  }
0xb3: {  	[sflag:s22] =	ssyncset.done @!p1 $0x0  }
0xb4: {  	s19 =	simm.s32 @!p1 $0x1B8C0;
	s20 =	simm.s32 @!p1 $0x80;
	[sflag:s22] =	ssyncadd.s32 @!p1 $0xFFFFFF80  }
0xb5: {  	[tilespmem:s19], [sflag:$0x6] =	stream.indirect.gather @!p1 [hbm4b:s4+s20], $0x80, s21, s20, $0xb8;
	[tilespmem:$0x1FBC0] =	vst v63  }
0xb6: {  	_ =	swait.ge [sflag:s16], $0x4000  }
0xb7: {  	[sflag:s16] =	ssyncset.done $0x0  }
0xb8: {  	[sflag:s16] =	ssyncadd.s32 $0xFFFFC000  }
0xb9: {  	_ =	swait.ge [sflag:s17], $0x4000  }
0xba: {  	[sflag:s17] =	ssyncset.done $0x0  }
0xbb: {  	[sflag:s17] =	ssyncadd.s32 $0xFFFFC000  }
0xbc: {  	_ =	swait.ge [sflag:s18], $0x4000  }
0xbd: {  	[sflag:s18] =	ssyncset.done $0x0  }
0xbe: {  	[sflag:s18] =	ssyncadd.s32 $0xFFFFC000  }
0xbf: {  	[bflag:$0x0] =	sbarrier.arrive $0xFFFF  }
0xc0: {  	[hbm:s8], [sflag:s7] =	dma.local [spmem:s13], $0x2700  }
0xc1: {  	_ =	swait.ge [sflag:s14], $0x2700  }
0xc2: {  	s31 =	sld [smem:$0x7FD];
	_ =	sdelay $0x1  }
0xc3: {  	s3 =	sadd.s32 $0x1, s3;
	[sflag:s14] =	ssyncset.done $0x0  }
0xc4: {  	p0 =	sne.s32 s3, s10;
	[sflag:s14] =	ssyncadd.s32 $0xFFFFD900;
	p2 =	seq.s32 s31, $0x1  }
0xc5: {  	[hbm:s9], [sflag:s7] =	dma.local @!p2 [spmem:s15], $0x100  }
.Ltmp1:
0xc6: {  	_ = 	snop;
	(pc) =	sbr.rel @p0 .LBB2_1-.Ltmp1, $4  }
0xc7: {  	s19 =	simm.s32 @!p2 $0xA  }
0xc8: {  	_ =	swait.ge @!p2 [sflag:s19], $0x100  }
0xc9: {  	[sflag:s19] =	ssyncset.done @!p2 $0x0  }
0xca: {  	[sflag:s19] =	ssyncadd.s32 @!p2 $0xFFFFFF00  }
0xcb: {  	_ =	sfence.sel $0x180000  }
0xcc: {  	[bflag:$0x0] =	sbarrier.arrive $0xFFFF  }
0xcd: {  	p0 =	sne.s32 s0, $0x0;
	_ =	strace $0x9000004D  }
0xce: {  	s0 =	sadd.s32 @!p0 $0x100000, s1;
	[bflag:$0x2] =	sbarrier.arrive $0xFFFF  }
0xcf: {  	[sflag:s0] =	ssyncadd.tile.s32 @!p0 $0x1;
	_ =	shalt  }
.Lfunc_end2:
_tile_overlayer_lowered:
.L_overlay_start_2:
0xd0: {  	(tag) =	ssettag $0x2  }
0xd1: {  	s0 =	rddreg [dreg:$0x0];
	s2 =	stileid.u32  }
0xd2: {  	s1 =	rddreg [dreg:$0x1];
	p0 =	sne.s32 s2, $0x0  }
0xd3: {  	s3 =	rddreg [dreg:$0x2];
	[bflag:$0x3] =	sbarrier.arrive $0xFFFF;
	s2 =	simm.s32 @!p0 $0x1C0A  }
0xd4: {  	[timem:s3], [sflag:s2] =	dma.local @!p0 [hbm:s0], s1  }
0xd5: {  	s0 =	simm.s32 @!p0 $0xA  }
0xd6: {  	_ =	swait.ge @!p0 [sflag:s0], s1  }
0xd7: {  	s1 =	ssub.s32 @!p0 $0x0, s1;
	[sflag:s0] =	ssyncset.done @!p0 $0x0  }
0xd8: {  	[sflag:s0] =	ssyncadd.s32 @!p0 s1  }
0xd9: {  	[bflag:$0x3] =	sbarrier.arrive $0xFFFF  }
0xda: {  	_ =	shalt  }

// kernel: kernel.9.cloned.1.call-start
scs
__scs_entry_jumppad:
0x0: {  	(pc) =	sbr.rel $0x88, $3  }
0x1: {  	(tag) =	ssettag $0x0;
	lr =	simm.s32 $0x1  }
0x2: {  	[smem:$0x3F82] =	sst lr;
	_ =	strace $0xD0000000  }
0x3: {  	_ = 	snop  }
0x4: {  	_ = 	snop  }
0x5: {  	_ = 	snop  }
0x6: {  	_ = 	snop  }
0x7: {  	_ = 	snop  }
__scs_overlays_trampoline_lowered:
0x8: {  	[smem:$0x3F91] =	sst s0  }
0x9: {  	[smem:$0x3F92] =	sst s1  }
0xa: {  	[smem:$0x3F93] =	sst s2  }
0xb: {  	[smem:$0x3F94] =	sst s3  }
0xc: {  	[smem:$0x3F95] =	sst s4  }
0xd: {  	[smem:$0x3F96] =	sst s5  }
0xe: {  	[smem:$0x3F97] =	sst s6  }
0xf: {  	[smem:$0x3F98] =	sst s7  }
0x10: {  	[smem:$0x3F99] =	sst s8  }
0x11: {  	[smem:$0x3F9A] =	sst s9;
	s0 =	simm.s32 @!p0 $0x0  }
0x12: {  	s1 =	sld [smem:$0x3F80];
	s0 =	simm.s32 @p0 $0x1  }
0x13: {  	[smem:$0x3F9B] =	sst s0;
	s0 =	simm.s32 @!p1 $0x0  }
0x14: {  	s2 =	sld [smem:$0x3F7F];
	s0 =	simm.s32 @p1 $0x1  }
0x15: {  	[smem:$0x3F9C] =	sst s0;
	s0 =	simm.s32 @!p2 $0x0  }
0x16: {  	s3 =	sld [smem:$0x3FDB];
	s0 =	simm.s32 @p2 $0x1  }
0x17: {  	s4 =	simm.s32 $0x1BF5;
	[smem:$0x3F9E] =	sst s0  }
0x18: {  	s0 =	sld [smem:$0x3F81];
	_ =	swait.ge [sflag:s4], $0x0  }
0x19: {  	s7 =	sld [smem:$0x3F82]  }
0x1a: {  	s8 =	sadd.s32 $0xFFFFE003, lr  }
0x1b: {  	s9 =	sadd.s32 $0xFFFFFEF7, lr;
	s5 =	simm.s32 $0xFFFFFFFF;
	p2 =	slt.u32 s8, $0xFFFFF086  }
0x1c: {  	p1 =	slt.u32 s9, $0xF7A;
	s5 =	simm.s32 @!p2 $0x0  }
0x1d: {  	s5 =	simm.s32 @p1 $0x1;
	p0 =	seq.s32 s7, s2  }
0x1e: {  	s7 =	smul.u32 @!p0 $0xF7A, s2;
	p2 =	seq.s32 @!p0 s5, $0x0  }
0x1f: {  	s9 =	smul.u32 $0xF7A, s1;
	s8 =	simm.s32 @!p0 $0x1BF5;
	p2 =	por !p2, p0  }
0x20: {  	[sflag:s8] =	ssyncset.s32 @!p0 $0xFFFFF086;
	s6 =	sadd.s32 @!p0 s3, s7;
	s7 =	simm.s32 @!p0 $0x108  }
0x21: {  	s3 =	sadd.s32 s3, s9;
	s6 =	sadd.s32 @!p0 $0x88, s6;
	s7 =	simm.s32 @p2 $0x1082  }
0x22: {  	[simem:s7], [sflag:s8] =	dma.local @!p0 [hbm:s6], $0xF7A  }
0x23: {  	s9 =	sor.u32 $0xD0000000, s2;
	s6 =	simm.s32 $0x108;
	_ =	swait.ge @!p0 [sflag:s8], $0x0  }
0x24: {  	s3 =	sadd.s32 $0x88, s3;
	s6 =	simm.s32 @!p1 $0x1082;
	[sflag:s4] =	ssyncset.s32 $0xFFFFF086  }
0x25: {  	[simem:s6], [sflag:s4] =	dma.local [hbm:s3], $0xF7A  }
0x26: {  	[smem:$0x3F82] =	sst s1;
	(tag) =	ssettag s2;
	_ =	strace s9  }
0x27: {  	s1 =	sld [smem:$0x3F92]  }
0x28: {  	s2 =	sld [smem:$0x3F93]  }
0x29: {  	s4 =	sld [smem:$0x3F95]  }
0x2a: {  	p0 =	seq.s32 s5, $0x0;
	s5 =	sld [smem:$0x3F96]  }
0x2b: {  	s6 =	sld [smem:$0x3F97]  }
0x2c: {  	s7 =	sld [smem:$0x3F98]  }
0x2d: {  	s3 =	simm.s32 $0x108;
	s8 =	sld [smem:$0x3F99]  }
0x2e: {  	s3 =	simm.s32 @!p0 $0x1082;
	s9 =	sld [smem:$0x3F9A]  }
0x2f: {  	lr =	sadd.s32 s0, s3;
	s0 =	sld [smem:$0x3F91]  }
0x30: {  	s3 =	sld [smem:$0x3F94]  }
0x31: {  	[smem:$0x3F9D] =	sst s10  }
0x32: {  	s10 =	sld [smem:$0x3F9B];
	_ =	sdelay $0x3  }
0x33: {  	p0 =	seq.s32 s10, $0x1;
	s10 =	sld [smem:$0x3F9D];
	_ =	sdelay $0x3  }
0x34: {  	[smem:$0x3F9D] =	sst s10  }
0x35: {  	s10 =	sld [smem:$0x3F9C];
	_ =	sdelay $0x3  }
0x36: {  	p1 =	seq.s32 s10, $0x1;
	s10 =	sld [smem:$0x3F9D];
	_ =	sdelay $0x3  }
0x37: {  	[smem:$0x3F9D] =	sst s10  }
0x38: {  	s10 =	sld [smem:$0x3F9E]  }
0x39: {  	_ = 	snop;
	(pc) =	sbr.ind lr, $3  }
0x3a: {  	_ = 	snop  }
0x3b: {  	_ = 	snop  }
0x3c: {  	p2 =	seq.s32 s10, $0x1;
	s10 =	sld [smem:$0x3F9D]  }
0x3d: {  	_ =	shalt  }
0x3e: {  	_ =	shalt  }
0x3f: {  	_ =	shalt  }
0x40: {  	_ =	shalt  }
0x41: {  	_ =	shalt  }
0x42: {  	_ =	shalt  }
0x43: {  	_ =	shalt  }
0x44: {  	_ =	shalt  }
0x45: {  	_ =	shalt  }
0x46: {  	_ =	shalt  }
0x47: {  	_ =	shalt  }
0x48: {  	_ =	shalt  }
0x49: {  	_ =	shalt  }
0x4a: {  	_ =	shalt  }
0x4b: {  	_ =	shalt  }
0x4c: {  	_ =	shalt  }
0x4d: {  	_ =	shalt  }
0x4e: {  	_ =	shalt  }
0x4f: {  	_ =	shalt  }
0x50: {  	_ =	shalt  }
0x51: {  	_ =	shalt  }
0x52: {  	_ =	shalt  }
0x53: {  	_ =	shalt  }
0x54: {  	_ =	shalt  }
0x55: {  	_ =	shalt  }
0x56: {  	_ =	shalt  }
0x57: {  	_ =	shalt  }
0x58: {  	_ =	shalt  }
0x59: {  	_ =	shalt  }
0x5a: {  	_ =	shalt  }
0x5b: {  	_ =	shalt  }
0x5c: {  	_ =	shalt  }
0x5d: {  	_ =	shalt  }
0x5e: {  	_ =	shalt  }
0x5f: {  	_ =	shalt  }
0x60: {  	_ =	shalt  }
0x61: {  	_ =	shalt  }
0x62: {  	_ =	shalt  }
0x63: {  	_ =	shalt  }
0x64: {  	_ =	shalt  }
0x65: {  	_ =	shalt  }
0x66: {  	_ =	shalt  }
0x67: {  	_ =	shalt  }
0x68: {  	_ =	shalt  }
0x69: {  	_ =	shalt  }
0x6a: {  	_ =	shalt  }
0x6b: {  	_ =	shalt  }
0x6c: {  	_ =	shalt  }
0x6d: {  	_ =	shalt  }
0x6e: {  	_ =	shalt  }
0x6f: {  	_ =	shalt  }
0x70: {  	_ =	shalt  }
0x71: {  	_ =	shalt  }
0x72: {  	_ =	shalt  }
0x73: {  	_ =	shalt  }
0x74: {  	_ =	shalt  }
0x75: {  	_ =	shalt  }
0x76: {  	_ =	shalt  }
0x77: {  	_ =	shalt  }
0x78: {  	_ =	shalt  }
0x79: {  	_ =	shalt  }
0x7a: {  	_ =	shalt  }
0x7b: {  	_ =	shalt  }
0x7c: {  	_ =	shalt  }
0x7d: {  	_ =	shalt  }
0x7e: {  	_ =	shalt  }
0x7f: {  	_ =	shalt  }
0x80: {  	_ =	shalt  }
0x81: {  	_ =	shalt  }
0x82: {  	_ =	shalt  }
0x83: {  	_ =	shalt  }
0x84: {  	_ =	shalt  }
0x85: {  	_ =	shalt  }
0x86: {  	_ =	shalt  }
0x87: {  	_ =	shalt  }
.Lfunc_end0:
.L_simem_size_0:
called_computation_lowered:
.L_overlay_start_0:
0x88: {  	s2 =	sld [smem:$0x3FD9]  }
0x89: {  	s3 =	sld [smem:$0x3FFE];
	_ =	sdelay $0x1  }
0x8a: {  	s1 =	srdreg.scid  }
0x8b: {  	s0 =	sand.u32 $0x1, s1  }
0x8c: {  	s17 =	sshll.u32 s0, $0xA;
	s2 =	sadd.s32 s3, s2  }
0x8d: {  	s2 =	sadd.s32 s2, s17  }
0x8e: {  	[smem:$0x3FA9] =	sst s2  }
0x8f: {  	_ = 	snop  }
0x90: {  	s2 =	sld [smem:$0x3FC9];
	(tm) =	ssettm $0x1  }
0x91: {  	s18 =	sld [smem:$0x3FFB];
	_ =	sdelay $0x3  }
0x92: {  	_ =	strace s18  }
0x93: {  	s3 =	sld [smem:$0x3FFC];
	_ =	sdelay $0x3  }
0x94: {  	_ =	strace s3  }
0x95: {  	s3 =	sld [smem:$0x3FFD];
	_ =	sdelay $0x3  }
0x96: {  	_ =	strace s3  }
0x97: {  	_ =	strace $0x8FFFFFFF  }
0x98: {  	s19 =	sld [smem:$0x3FDB];
	_ =	sdelay $0x1  }
0x99: {  	s4 =	simm.s32 $_scs_section_size  }
0x9a: {  	s5 =	simm.s32 $_size__tile_overlayer_lowered;
	s6 =	simm.s32 $_tile_overlayer_lowered  }
0x9b: {  	s22 =	simm.s32 $0x1BFF;
	s21 =	sshll.u32 s6, $0x1;
	s3 =	sadd.s32 s4, s19  }
0x9c: {  	s7 =	simm.s32 $0x0;
	s20 =	sshll.u32 s5, $0x1;
	s5 =	sadd.s32 s21, s3  }
0x9d: {  	[timem:s7], [sflag:s22] =	dma.local [hbm:s5], s20  }
0x9e: {  	_ =	swait.ge [sflag:s22], s20  }
0x9f: {  	s4 =	ssub.s32 $0x0, s20;
	[sflag:s22] =	ssyncset.done $0x0  }
0xa0: {  	[sflag:s22] =	ssyncadd.s32 s4;
	_ =	sdelay $0x1  }
0xa1: {  	s23 =	simm.s32 $0x1B8B  }
0xa2: {  	_ =	swait.ge [sflag:s23], $0x1  }
0xa3: {  	[sflag:s23] =	ssyncset.done $0x0  }
0xa4: {  	s25 =	simm.s32 $0x1B8E;
	s24 =	sld [smem:$0x3FFE];
	[sflag:s23] =	ssyncadd.s32 $0xFFFFFFFF  }
0xa5: {  	s26 =	simm.s32 $execute0_lowered;
	[smem:$0x3FD2] =	sst s25  }
0xa6: {  	s5 =	sshll.u32 s26, $0x1;
	_ =	strace $0x80000046;
	[dreg:$0x1] =	wrdreg $0xFFFFFFFF  }
0xa7: {  	s28 =	simm.s32 $_size_execute0_lowered;
	s3 =	sadd.s32 s3, s5;
	[dreg:$0x0] =	wrdreg $0x0  }
0xa8: {  	s5 =	sshll.u32 s28, $0x1;
	[dreg:$0x2] =	wrdreg s3  }
0xa9: {  	[dreg:$0x3] =	wrdreg s5  }
0xaa: {  	[dreg:$0x4] =	wrdreg $0xC0  }
0xab: {  	_ =	task [dreg:s7], $0x5FFFF  }
0xac: {  	[dreg:$0x1] =	wrdreg $0xFFFFFFFF  }
0xad: {  	[dreg:$0x0] =	wrdreg $0x60  }
0xae: {  	[dreg:$0x2] =	wrdreg s2  }
0xaf: {  	[dreg:$0x3] =	wrdreg s24  }
0xb0: {  	[dreg:$0x4] =	wrdreg $0x0  }
0xb1: {  	[dreg:$0x5] =	wrdreg $0x9  }
0xb2: {  	_ =	task.clear_ibuf [dreg:s7], $0x6FFFF;
	_ =	strace $0x90000046  }
0xb3: {  	s29 =	simm.s32 $0x9;
	_ =	strace $0x80000048  }
0xb4: {  	_ =	swait.ge [sflag:s29], $0x1  }
0xb5: {  	[sflag:s29] =	ssyncadd.s32 $0xFFFFFFFF  }
0xb6: {  	_ =	strace $0x90000048  }
0xb7: {  	_ =	sfence  }
0xb8: {  	s30 =	sld [smem:$0x0];
	_ =	sdelay $0x2  }
0xb9: {  	s31 =	sshll.u32 s1, $0xD;
	s1 =	sshrl.u32 s1, $0x2  }
0xba: {  	s3 =	sand.u32 $0x4000, s31;
	s1 =	sadd.s32 s1, s30  }
0xbb: {  	s0 =	sor.u32 s3, s0;
	s1 =	sshll.u32 s1, $0x11  }
0xbc: {  	s0 =	sor.u32 s1, s0  }
0xbd: {  	s0 =	sadd.s32 $0x8F2B, s0  }
0xbe: {  	[sflag:s0] =	ssyncadd.remote.s32 $0x1  }
0xbf: {  	_ =	sfence.sel $0xFFFF  }
0xc0: {  	[dreg:$0x0] =	wrdreg $0xFFFFFFFF;
	(pc) =	sbr.abs _section_cstart, $3  }
0xc1: {  	[dreg:$0x1] =	wrdreg $0xFFFFFFFF  }
0xc2: {  	_ =	task.clear_ibuf [dreg:s7], $0x2FFFF;
	_ =	strace $0x9FFFFFFF  }
0xc3: {  	(tm) =	ssettm $0x7FFFFFFF  }
tec
execute0_lowered:
.L_overlay_start_1:
0x0: {  	(tag) =	ssettag $0x1  }
0x1: {  	s1 =	rddreg [dreg:$0x0]  }
0x2: {  	s6 =	rddreg [dreg:$0x1];
	s0 =	stileid.u32  }
0x3: {  	s2 =	srdreg.scid;
	s3 =	rddreg [dreg:$0x2];
	s17 =	simm.s32 $0x8  }
0x4: {  	s18 =	simm.s32 $0x9;
	s4 =	smul.u32 $0x7D, s0;
	s7 =	sand.u32 $0x1, s2  }
0x5: {  	s5 =	sshll.u32 s0, $0x5;
	s2 =	rddreg [dreg:$0x3];
	s10 =	smul.u32 $0x2700, s0  }
0x6: {  	s30 =	sadd.s32 $0x1BA00, s6;
	s13 =	smul.u32 $0x4E000, s0;
	s14 =	sshll.u32 s0, $0x6  }
0x7: {  	s16 =	sadd.s32 $0x138000, s3;
	p2 =	sne.s32 s0, $0xF;
	s31 =	smul.u32 $0x138800, s7  }
0x8: {  	p0 =	seq.s32 s7, $0x0;
	s9 =	ssub.s32 $0x2, s7;
	s15 =	smul.u32 $0x27100, s7  }
0x9: {  	s7 =	sor.u32 $0x1C0A, s14;
	s14 =	simm.s32 $0xA;
	s19 =	simm.s32 @!p2 $0x0  }
0xa: {  	s8 =	sadd.s32 $0x200, s4;
	s4 =	simm.s32 $0x0;
	s11 =	sshrl.u32 s9, $0x1  }
0xb: {  	s13 =	sshrl.u32 s13, $0x2;
	s19 =	simm.s32 @p2 $0x1;
	s8 =	smov.u32 @p0 s5  }
0xc: {  	[smem:$0x7FF] =	sst s4;
	s11 =	ssub.s32 s9, s11;
	s13 =	sadd.s32 s13, s3  }
0xd: {  	s9 =	sshrl.u32 s31, $0x3;
	s10 =	sadd.s32 s10, s15;
	s15 =	sshrl.u32 @!p2 s16, $0x3  }
0xe: {  	s16 =	simm.s32 $0x7;
	s5 =	sshll.u32 s8, $0x4;
	_ =	strace $0x80000047  }
0xf: {  	s9 =	sadd.s32 s30, s9;
	s8 =	sadd.s32 s30, s10;
	s10 =	smax.u32 s11, $0x1  }
0x10: {  	s13 =	sshrl.u32 s13, $0x3;
	[smem:$0x7FD] =	sst s19;
	s12 =	sadd.s32 s5, s6  }
0x11: {  	s5 =	sadd.s32 $0x19200, s6;
	s6 =	simm.s32 $0x20;
	s9 =	sadd.s32 $0x27000, s9  }
0x12: {  	s6 =	simm.s32 @!p0 $0x7D;
	s11 =	sadd.s32 $0xF400, s12;
	s12 =	sadd.s32 $0x5600, s12  }
.LBB2_1:
0x13: {  	[spmem:s13], [sflag:s7] =	dma.local [hbm:s5], $0x2700  }
0x14: {  	_ =	swait.ge [sflag:s14], $0x2700  }
0x15: {  	[sflag:s14] =	ssyncset.done $0x0  }
0x16: {  	s19 =	simm.s32 @!p2 $0xA;
	[sflag:s14] =	ssyncadd.s32 $0xFFFFD900  }
0x17: {  	[spmem:s15], [sflag:s7] =	dma.local @!p2 [hbm:s5], $0x100  }
0x18: {  	p1 =	por $0x1, $0x1;
	_ =	swait.ge @!p2 [sflag:s19], $0x100  }
0x19: {  	p0 =	sle.u32 @!p1 s6, $0x0;
	[sflag:s19] =	ssyncset.done @!p2 $0x0  }
0x1a: {  	p3 =	por p0, p1;
	[sflag:s19] =	ssyncadd.s32 @!p2 $0xFFFFFF00  }
0x1b: {  	s19 =	simm.s32 @!p3 $0x7;
	[bflag:$0x0] =	sbarrier.arrive $0xFFFF  }
0x1c: {  	p0 =	slt.u32 @!p1 s6, $0x0;
	p2 =	sle.u32 s6, $0x0;
	_ =	swait.ge @!p3 [sflag:s19], $0x4000  }
0x1d: {  	p0 =	por p0, p1;
	s20 =	sadd.s32 @!p2 $0x0, s12;
	[sflag:s19] =	ssyncset.done @!p3 $0x0  }
0x1e: {  	s21 =	simm.s32 @!p2 $0x1F8C0;
	[sflag:s19] =	ssyncadd.s32 @!p3 $0xFFFFC000;
	s19 =	simm.s32 @!p2 $0x0  }
0x1f: {  	[tilespmem:s21], [sflag:$0x1] =	stream.linear.gather @!p2 [hbm4b:s20+s19], $0x80, $0x38;
	[tilespmem:$0x1FBC0] =	vst v63  }
0x20: {  	s23 =	simm.s32 @!p0 $0x6;
	s22 =	sadd.s32 @!p2 $0x0, s11;
	s20 =	simm.s32 @!p2 $0x1FA40  }
0x21: {  	[tilespmem:s20], [sflag:$0x1] =	stream.linear.gather @!p2 [hbm4b:s22+s19], $0x80, $0x38;
	[tilespmem:$0x1FBC0] =	vst v63  }
0x22: {  	_ =	swait.ge @!p0 [sflag:s23], $0x4000  }
0x23: {  	s24 =	simm.s32 @!p0 $0x1B8C0;
	s19 =	simm.s32 @!p0 $0x80;
	[sflag:s23] =	ssyncset.done @!p0 $0x0  }
0x24: {  	s22 =	simm.s32 @!p0 $0x1FB40;
	[sflag:s23] =	ssyncadd.s32 @!p0 $0xFFFFC000;
	s23 =	simm.s32 @!p2 $0x1  }
0x25: {  	[spmem:s3] =	stream.indirect.scatter.add.f32 @!p0 [tilespmem:s24], [sflag:$0x9], $0x80, s22, s19, $0xb8;
	[tilespmem:$0x1FBC0] =	vst v63  }
0x26: {  	_ =	swait.ge @!p2 [sflag:s23], $0x80  }
0x27: {  	[sflag:s23] =	ssyncset.done @!p2 $0x0  }
0x28: {  	[sflag:s23] =	ssyncadd.s32 @!p2 $0xFFFFFF80  }
0x29: {  	p4 =	sle.u32 s6, $0x1;
	p0 =	sle.u32 @!p1 s6, $0x1;
	_ =	swait.ge @!p2 [sflag:s23], $0x80  }
0x2a: {  	s19 =	simm.s32 @!p2 $0x80;
	p0 =	por p0, p1;
	[sflag:s23] =	ssyncset.done @!p2 $0x0  }
0x2b: {  	s22 =	simm.s32 @!p2 $0x138C0;
	[sflag:s23] =	ssyncadd.s32 @!p2 $0xFFFFFF80;
	s23 =	simm.s32 @!p0 $0x8  }
0x2c: {  	[tilespmem:s22], [sflag:$0x4] =	stream.indirect.gather @!p2 [hbm4b:s1+s19], $0x80, s21, s19, $0xb8;
	[tilespmem:$0x1FBC0] =	vst v63  }
0x2d: {  	s25 =	simm.s32 @!p4 $0x0;
	_ =	swait.ge @!p0 [sflag:s23], $0x4000  }
0x2e: {  	s24 =	simm.s32 @!p4 $0x1F940;
	s21 =	sadd.s32 @!p4 $0x0, s12;
	[sflag:s23] =	ssyncset.done @!p0 $0x0  }
0x2f: {  	s21 =	sadd.s32 @!p4 $0x10, s21;
	[sflag:s23] =	ssyncadd.s32 @!p0 $0xFFFFC000;
	s23 =	sadd.s32 @!p4 $0x0, s11  }
0x30: {  	[tilespmem:s24], [sflag:$0x2] =	stream.linear.gather @!p4 [hbm4b:s21+s25], $0x80, $0x38;
	[tilespmem:$0x1FBC0] =	vst v63  }
0x31: {  	s26 =	simm.s32 @!p2 $0x4;
	s21 =	simm.s32 @!p4 $0x1FAC0;
	s23 =	sadd.s32 @!p4 $0x10, s23  }
0x32: {  	[tilespmem:s21], [sflag:$0x2] =	stream.linear.gather @!p4 [hbm4b:s23+s25], $0x80, $0x38;
	[tilespmem:$0x1FBC0] =	vst v63  }
0x33: {  	_ =	swait.ge @!p2 [sflag:s26], $0x4000  }
0x34: {  	[sflag:s26] =	ssyncset.done @!p2 $0x0  }
0x35: {  	s21 =	simm.s32 @!p4 $0x2;
	[sflag:s26] =	ssyncadd.s32 @!p2 $0xFFFFC000  }
0x36: {  	[spmem:s3] =	stream.indirect.scatter.add.f32 @!p2 [tilespmem:s22], [sflag:$0x7], $0x80, s20, s19, $0xb8;
	[tilespmem:$0x1FBC0] =	vst v63  }
0x37: {  	_ =	swait.ge @!p4 [sflag:s21], $0x80  }
0x38: {  	[sflag:s21] =	ssyncset.done @!p4 $0x0  }
0x39: {  	[sflag:s21] =	ssyncadd.s32 @!p4 $0xFFFFFF80  }
0x3a: {  	p3 =	sle.u32 s6, $0x2;
	p0 =	sle.u32 @!p1 s6, $0x2;
	_ =	swait.ge @!p4 [sflag:s21], $0x80  }
0x3b: {  	p1 =	por p0, p1;
	s19 =	simm.s32 @!p4 $0x178C0;
	[sflag:s21] =	ssyncset.done @!p4 $0x0  }
0x3c: {  	s20 =	simm.s32 @!p4 $0x80;
	[sflag:s21] =	ssyncadd.s32 @!p4 $0xFFFFFF80;
	s21 =	simm.s32 @!p1 $0x9  }
0x3d: {  	[tilespmem:s19], [sflag:$0x5] =	stream.indirect.gather @!p4 [hbm4b:s1+s20], $0x80, s24, s20, $0xb8;
	[tilespmem:$0x1FBC0] =	vst v63  }
0x3e: {  	p0 =	slt.u32 s6, $0x2;
	s19 =	sadd.s32 @!p3 $0x0, s12;
	_ =	swait.ge @!p1 [sflag:s21], $0x4000  }
0x3f: {  	s24 =	simm.s32 @!p3 $0x1F9C0;
	s20 =	simm.s32 @!p3 $0x0;
	[sflag:s21] =	ssyncset.done @!p1 $0x0  }
0x40: {  	s19 =	sadd.s32 @!p3 $0x20, s19;
	[sflag:s21] =	ssyncadd.s32 @!p1 $0xFFFFC000;
	s21 =	sadd.s32 @!p3 $0x0, s11  }
0x41: {  	[tilespmem:s24], [sflag:$0x3] =	stream.linear.gather @!p3 [hbm4b:s19+s20], $0x80, $0x38;
	[tilespmem:$0x1FBC0] =	vst v63  }
0x42: {  	s22 =	simm.s32 @!p0 $0x5;
	s19 =	simm.s32 @!p3 $0x1FB40;
	s21 =	sadd.s32 @!p3 $0x20, s21  }
0x43: {  	[tilespmem:s19], [sflag:$0x3] =	stream.linear.gather @!p3 [hbm4b:s21+s20], $0x80, $0x38;
	[tilespmem:$0x1FBC0] =	vst v63  }
0x44: {  	s28 =	simm.s32 @!p3 $0x80;
	s25 =	simm.s32 @!p0 $0x80;
	_ =	swait.ge @!p0 [sflag:s22], $0x4000  }
0x45: {  	s23 =	simm.s32 @!p3 $0x3;
	s26 =	simm.s32 @!p0 $0x1FAC0;
	[sflag:s22] =	ssyncset.done @!p0 $0x0  }
0x46: {  	p1 =	por $0x0, $0x0;
	s20 =	simm.s32 @!p0 $0x178C0;
	[sflag:s22] =	ssyncadd.s32 @!p0 $0xFFFFC000  }
0x47: {  	[spmem:s3] =	stream.indirect.scatter.add.f32 @!p0 [tilespmem:s20], [sflag:$0x8], $0x80, s26, s25, $0xb8;
	[tilespmem:$0x1FBC0] =	vst v63  }
0x48: {  	p2 =	sle.u32 @!p1 s6, $0x3;
	p5 =	sle.u32 @!p1 s6, $0x4;
	_ =	swait.ge @!p3 [sflag:s23], $0x80  }
0x49: {  	p6 =	por p2, p1;
	s19 =	simm.s32 $0x30;
	[sflag:s23] =	ssyncset.done @!p3 $0x0  }
0x4a: {  	s21 =	simm.s32 $0x60;
	s22 =	simm.s32 $0x4;
	[sflag:s23] =	ssyncadd.s32 @!p3 $0xFFFFFF80  }
0x4b: {  	s20 =	simm.s32 $0x5;
	s25 =	simm.s32 @!p3 $0x1B8C0;
	_ =	swait.ge @!p3 [sflag:s23], $0x80  }
0x4c: {  	s26 =	simm.s32 $0x3;
	p0 =	slt.u32 @!p1 s6, $0x3;
	[sflag:s23] =	ssyncset.done @!p3 $0x0  }
.LBB2_2:
0x4d: {  	s29 =	simm.s32 @!p6 $0x7  }
0x4e: {  	p4 =	sge.u32 @!p1 s20, s6;
	[sflag:s23] =	ssyncadd.s32 @!p3 $0xFFFFFF80;
	s23 =	smov.u32 s21  }
0x4f: {  	[tilespmem:s25], [sflag:$0x6] =	stream.indirect.gather @!p3 [hbm4b:s1+s28], $0x80, s24, s28, $0xb8;
	[tilespmem:$0x1FBC0] =	vst v63  }
0x50: {  	p0 =	por p0, p1;
	p3 =	sge.u32 s26, s6;
	_ =	swait.ge @!p6 [sflag:s29], $0x4000  }
0x51: {  	s25 =	sadd.s32 @!p3 s19, s12;
	s24 =	simm.s32 @!p3 $0x1FA40;
	[sflag:s29] =	ssyncset.done @!p6 $0x0  }
0x52: {  	s26 =	simm.s32 @!p3 $0x0;
	s28 =	simm.s32 @!p3 $0x1F8C0;
	[sflag:s29] =	ssyncadd.s32 @!p6 $0xFFFFC000  }
0x53: {  	[tilespmem:s28], [sflag:$0x1] =	stream.linear.gather @!p3 [hbm4b:s25+s26], $0x80, $0x38;
	[tilespmem:$0x1FBC0] =	vst v63  }
0x54: {  	s21 =	sadd.s32 $0x30, s21;
	s29 =	simm.s32 @!p0 $0x6;
	s25 =	sadd.s32 @!p3 s19, s11  }
0x55: {  	[tilespmem:s24], [sflag:$0x1] =	stream.linear.gather @!p3 [hbm4b:s25+s26], $0x80, $0x38;
	[tilespmem:$0x1FBC0] =	vst v63  }
0x56: {  	p2 =	sne.s32 s21, $0x7E0;
	s25 =	simm.s32 @!p0 $0x80;
	_ =	swait.ge @!p0 [sflag:s29], $0x4000  }
0x57: {  	s30 =	simm.s32 @!p0 $0x1B8C0;
	s26 =	simm.s32 @!p0 $0x1FB40;
	[sflag:s29] =	ssyncset.done @!p0 $0x0  }
0x58: {  	[sflag:s29] =	ssyncadd.s32 @!p0 $0xFFFFC000;
	s29 =	simm.s32 @!p3 $0x1  }
0x59: {  	[spmem:s3] =	stream.indirect.scatter.add.f32 @!p0 [tilespmem:s30], [sflag:$0x9], $0x80, s26, s25, $0xb8;
	[tilespmem:$0x1FBC0] =	vst v63  }
0x5a: {  	_ =	swait.ge @!p3 [sflag:s29], $0x80  }
0x5b: {  	[sflag:s29] =	ssyncset.done @!p3 $0x0  }
0x5c: {  	[sflag:s29] =	ssyncadd.s32 @!p3 $0xFFFFFF80  }
0x5d: {  	p0 =	por p5, p1;
	_ =	swait.ge @!p3 [sflag:s29], $0x80  }
0x5e: {  	s25 =	simm.s32 @!p3 $0x80;
	s26 =	simm.s32 @!p3 $0x138C0;
	[sflag:s29] =	ssyncset.done @!p3 $0x0  }
0x5f: {  	p5 =	sge.u32 s22, s6;
	[sflag:s29] =	ssyncadd.s32 @!p3 $0xFFFFFF80;
	s29 =	simm.s32 @!p0 $0x8  }
0x60: {  	[tilespmem:s26], [sflag:$0x4] =	stream.indirect.gather @!p3 [hbm4b:s1+s25], $0x80, s28, s25, $0xb8;
	[tilespmem:$0x1FBC0] =	vst v63  }
0x61: {  	s22 =	sadd.s32 @!p5 s19, s12;
	s28 =	simm.s32 @!p5 $0x1F940;
	_ =	swait.ge @!p0 [sflag:s29], $0x4000  }
0x62: {  	s30 =	simm.s32 @!p5 $0x0;
	s22 =	sadd.s32 @!p5 $0x10, s22;
	[sflag:s29] =	ssyncset.done @!p0 $0x0  }
0x63: {  	s31 =	simm.s32 @!p5 $0x1FAC0;
	[sflag:s29] =	ssyncadd.s32 @!p0 $0xFFFFC000;
	s29 =	sadd.s32 @!p5 s19, s11  }
0x64: {  	[tilespmem:s28], [sflag:$0x2] =	stream.linear.gather @!p5 [hbm4b:s22+s30], $0x80, $0x38;
	[tilespmem:$0x1FBC0] =	vst v63  }
0x65: {  	s22 =	sadd.s32 @!p5 $0x10, s29;
	s29 =	simm.s32 @!p3 $0x4  }
0x66: {  	[tilespmem:s31], [sflag:$0x2] =	stream.linear.gather @!p5 [hbm4b:s22+s30], $0x80, $0x38;
	[tilespmem:$0x1FBC0] =	vst v63  }
0x67: {  	_ =	swait.ge @!p3 [sflag:s29], $0x4000  }
0x68: {  	[sflag:s29] =	ssyncset.done @!p3 $0x0  }
0x69: {  	s22 =	simm.s32 @!p5 $0x2;
	[sflag:s29] =	ssyncadd.s32 @!p3 $0xFFFFC000  }
0x6a: {  	[spmem:s3] =	stream.indirect.scatter.add.f32 @!p3 [tilespmem:s26], [sflag:$0x7], $0x80, s24, s25, $0xb8;
	[tilespmem:$0x1FBC0] =	vst v63  }
0x6b: {  	_ =	swait.ge @!p5 [sflag:s22], $0x80  }
0x6c: {  	[sflag:s22] =	ssyncset.done @!p5 $0x0  }
0x6d: {  	[sflag:s22] =	ssyncadd.s32 @!p5 $0xFFFFFF80  }
0x6e: {  	p6 =	sgt.u32 s20, s6;
	s24 =	simm.s32 @!p5 $0x178C0;
	_ =	swait.ge @!p5 [sflag:s22], $0x80  }
0x6f: {  	p0 =	por p4, p1;
	s25 =	simm.s32 @!p5 $0x80;
	[sflag:s22] =	ssyncset.done @!p5 $0x0  }
0x70: {  	p3 =	sge.u32 s20, s6;
	[sflag:s22] =	ssyncadd.s32 @!p5 $0xFFFFFF80;
	s22 =	simm.s32 @!p0 $0x9  }
0x71: {  	[tilespmem:s24], [sflag:$0x5] =	stream.indirect.gather @!p5 [hbm4b:s1+s25], $0x80, s28, s25, $0xb8;
	[tilespmem:$0x1FBC0] =	vst v63  }
0x72: {  	s25 =	sadd.s32 @!p3 s19, s12;
	s24 =	simm.s32 @!p3 $0x1F9C0;
	_ =	swait.ge @!p0 [sflag:s22], $0x4000  }
0x73: {  	s26 =	simm.s32 @!p3 $0x0;
	s25 =	sadd.s32 @!p3 $0x20, s25;
	[sflag:s22] =	ssyncset.done @!p0 $0x0  }
0x74: {  	s19 =	sadd.s32 @!p3 s19, s11;
	[sflag:s22] =	ssyncadd.s32 @!p0 $0xFFFFC000;
	s22 =	simm.s32 @!p3 $0x1FB40  }
0x75: {  	[tilespmem:s24], [sflag:$0x3] =	stream.linear.gather @!p3 [hbm4b:s25+s26], $0x80, $0x38;
	[tilespmem:$0x1FBC0] =	vst v63  }
0x76: {  	s28 =	simm.s32 @!p6 $0x5;
	s25 =	sadd.s32 @!p3 $0x20, s19;
	s19 =	smov.u32 s23  }
0x77: {  	[tilespmem:s22], [sflag:$0x3] =	stream.linear.gather @!p3 [hbm4b:s25+s26], $0x80, $0x38;
	[tilespmem:$0x1FBC0] =	vst v63  }
0x78: {  	s22 =	simm.s32 @!p6 $0x178C0;
	_ =	swait.ge @!p6 [sflag:s28], $0x4000  }
0x79: {  	s25 =	simm.s32 @!p6 $0x80;
	s26 =	simm.s32 @!p6 $0x1FAC0;
	[sflag:s28] =	ssyncset.done @!p6 $0x0  }
0x7a: {  	s20 =	sadd.s32 $0x3, s20;
	s23 =	simm.s32 @!p3 $0x3;
	[sflag:s28] =	ssyncadd.s32 @!p6 $0xFFFFC000  }
0x7b: {  	[spmem:s3] =	stream.indirect.scatter.add.f32 @!p6 [tilespmem:s22], [sflag:$0x8], $0x80, s26, s25, $0xb8;
	[tilespmem:$0x1FBC0] =	vst v63  }
.Ltmp0:
0x7c: {  	s25 =	simm.s32 @!p3 $0x1B8C0;
	_ =	swait.ge @!p3 [sflag:s23], $0x80;
	(pc) =	sbr.rel @p2 .LBB2_2-.Ltmp0, $4  }
0x7d: {  	s28 =	simm.s32 @!p3 $0x80;
	s22 =	sadd.s32 $0xFFFFFFFF, s20;
	[sflag:s23] =	ssyncset.done @!p3 $0x0  }
0x7e: {  	p1 =	seq.s32 s19, $0x0;
	s26 =	sadd.s32 $0xFFFFFFFE, s20;
	[sflag:s23] =	ssyncadd.s32 @!p3 $0xFFFFFF80  }
0x7f: {  	p4 =	sge.u32 @!p1 s26, s6;
	p0 =	sgt.u32 @!p1 s26, s6;
	_ =	swait.ge @!p3 [sflag:s23], $0x80  }
0x80: {  	p5 =	sge.u32 @!p1 s22, s6;
	p6 =	por p4, p1;
	[sflag:s23] =	ssyncset.done @!p3 $0x0  }
0x81: {  	s21 =	simm.s32 @!p6 $0x7;
	[sflag:s23] =	ssyncadd.s32 @!p3 $0xFFFFFF80  }
0x82: {  	[tilespmem:s25], [sflag:$0x6] =	stream.indirect.gather @!p3 [hbm4b:s1+s28], $0x80, s24, s28, $0xb8;
	[tilespmem:$0x1FBC0] =	vst v63  }
0x83: {  	p2 =	sge.u32 s26, s6;
	_ =	swait.ge @!p6 [sflag:s21], $0x4000  }
0x84: {  	p0 =	por p0, p1;
	s23 =	sadd.s32 @!p2 s19, s12;
	[sflag:s21] =	ssyncset.done @!p6 $0x0  }
0x85: {  	s24 =	simm.s32 @!p2 $0x1F8C0;
	[sflag:s21] =	ssyncadd.s32 @!p6 $0xFFFFC000;
	s21 =	simm.s32 @!p2 $0x0  }
0x86: {  	[tilespmem:s24], [sflag:$0x1] =	stream.linear.gather @!p2 [hbm4b:s23+s21], $0x80, $0x38;
	[tilespmem:$0x1FBC0] =	vst v63  }
0x87: {  	s25 =	sadd.s32 @!p2 s19, s11;
	s26 =	simm.s32 @!p0 $0x6;
	s23 =	simm.s32 @!p2 $0x1FA40  }
0x88: {  	[tilespmem:s23], [sflag:$0x1] =	stream.linear.gather @!p2 [hbm4b:s25+s21], $0x80, $0x38;
	[tilespmem:$0x1FBC0] =	vst v63  }
0x89: {  	_ =	swait.ge @!p0 [sflag:s26], $0x4000  }
0x8a: {  	s28 =	simm.s32 @!p0 $0x1B8C0;
	s21 =	simm.s32 @!p0 $0x80;
	[sflag:s26] =	ssyncset.done @!p0 $0x0  }
0x8b: {  	s25 =	simm.s32 @!p0 $0x1FB40;
	[sflag:s26] =	ssyncadd.s32 @!p0 $0xFFFFC000;
	s26 =	simm.s32 @!p2 $0x1  }
0x8c: {  	[spmem:s3] =	stream.indirect.scatter.add.f32 @!p0 [tilespmem:s28], [sflag:$0x9], $0x80, s25, s21, $0xb8;
	[tilespmem:$0x1FBC0] =	vst v63  }
0x8d: {  	_ =	swait.ge @!p2 [sflag:s26], $0x80  }
0x8e: {  	[sflag:s26] =	ssyncset.done @!p2 $0x0  }
0x8f: {  	[sflag:s26] =	ssyncadd.s32 @!p2 $0xFFFFFF80  }
0x90: {  	p3 =	sge.u32 s22, s6;
	_ =	swait.ge @!p2 [sflag:s26], $0x80  }
0x91: {  	p0 =	por p5, p1;
	s21 =	simm.s32 @!p2 $0x80;
	[sflag:s26] =	ssyncset.done @!p2 $0x0  }
0x92: {  	s25 =	simm.s32 @!p2 $0x138C0;
	[sflag:s26] =	ssyncadd.s32 @!p2 $0xFFFFFF80;
	s26 =	simm.s32 @!p0 $0x8  }
0x93: {  	[tilespmem:s25], [sflag:$0x4] =	stream.indirect.gather @!p2 [hbm4b:s1+s21], $0x80, s24, s21, $0xb8;
	[tilespmem:$0x1FBC0] =	vst v63  }
0x94: {  	s22 =	sadd.s32 @!p3 s19, s12;
	_ =	swait.ge @!p0 [sflag:s26], $0x4000  }
0x95: {  	s22 =	sadd.s32 @!p3 $0x10, s22;
	s28 =	simm.s32 @!p3 $0x0;
	[sflag:s26] =	ssyncset.done @!p0 $0x0  }
0x96: {  	s24 =	simm.s32 @!p3 $0x1F940;
	[sflag:s26] =	ssyncadd.s32 @!p0 $0xFFFFC000;
	s26 =	sadd.s32 @!p3 s19, s11  }
0x97: {  	[tilespmem:s24], [sflag:$0x2] =	stream.linear.gather @!p3 [hbm4b:s22+s28], $0x80, $0x38;
	[tilespmem:$0x1FBC0] =	vst v63  }
0x98: {  	s29 =	simm.s32 @!p2 $0x4;
	s22 =	simm.s32 @!p3 $0x1FAC0;
	s26 =	sadd.s32 @!p3 $0x10, s26  }
0x99: {  	[tilespmem:s22], [sflag:$0x2] =	stream.linear.gather @!p3 [hbm4b:s26+s28], $0x80, $0x38;
	[tilespmem:$0x1FBC0] =	vst v63  }
0x9a: {  	_ =	swait.ge @!p2 [sflag:s29], $0x4000  }
0x9b: {  	[sflag:s29] =	ssyncset.done @!p2 $0x0  }
0x9c: {  	s22 =	simm.s32 @!p3 $0x2;
	[sflag:s29] =	ssyncadd.s32 @!p2 $0xFFFFC000  }
0x9d: {  	[spmem:s3] =	stream.indirect.scatter.add.f32 @!p2 [tilespmem:s25], [sflag:$0x7], $0x80, s23, s21, $0xb8;
	[tilespmem:$0x1FBC0] =	vst v63  }
0x9e: {  	_ =	swait.ge @!p3 [sflag:s22], $0x80  }
0x9f: {  	[sflag:s22] =	ssyncset.done @!p3 $0x0  }
0xa0: {  	[sflag:s22] =	ssyncadd.s32 @!p3 $0xFFFFFF80  }
0xa1: {  	p0 =	sge.u32 @!p1 s20, s6;
	s21 =	simm.s32 @!p3 $0x178C0;
	_ =	swait.ge @!p3 [sflag:s22], $0x80  }
0xa2: {  	s23 =	simm.s32 @!p3 $0x80;
	p2 =	por p0, p1;
	[sflag:s22] =	ssyncset.done @!p3 $0x0  }
0xa3: {  	p1 =	sge.u32 s20, s6;
	[sflag:s22] =	ssyncadd.s32 @!p3 $0xFFFFFF80;
	s22 =	simm.s32 @!p2 $0x9  }
0xa4: {  	[tilespmem:s21], [sflag:$0x5] =	stream.indirect.gather @!p3 [hbm4b:s1+s23], $0x80, s24, s23, $0xb8;
	[tilespmem:$0x1FBC0] =	vst v63  }
0xa5: {  	p0 =	sgt.u32 s20, s6;
	s20 =	sadd.s32 @!p1 s19, s12;
	_ =	swait.ge @!p2 [sflag:s22], $0x4000  }
0xa6: {  	s19 =	sadd.s32 @!p1 s19, s11;
	s20 =	sadd.s32 @!p1 $0x20, s20;
	[sflag:s22] =	ssyncset.done @!p2 $0x0  }
0xa7: {  	s21 =	simm.s32 @!p1 $0x1F9C0;
	s23 =	simm.s32 @!p1 $0x0;
	[sflag:s22] =	ssyncadd.s32 @!p2 $0xFFFFC000  }
0xa8: {  	[tilespmem:s21], [sflag:$0x3] =	stream.linear.gather @!p1 [hbm4b:s20+s23], $0x80, $0x38;
	[tilespmem:$0x1FBC0] =	vst v63  }
0xa9: {  	s19 =	sadd.s32 @!p1 $0x20, s19;
	s22 =	simm.s32 @!p0 $0x5;
	s20 =	simm.s32 @!p1 $0x1FB40  }
0xaa: {  	[tilespmem:s20], [sflag:$0x3] =	stream.linear.gather @!p1 [hbm4b:s19+s23], $0x80, $0x38;
	[tilespmem:$0x1FBC0] =	vst v63  }
0xab: {  	_ =	swait.ge @!p0 [sflag:s22], $0x4000  }
0xac: {  	s19 =	simm.s32 @!p0 $0x178C0;
	s20 =	simm.s32 @!p0 $0x80;
	[sflag:s22] =	ssyncset.done @!p0 $0x0  }
0xad: {  	s23 =	simm.s32 @!p0 $0x1FAC0;
	[sflag:s22] =	ssyncadd.s32 @!p0 $0xFFFFC000;
	s22 =	simm.s32 @!p1 $0x3  }
0xae: {  	[spmem:s3] =	stream.indirect.scatter.add.f32 @!p0 [tilespmem:s19], [sflag:$0x8], $0x80, s23, s20, $0xb8;
	[tilespmem:$0x1FBC0] =	vst v63  }
0xaf: {  	_ =	swait.ge @!p1 [sflag:s22], $0x80  }
0xb0: {  	[sflag:s22] =	ssyncset.done @!p1 $0x0  }
0xb1: {  	[sflag:s22] =	ssyncadd.s32 @!p1 $0xFFFFFF80  }
0xb2: {  	_ =	swait.ge @!p1 [sflag:s22], $0x80  }
0xb3: {  	[sflag:s22] =	ssyncset.done @!p1 $0x0  }
0xb4: {  	s19 =	simm.s32 @!p1 $0x1B8C0;
	s20 =	simm.s32 @!p1 $0x80;
	[sflag:s22] =	ssyncadd.s32 @!p1 $0xFFFFFF80  }
0xb5: {  	[tilespmem:s19], [sflag:$0x6] =	stream.indirect.gather @!p1 [hbm4b:s1+s20], $0x80, s21, s20, $0xb8;
	[tilespmem:$0x1FBC0] =	vst v63  }
0xb6: {  	_ =	swait.ge [sflag:s16], $0x4000  }
0xb7: {  	[sflag:s16] =	ssyncset.done $0x0  }
0xb8: {  	[sflag:s16] =	ssyncadd.s32 $0xFFFFC000  }
0xb9: {  	_ =	swait.ge [sflag:s17], $0x4000  }
0xba: {  	[sflag:s17] =	ssyncset.done $0x0  }
0xbb: {  	[sflag:s17] =	ssyncadd.s32 $0xFFFFC000  }
0xbc: {  	_ =	swait.ge [sflag:s18], $0x4000  }
0xbd: {  	[sflag:s18] =	ssyncset.done $0x0  }
0xbe: {  	[sflag:s18] =	ssyncadd.s32 $0xFFFFC000  }
0xbf: {  	[bflag:$0x0] =	sbarrier.arrive $0xFFFF  }
0xc0: {  	[hbm:s8], [sflag:s7] =	dma.local [spmem:s13], $0x2700  }
0xc1: {  	_ =	swait.ge [sflag:s14], $0x2700  }
0xc2: {  	s31 =	sld [smem:$0x7FD];
	_ =	sdelay $0x1  }
0xc3: {  	s4 =	sadd.s32 $0x1, s4;
	[sflag:s14] =	ssyncset.done $0x0  }
0xc4: {  	p0 =	sne.s32 s4, s10;
	[sflag:s14] =	ssyncadd.s32 $0xFFFFD900;
	p2 =	seq.s32 s31, $0x1  }
0xc5: {  	[hbm:s9], [sflag:s7] =	dma.local @!p2 [spmem:s15], $0x100  }
.Ltmp1:
0xc6: {  	_ = 	snop;
	(pc) =	sbr.rel @p0 .LBB2_1-.Ltmp1, $4  }
0xc7: {  	s19 =	simm.s32 @!p2 $0xA  }
0xc8: {  	_ =	swait.ge @!p2 [sflag:s19], $0x100  }
0xc9: {  	[sflag:s19] =	ssyncset.done @!p2 $0x0  }
0xca: {  	[sflag:s19] =	ssyncadd.s32 @!p2 $0xFFFFFF00  }
0xcb: {  	_ =	sfence.sel $0x180000  }
0xcc: {  	[bflag:$0x0] =	sbarrier.arrive $0xFFFF  }
0xcd: {  	p0 =	sne.s32 s0, $0x0;
	_ =	strace $0x90000047  }
0xce: {  	s0 =	sadd.s32 @!p0 $0x100000, s2;
	[bflag:$0x2] =	sbarrier.arrive $0xFFFF  }
0xcf: {  	[sflag:s0] =	ssyncadd.tile.s32 @!p0 $0x1;
	_ =	shalt  }
.Lfunc_end2:
_tile_overlayer_lowered:
.L_overlay_start_2:
0xd0: {  	(tag) =	ssettag $0x2  }
0xd1: {  	s0 =	rddreg [dreg:$0x0];
	s2 =	stileid.u32  }
0xd2: {  	s1 =	rddreg [dreg:$0x1];
	p0 =	sne.s32 s2, $0x0  }
0xd3: {  	s3 =	rddreg [dreg:$0x2];
	[bflag:$0x3] =	sbarrier.arrive $0xFFFF;
	s2 =	simm.s32 @!p0 $0x1C0A  }
0xd4: {  	[timem:s3], [sflag:s2] =	dma.local @!p0 [hbm:s0], s1  }
0xd5: {  	s0 =	simm.s32 @!p0 $0xA  }
0xd6: {  	_ =	swait.ge @!p0 [sflag:s0], s1  }
0xd7: {  	s1 =	ssub.s32 @!p0 $0x0, s1;
	[sflag:s0] =	ssyncset.done @!p0 $0x0  }
0xd8: {  	[sflag:s0] =	ssyncadd.s32 @!p0 s1  }
0xd9: {  	[bflag:$0x3] =	sbarrier.arrive $0xFFFF  }
0xda: {  	_ =	shalt  }

</sc_bundles>
